<compile_context>
chip_gen: v7x
topology: tpu7x:2x2x1
jax: 0.10.2.dev20260603
libtpu: 0.0.44.dev20260713+nightly
codegen_flags: <defaults>
</compile_context>

<pallas_src>
import functools

import jax
import jax.numpy as jnp
from jax import lax
from jax.experimental import pallas as pl
from jax.experimental.pallas import tpu as pltpu
from jax.experimental.pallas import tpu_sc as plsc

_NUM_CLASSES = 6
_DIM = 64
_BATCH = 16384
_NC = 2
_NS = 16
_L = 16
_NW = _NC * _NS
_BPW = _BATCH // _NW
_NRING = 5
_CPR = 64
_WB = _NUM_CLASSES * _DIM * _L + 128

_mesh = plsc.VectorSubcoreMesh(
    core_axis_name="c", subcore_axis_name="s", num_cores=_NC, num_subcores=_NS
)


_GDN = lax.GatherDimensionNumbers(
    offset_dims=(), collapsed_slice_dims=(0,), start_index_map=(0,)
)


def _take16(vec, idxvec):
    return lax.gather(
        vec, idxvec[:, None], _GDN, (1,),
        mode=lax.GatherScatterMode.PROMISE_IN_BOUNDS,
    )


def _lane(vec, pos):
    return _take16(vec, jnp.full((_L,), pos, jnp.int32))[0]


@functools.partial(
    pl.kernel,
    mesh=_mesh,
    out_type=jax.ShapeDtypeStruct((_BATCH, _NUM_CLASSES), jnp.float32),
    scratch_types=[
        pltpu.VMEM((_BPW + _L,), jnp.int32),
        pltpu.VMEM((_BPW + _L,), jnp.int32),
        pltpu.VMEM((_BPW + _L,), jnp.int32),
        pltpu.VMEM((_NRING, 8, 8, 128), jnp.float32),
        pltpu.VMEM((_CPR, _DIM), jnp.float32),
        pltpu.VMEM((_WB,), jnp.float32),
        pltpu.VMEM((_BPW, _NUM_CLASSES), jnp.float32),
        pltpu.SemaphoreType.DMA((_NRING,)),
        pltpu.SemaphoreType.DMA,
    ],
    compiler_params=pltpu.CompilerParams(
        needs_layout_passes=False, internal_scratch_in_bytes=65536
    ),
)
def _emb_linear(sidx_hbm, perm_hbm, embt_hbm, wb_hbm, out_hbm,
                sidx_v, perm_v, blist_v, ring_v, rows_v, wb_v, out_v,
                gsem, osem):
    wid = lax.axis_index("s") * _NC + lax.axis_index("c")
    base = wid * _BPW

    pltpu.sync_copy(sidx_hbm.at[pl.ds(base, _BPW)], sidx_v.at[pl.ds(0, _BPW)])
    pltpu.sync_copy(perm_hbm.at[pl.ds(base, _BPW)], perm_v.at[pl.ds(0, _BPW)])
    pltpu.sync_copy(wb_hbm, wb_v)

    iota = lax.iota(jnp.int32, _L)
    rot = jnp.where(iota == 0, 15, iota - 1)

    def scan_body(t, carry):
        nb, last_b = carry
        bv = lax.shift_right_logical(sidx_v[pl.ds(t * _L, _L)], 7)
        prev = jnp.where(iota == 0, jnp.full((_L,), last_b, jnp.int32),
                         _take16(bv, rot))
        nm = bv != prev
        plsc.store_compressed(blist_v.at[pl.ds(nb, _L)], bv, mask=nm)
        cnt = plsc.all_reduce_population_count(nm)
        return nb + cnt[0], _lane(bv, 15)

    nblk, _ = lax.fori_loop(0, _BPW // _L, scan_body, (0, -1))

    def fire(j):
        bv = blist_v[pl.ds(lax.bitwise_and(j, ~(_L - 1)), _L)]
        bid = _lane(bv, lax.bitwise_and(j, _L - 1))
        slot = lax.rem(j, _NRING)

        def tile_body(jt, carry):
            pltpu.async_copy(
                embt_hbm.at[jt, :, pl.ds(bid * 128, 128)],
                ring_v.at[slot, jt], gsem.at[slot],
            )
            return carry

        lax.fori_loop(0, 8, tile_body, 0)

    def prime_body(j, carry):
        fire(j)
        return carry

    lax.fori_loop(0, jnp.minimum(_NRING - 1, nblk), prime_body, 0)

    jt_vecs = [lax.shift_right_logical(iota + 16 * q, 3) for q in range(4)]
    sub_vecs = [lax.bitwise_and(iota + 16 * q, 7) for q in range(4)]

    def chunk_body(ck, carry):
        def ext_body(kk, carry2):
            cur_bid, done = carry2
            k = ck * _CPR + kk
            ka = lax.bitwise_and(k, ~(_L - 1))
            kl = lax.bitwise_and(k, _L - 1)
            iv = sidx_v[pl.ds(ka, _L)]
            idx_k = _lane(iv, kl)
            bid_k = lax.shift_right_logical(idx_k, 7)
            new = bid_k != cur_bid

            @pl.when(new)
            def _():
                slot_d = lax.rem(done, _NRING)
                pltpu.make_async_copy(
                    embt_hbm.at[:, :, pl.ds(0, 128)],
                    ring_v.at[slot_d], gsem.at[slot_d],
                ).wait()

                @pl.when(done + (_NRING - 1) < nblk)
                def _():
                    fire(done + (_NRING - 1))

            done = jnp.where(new, done + 1, done)
            slot = lax.rem(done - 1, _NRING)
            lane = lax.bitwise_and(idx_k, 127)
            lane_splat = jnp.full((_L,), lane, jnp.int32)
            slot_splat = jnp.full((_L,), slot, jnp.int32)
            row_splat = jnp.full((_L,), kk, jnp.int32)
            for q in range(4):
                vq = plsc.load_gather(
                    ring_v, [slot_splat, jt_vecs[q], sub_vecs[q], lane_splat]
                )
                plsc.store_scatter(rows_v, [row_splat, iota + q * _L], vq)
            @pl.when(kl == _L - 1)
            def _():
                rows = (kk - (_L - 1)) + iota
                accs = [
                    wb_v[pl.ds(_NUM_CLASSES * _DIM * _L + c * _L, _L)]
                    for c in range(_NUM_CLASSES)
                ]
                for d in range(_DIM):
                    col = jnp.full((_L,), d, jnp.int32)
                    v = plsc.load_gather(rows_v, [rows, col])
                    for c in range(_NUM_CLASSES):
                        accs[c] = accs[c] + v * wb_v[pl.ds((c * _DIM + d) * _L, _L)]
                obase = ck * _CPR + kk - (_L - 1)
                orow = obase + iota
                for c in range(_NUM_CLASSES):
                    plsc.store_scatter(
                        out_v, [orow, jnp.full((_L,), c, jnp.int32)], accs[c]
                    )
                pvv = perm_v[pl.ds(obase, _L)]

                def w_body(l, c2):
                    p = _lane(pvv, l)
                    pltpu.async_copy(out_v.at[obase + l], out_hbm.at[p], osem)
                    return c2

                lax.fori_loop(0, _L, w_body, 0)

            return bid_k, done

        carry = lax.fori_loop(0, _CPR, ext_body, carry)
        return carry

    lax.fori_loop(0, _BPW // _CPR, chunk_body, (-1, 0))

    pltpu.make_async_copy(
        out_v, out_hbm.at[pl.ds(0, _BPW), :], osem
    ).wait()


def kernel(idx, emb, W, b):
    idx32 = idx.astype(jnp.int32)
    sidx, perm = lax.sort_key_val(idx32, lax.iota(jnp.int32, _BATCH))
    embt = emb.T.reshape(8, 8, 1000000)
    wsp = jnp.broadcast_to(W.T[:, :, None], (_NUM_CLASSES, _DIM, _L)).reshape(-1)
    bsp = jnp.broadcast_to(b[:, None], (_NUM_CLASSES, _L)).reshape(-1)
    bsp = jnp.pad(bsp, (0, 128 - _NUM_CLASSES * _L))
    wb = jnp.concatenate([wsp, bsp])
    return _emb_linear(sidx, perm, embt, wb)

# --- scband reference (transcript-rebuilt; emitter-appended) ---
"""Pipeline reference for scband-subject-embedding-model-11836929867947 (READ-ONLY COPY).

The authoritative reference and input builder live on the scoring server;
editing this copy changes nothing except your own understanding.
"""

import jax, jax.numpy as jnp
import numpy as np

NUM_SUBJECTS = 1000000
NUM_CLASSES = 6
DIM = 64
BATCH = 16384

def setup_inputs(seed: int = 0) -> dict:
    key = jax.random.key(seed)
    k_idx, k_emb, k_w, k_b = jax.random.split(key, 4)
    idx = jax.random.randint(k_idx, (BATCH,), 0, NUM_SUBJECTS, dtype=jnp.int64 if jax.config.jax_enable_x64 else jnp.int32)
    emb = jax.random.normal(k_emb, (NUM_SUBJECTS, DIM), dtype=jnp.float32)
    W = jax.random.normal(k_w, (DIM, NUM_CLASSES), dtype=jnp.float32) * (1.0 / np.sqrt(DIM))
    b = jax.random.normal(k_b, (NUM_CLASSES,), dtype=jnp.float32) * 0.01
    return {"idx": idx, "emb": emb, "W": W, "b": b}

def reference(idx, emb, W, b):
    # nn.Embedding lookup -> gather
    e = jnp.take(emb, idx, axis=0)  # [B, DIM]
    # nn.Linear: x @ W + b
    out = e @ W + b  # [B, NUM_CLASSES]
    return out

if __name__ == "__main__":
    import jax
    _d = setup_inputs()
    print(jax.jit(kernel)(*tuple(_d.values())))

</pallas_src>

<mosaic_0001>
#map = affine_map<(d0, d1) -> (0)>
#map1 = affine_map<(d0, d1) -> (0, 0, 0)>
#map2 = affine_map<(d0, d1) -> (0, 0)>
module attributes {stable_mosaic.version = 14 : i64} {
  func.func @_emb_linear(%arg0: i32, %arg1: i32, %arg2: memref<16384xi32, #tpu.memory_space<hbm>>, %arg3: memref<16384xi32, #tpu.memory_space<hbm>>, %arg4: memref<8x8x1000000xf32, #tpu.memory_space<hbm>>, %arg5: memref<6272xf32, #tpu.memory_space<hbm>>, %arg6: memref<16384x6xf32, #tpu.memory_space<hbm>>, %arg7: memref<528xi32, #tpu.memory_space<vmem>>, %arg8: memref<528xi32, #tpu.memory_space<vmem>>, %arg9: memref<528xi32, #tpu.memory_space<vmem>>, %arg10: memref<5x8x8x128xf32, #tpu.memory_space<vmem>>, %arg11: memref<64x64xf32, #tpu.memory_space<vmem>>, %arg12: memref<6272xf32, #tpu.memory_space<vmem>>, %arg13: memref<512x6xf32, #tpu.memory_space<vmem>>, %arg14: memref<5x!tpu.dma_semaphore, #tpu.memory_space<semaphore_mem>>, %arg15: memref<!tpu.dma_semaphore, #tpu.memory_space<semaphore_mem>>) attributes {dimension_semantics = [#tpu.dimension_semantics<core_parallel>, #tpu.dimension_semantics<subcore_parallel>], iteration_bounds = array<i64: 2, 16>, scalar_prefetch = 0 : i64, scratch_operands = 9 : i64, tpu.core_type = #tpu.core_type<sc_vector_subcore>, window_params = [{transform_indices = #map}, {transform_indices = #map}, {transform_indices = #map1}, {transform_indices = #map}, {transform_indices = #map2}]} {
    %mul3A = arith.constant 2 : i32
    %mul3A_0 = arith.muli %arg1, %mul3A : i32
    %add3A = arith.addi %mul3A_0, %arg0 : i32
    %mul3A_1 = arith.constant 512 : i32
    %mul3A_2 = arith.muli %add3A, %mul3A_1 : i32
    "tpu.region"() ({
      %run_scoped3A = tpu.sem_alloc : memref<!tpu.dma_semaphore, #tpu.memory_space<semaphore_mem>>
      %dma_start3A = arith.constant 0 : i32
      %dma_start3A_83 = tpu.memref_slice %arg7[%dma_start3A] : memref<528xi32, #tpu.memory_space<vmem>> -> memref<512xi32, #tpu.memory_space<vmem>>
      %dma_start3A_84 = tpu.memref_slice %arg2[%mul3A_2] : memref<16384xi32, #tpu.memory_space<hbm>> -> memref<512xi32, #tpu.memory_space<hbm>>
      %dma_start3A_85 = arith.constant 0 : i32
      %dma_start3A_86 = tpu.memref_slice %arg7[%dma_start3A_85] : memref<528xi32, #tpu.memory_space<vmem>> -> memref<512xi32, #tpu.memory_space<vmem>>
      %dma_start3A_87 = tpu.memref_slice %arg2[%mul3A_2] : memref<16384xi32, #tpu.memory_space<hbm>> -> memref<512xi32, #tpu.memory_space<hbm>>
      tpu.enqueue_dma source(%dma_start3A_87 : memref<512xi32, #tpu.memory_space<hbm>>) target(%dma_start3A_86 : memref<512xi32, #tpu.memory_space<vmem>>) target_semaphore(%run_scoped3A : memref<!tpu.dma_semaphore, #tpu.memory_space<semaphore_mem>>)
      %dma_wait3A_88 = arith.constant 0 : i32
      %dma_wait3A_89 = tpu.memref_slice %arg7[%dma_wait3A_88] : memref<528xi32, #tpu.memory_space<vmem>> -> memref<512xi32, #tpu.memory_space<vmem>>
      %dma_wait3A_90 = tpu.memref_slice %arg2[%mul3A_2] : memref<16384xi32, #tpu.memory_space<hbm>> -> memref<512xi32, #tpu.memory_space<hbm>>
      %dma_wait3A_91 = arith.constant 0 : i32
      %dma_wait3A_92 = tpu.memref_slice %arg7[%dma_wait3A_91] : memref<528xi32, #tpu.memory_space<vmem>> -> memref<512xi32, #tpu.memory_space<vmem>>
      %dma_wait3A_93 = tpu.memref_slice %arg2[%mul3A_2] : memref<16384xi32, #tpu.memory_space<hbm>> -> memref<512xi32, #tpu.memory_space<hbm>>
      tpu.wait_dma2 semaphore(%run_scoped3A : memref<!tpu.dma_semaphore, #tpu.memory_space<semaphore_mem>>) src(%dma_wait3A_93 : memref<512xi32, #tpu.memory_space<hbm>>) dst(%dma_wait3A_92 : memref<512xi32, #tpu.memory_space<vmem>>)
      tpu.yield
    }) : () -> ()
    "tpu.region"() ({
      %run_scoped3A = tpu.sem_alloc : memref<!tpu.dma_semaphore, #tpu.memory_space<semaphore_mem>>
      %dma_start3A = arith.constant 0 : i32
      %dma_start3A_83 = tpu.memref_slice %arg8[%dma_start3A] : memref<528xi32, #tpu.memory_space<vmem>> -> memref<512xi32, #tpu.memory_space<vmem>>
      %dma_start3A_84 = tpu.memref_slice %arg3[%mul3A_2] : memref<16384xi32, #tpu.memory_space<hbm>> -> memref<512xi32, #tpu.memory_space<hbm>>
      %dma_start3A_85 = arith.constant 0 : i32
      %dma_start3A_86 = tpu.memref_slice %arg8[%dma_start3A_85] : memref<528xi32, #tpu.memory_space<vmem>> -> memref<512xi32, #tpu.memory_space<vmem>>
      %dma_start3A_87 = tpu.memref_slice %arg3[%mul3A_2] : memref<16384xi32, #tpu.memory_space<hbm>> -> memref<512xi32, #tpu.memory_space<hbm>>
      tpu.enqueue_dma source(%dma_start3A_87 : memref<512xi32, #tpu.memory_space<hbm>>) target(%dma_start3A_86 : memref<512xi32, #tpu.memory_space<vmem>>) target_semaphore(%run_scoped3A : memref<!tpu.dma_semaphore, #tpu.memory_space<semaphore_mem>>)
      %dma_wait3A_88 = arith.constant 0 : i32
      %dma_wait3A_89 = tpu.memref_slice %arg8[%dma_wait3A_88] : memref<528xi32, #tpu.memory_space<vmem>> -> memref<512xi32, #tpu.memory_space<vmem>>
      %dma_wait3A_90 = tpu.memref_slice %arg3[%mul3A_2] : memref<16384xi32, #tpu.memory_space<hbm>> -> memref<512xi32, #tpu.memory_space<hbm>>
      %dma_wait3A_91 = arith.constant 0 : i32
      %dma_wait3A_92 = tpu.memref_slice %arg8[%dma_wait3A_91] : memref<528xi32, #tpu.memory_space<vmem>> -> memref<512xi32, #tpu.memory_space<vmem>>
      %dma_wait3A_93 = tpu.memref_slice %arg3[%mul3A_2] : memref<16384xi32, #tpu.memory_space<hbm>> -> memref<512xi32, #tpu.memory_space<hbm>>
      tpu.wait_dma2 semaphore(%run_scoped3A : memref<!tpu.dma_semaphore, #tpu.memory_space<semaphore_mem>>) src(%dma_wait3A_93 : memref<512xi32, #tpu.memory_space<hbm>>) dst(%dma_wait3A_92 : memref<512xi32, #tpu.memory_space<vmem>>)
      tpu.yield
    }) : () -> ()
    "tpu.region"() ({
      %run_scoped3A = tpu.sem_alloc : memref<!tpu.dma_semaphore, #tpu.memory_space<semaphore_mem>>
      tpu.enqueue_dma source(%arg5 : memref<6272xf32, #tpu.memory_space<hbm>>) target(%arg12 : memref<6272xf32, #tpu.memory_space<vmem>>) target_semaphore(%run_scoped3A : memref<!tpu.dma_semaphore, #tpu.memory_space<semaphore_mem>>)
      tpu.wait_dma2 semaphore(%run_scoped3A : memref<!tpu.dma_semaphore, #tpu.memory_space<semaphore_mem>>) src(%arg5 : memref<6272xf32, #tpu.memory_space<hbm>>) dst(%arg12 : memref<6272xf32, #tpu.memory_space<vmem>>)
      tpu.yield
    }) : () -> ()
    %iota3A = tpu.iota {dimensions = array<i32: 0>} : vector<16xi32>
    %eq3A = arith.constant 0 : i32
    %eq3A_3 = vector.broadcast %eq3A : i32 to vector<16xi32>
    %eq3A_4 = arith.cmpi eq, %iota3A, %eq3A_3 : vector<16xi32>
    %sub3A = arith.constant 1 : i32
    %sub3A_5 = vector.broadcast %sub3A : i32 to vector<16xi32>
    %sub3A_6 = arith.subi %iota3A, %sub3A_5 : vector<16xi32>
    %jit3A = arith.constant 15 : i32
    %broadcast_in_dim3A = vector.broadcast %jit3A : i32 to vector<16xi32>
    %select_n3A = arith.select %eq3A_4, %broadcast_in_dim3A, %sub3A_6 : vector<16xi1>, vector<16xi32>
    %scan3A = arith.constant 0 : i32
    %scan3A_7 = arith.constant -1 : i32
    %scan3A_8 = arith.constant 0 : i32
    %scan3A_9 = arith.constant 32 : i32
    %scan3A_10 = arith.addi %scan3A_8, %scan3A_9 : i32
    %scan3A_11 = arith.constant 1 : i32
    %scan3A_12:2 = scf.for %scan3A_83 = %scan3A_8 to %scan3A_10 step %scan3A_11 iter_args(%scan3A_84 = %scan3A, %scan3A_85 = %scan3A_7) -> (i32, i32)  : i32 {
      %mul3A_86 = arith.constant 16 : i32
      %mul3A_87 = arith.muli %scan3A_83, %mul3A_86 : i32
      %get3A = arith.index_cast %mul3A_87 : i32 to index
      %get3A_88 = tpu.vector_load %arg7[%get3A] {strides = array<i32>} : memref<528xi32, #tpu.memory_space<vmem>>, vector<16xi32>,
      %shift_right_logical3A_89 = arith.constant 7 : i32
      %shift_right_logical3A_90 = vector.broadcast %shift_right_logical3A_89 : i32 to vector<16xi32>
      %shift_right_logical3A_91 = arith.shrui %get3A_88, %shift_right_logical3A_90 : vector<16xi32>
      %eq3A_92 = arith.constant 0 : i32
      %eq3A_93 = vector.broadcast %eq3A_92 : i32 to vector<16xi32>
      %eq3A_94 = arith.cmpi eq, %iota3A, %eq3A_93 : vector<16xi32>
      %broadcast_in_dim3A_95 = vector.broadcast %scan3A_85 : i32 to vector<16xi32>
      %broadcast_in_dim3A_96 = vector.shape_cast %select_n3A : vector<16xi32> to vector<16x1xi32>
      %gather3A = vector.shape_cast %broadcast_in_dim3A_96 : vector<16x1xi32> to vector<16xi32>
      %gather3A_97 = tpu.dynamic_gather %shift_right_logical3A_91[%gather3A] in [0] : vector<16xi32>, vector<16xi32> -> vector<16xi32>
      %select_n3A_98 = arith.select %eq3A_94, %broadcast_in_dim3A_95, %gather3A_97 : vector<16xi1>, vector<16xi32>
      %ne3A = arith.cmpi ne, %shift_right_logical3A_91, %select_n3A_98 : vector<16xi32>
      %swap3A = arith.index_cast %scan3A_84 : i32 to index
      %swap3A_99 = tpu.vector_load %arg9[%swap3A] masked %ne3A {strides = array<i32>} : memref<528xi32, #tpu.memory_space<vmem>>, vector<16xi32>, vector<16xi1>
      tpu.vector_store %arg9[%swap3A], %shift_right_logical3A_91 masked %ne3A {strides = array<i32>} : memref<528xi32, #tpu.memory_space<vmem>>, vector<16xi32>, vector<16xi1>
      %all_reduce_population_count3A = tpu.all_reduce %ne3A {dim = 0 : i64, kind = #tpu.reduction_kind<sum>} : vector<16xi1> -> vector<16xi32>
      %slice3A = vector.extract_strided_slice %all_reduce_population_count3A {offsets = [0], sizes = [1], strides = [1]} : vector<16xi32> to vector<1xi32>
      %squeeze3A = vector.extract %slice3A[0] : i32 from vector<1xi32>
      %add3A_100 = arith.addi %scan3A_84, %squeeze3A : i32
      %broadcast_in_dim3A_101 = arith.constant 15 : i32
      %broadcast_in_dim3A_102 = vector.broadcast %broadcast_in_dim3A_101 : i32 to vector<16xi32>
      %broadcast_in_dim3A_103 = vector.shape_cast %broadcast_in_dim3A_102 : vector<16xi32> to vector<16x1xi32>
      %gather3A_104 = vector.shape_cast %broadcast_in_dim3A_103 : vector<16x1xi32> to vector<16xi32>
      %gather3A_105 = tpu.dynamic_gather %shift_right_logical3A_91[%gather3A_104] in [0] : vector<16xi32>, vector<16xi32> -> vector<16xi32>
      %slice3A_106 = vector.extract_strided_slice %gather3A_105 {offsets = [0], sizes = [1], strides = [1]} : vector<16xi32> to vector<1xi32>
      %squeeze3A_107 = vector.extract %slice3A_106[0] : i32 from vector<1xi32>
      scf.yield %add3A_100, %squeeze3A_107 : i32, i32
    }
    %scan3A_13 = arith.constant 32 : i32
    %min3A = arith.constant 4 : i32
    %min3A_14 = arith.minsi %min3A, %scan3A_12#0 : i32
    %while3A = arith.constant 0 : i32
    %while3A_15 = arith.constant 0 : i32
    %while3A_16 = arith.subi %min3A_14, %while3A_15 : i32
    %while3A_17 = arith.addi %while3A_15, %while3A_16 : i32
    %while3A_18 = arith.constant 1 : i32
    %while3A_19 = arith.divsi %while3A_16, %while3A_18 : i32
    %while3A_20 = arith.muli %while3A_19, %while3A_18 : i32
    %while3A_21 = arith.addi %while3A_15, %while3A_20 : i32
    %while3A_22 = arith.constant 1 : i32
    scf.for %while3A_83 = %while3A_15 to %while3A_21 step %while3A_22  : i32 {
      %and3A_84 = arith.constant -16 : i32
      %and3A_85 = arith.andi %while3A_83, %and3A_84 : i32
      %get3A = arith.index_cast %and3A_85 : i32 to index
      %get3A_86 = tpu.vector_load %arg9[%get3A] {strides = array<i32>} : memref<528xi32, #tpu.memory_space<vmem>>, vector<16xi32>,
      %and3A_87 = arith.constant 15 : i32
      %and3A_88 = arith.andi %while3A_83, %and3A_87 : i32
      %broadcast_in_dim3A_89 = vector.broadcast %and3A_88 : i32 to vector<16xi32>
      %broadcast_in_dim3A_90 = vector.shape_cast %broadcast_in_dim3A_89 : vector<16xi32> to vector<16x1xi32>
      %gather3A = vector.shape_cast %broadcast_in_dim3A_90 : vector<16x1xi32> to vector<16xi32>
      %gather3A_91 = tpu.dynamic_gather %get3A_86[%gather3A] in [0] : vector<16xi32>, vector<16xi32> -> vector<16xi32>
      %slice3A = vector.extract_strided_slice %gather3A_91 {offsets = [0], sizes = [1], strides = [1]} : vector<16xi32> to vector<1xi32>
      %squeeze3A = vector.extract %slice3A[0] : i32 from vector<1xi32>
      %rem3A = arith.constant 5 : i32
      %rem3A_92 = arith.remsi %while3A_83, %rem3A : i32
      %scan3A_93 = arith.constant 0 : i32
      %scan3A_94 = arith.constant 0 : i32
      %scan3A_95 = arith.constant 8 : i32
      %scan3A_96 = arith.addi %scan3A_94, %scan3A_95 : i32
      %scan3A_97 = arith.constant 1 : i32
      scf.for %scan3A_99 = %scan3A_94 to %scan3A_96 step %scan3A_97  : i32 {
        %mul3A_100 = arith.constant 128 : i32
        %mul3A_101 = arith.muli %squeeze3A, %mul3A_100 : i32
        %dma_start3A = arith.constant 0 : i32
        %dma_start3A_102 = arith.constant 0 : i32
        %dma_start3A_103 = tpu.memref_slice %arg10[%rem3A_92, %scan3A_99, %dma_start3A, %dma_start3A_102] : memref<5x8x8x128xf32, #tpu.memory_space<vmem>> -> memref<1x1x8x128xf32, #tpu.memory_space<vmem>>
        %dma_start3A_104 = tpu.memref_squeeze %dma_start3A_103 : memref<1x1x8x128xf32, #tpu.memory_space<vmem>> -> memref<8x128xf32, #tpu.memory_space<vmem>>
        %dma_start3A_105 = arith.constant 0 : i32
        %dma_start3A_106 = tpu.memref_slice %arg4[%scan3A_99, %dma_start3A_105, %mul3A_101] : memref<8x8x1000000xf32, #tpu.memory_space<hbm>> -> memref<1x8x128xf32, #tpu.memory_space<hbm>>
        %dma_start3A_107 = tpu.memref_squeeze %dma_start3A_106 : memref<1x8x128xf32, #tpu.memory_space<hbm>> -> memref<8x128xf32, #tpu.memory_space<hbm>>
        %dma_start3A_108 = tpu.memref_slice %arg14[%rem3A_92] : memref<5x!tpu.dma_semaphore, #tpu.memory_space<semaphore_mem>> -> memref<1x!tpu.dma_semaphore, #tpu.memory_space<semaphore_mem>>
        %dma_start3A_109 = tpu.memref_squeeze %dma_start3A_108 : memref<1x!tpu.dma_semaphore, #tpu.memory_space<semaphore_mem>> -> memref<!tpu.dma_semaphore, #tpu.memory_space<semaphore_mem>>
        %dma_start3A_110 = arith.constant 0 : i32
        %dma_start3A_111 = arith.constant 0 : i32
        %dma_start3A_112 = tpu.memref_slice %arg10[%rem3A_92, %scan3A_99, %dma_start3A_110, %dma_start3A_111] : memref<5x8x8x128xf32, #tpu.memory_space<vmem>> -> memref<1x1x8x128xf32, #tpu.memory_space<vmem>>
        %dma_start3A_113 = tpu.memref_squeeze %dma_start3A_112 : memref<1x1x8x128xf32, #tpu.memory_space<vmem>> -> memref<8x128xf32, #tpu.memory_space<vmem>>
        %dma_start3A_114 = arith.constant 0 : i32
        %dma_start3A_115 = tpu.memref_slice %arg4[%scan3A_99, %dma_start3A_114, %mul3A_101] : memref<8x8x1000000xf32, #tpu.memory_space<hbm>> -> memref<1x8x128xf32, #tpu.memory_space<hbm>>
        %dma_start3A_116 = tpu.memref_squeeze %dma_start3A_115 : memref<1x8x128xf32, #tpu.memory_space<hbm>> -> memref<8x128xf32, #tpu.memory_space<hbm>>
        tpu.enqueue_dma source(%dma_start3A_116 : memref<8x128xf32, #tpu.memory_space<hbm>>) target(%dma_start3A_113 : memref<8x128xf32, #tpu.memory_space<vmem>>) target_semaphore(%dma_start3A_109 : memref<!tpu.dma_semaphore, #tpu.memory_space<semaphore_mem>>)
      }
      %scan3A_98 = arith.constant 8 : i32
    }
    %while3A_23 = arith.constant 1 : i32
    scf.for %while3A_83 = %while3A_21 to %while3A_17 step %while3A_23  : i32 {
      %and3A_84 = arith.constant -16 : i32
      %and3A_85 = arith.andi %while3A_83, %and3A_84 : i32
      %get3A = arith.index_cast %and3A_85 : i32 to index
      %get3A_86 = tpu.vector_load %arg9[%get3A] {strides = array<i32>} : memref<528xi32, #tpu.memory_space<vmem>>, vector<16xi32>,
      %and3A_87 = arith.constant 15 : i32
      %and3A_88 = arith.andi %while3A_83, %and3A_87 : i32
      %broadcast_in_dim3A_89 = vector.broadcast %and3A_88 : i32 to vector<16xi32>
      %broadcast_in_dim3A_90 = vector.shape_cast %broadcast_in_dim3A_89 : vector<16xi32> to vector<16x1xi32>
      %gather3A = vector.shape_cast %broadcast_in_dim3A_90 : vector<16x1xi32> to vector<16xi32>
      %gather3A_91 = tpu.dynamic_gather %get3A_86[%gather3A] in [0] : vector<16xi32>, vector<16xi32> -> vector<16xi32>
      %slice3A = vector.extract_strided_slice %gather3A_91 {offsets = [0], sizes = [1], strides = [1]} : vector<16xi32> to vector<1xi32>
      %squeeze3A = vector.extract %slice3A[0] : i32 from vector<1xi32>
      %rem3A = arith.constant 5 : i32
      %rem3A_92 = arith.remsi %while3A_83, %rem3A : i32
      %scan3A_93 = arith.constant 0 : i32
      %scan3A_94 = arith.constant 0 : i32
      %scan3A_95 = arith.constant 8 : i32
      %scan3A_96 = arith.addi %scan3A_94, %scan3A_95 : i32
      %scan3A_97 = arith.constant 1 : i32
      scf.for %scan3A_99 = %scan3A_94 to %scan3A_96 step %scan3A_97  : i32 {
        %mul3A_100 = arith.constant 128 : i32
        %mul3A_101 = arith.muli %squeeze3A, %mul3A_100 : i32
        %dma_start3A = arith.constant 0 : i32
        %dma_start3A_102 = arith.constant 0 : i32
        %dma_start3A_103 = tpu.memref_slice %arg10[%rem3A_92, %scan3A_99, %dma_start3A, %dma_start3A_102] : memref<5x8x8x128xf32, #tpu.memory_space<vmem>> -> memref<1x1x8x128xf32, #tpu.memory_space<vmem>>
        %dma_start3A_104 = tpu.memref_squeeze %dma_start3A_103 : memref<1x1x8x128xf32, #tpu.memory_space<vmem>> -> memref<8x128xf32, #tpu.memory_space<vmem>>
        %dma_start3A_105 = arith.constant 0 : i32
        %dma_start3A_106 = tpu.memref_slice %arg4[%scan3A_99, %dma_start3A_105, %mul3A_101] : memref<8x8x1000000xf32, #tpu.memory_space<hbm>> -> memref<1x8x128xf32, #tpu.memory_space<hbm>>
        %dma_start3A_107 = tpu.memref_squeeze %dma_start3A_106 : memref<1x8x128xf32, #tpu.memory_space<hbm>> -> memref<8x128xf32, #tpu.memory_space<hbm>>
        %dma_start3A_108 = tpu.memref_slice %arg14[%rem3A_92] : memref<5x!tpu.dma_semaphore, #tpu.memory_space<semaphore_mem>> -> memref<1x!tpu.dma_semaphore, #tpu.memory_space<semaphore_mem>>
        %dma_start3A_109 = tpu.memref_squeeze %dma_start3A_108 : memref<1x!tpu.dma_semaphore, #tpu.memory_space<semaphore_mem>> -> memref<!tpu.dma_semaphore, #tpu.memory_space<semaphore_mem>>
        %dma_start3A_110 = arith.constant 0 : i32
        %dma_start3A_111 = arith.constant 0 : i32
        %dma_start3A_112 = tpu.memref_slice %arg10[%rem3A_92, %scan3A_99, %dma_start3A_110, %dma_start3A_111] : memref<5x8x8x128xf32, #tpu.memory_space<vmem>> -> memref<1x1x8x128xf32, #tpu.memory_space<vmem>>
        %dma_start3A_113 = tpu.memref_squeeze %dma_start3A_112 : memref<1x1x8x128xf32, #tpu.memory_space<vmem>> -> memref<8x128xf32, #tpu.memory_space<vmem>>
        %dma_start3A_114 = arith.constant 0 : i32
        %dma_start3A_115 = tpu.memref_slice %arg4[%scan3A_99, %dma_start3A_114, %mul3A_101] : memref<8x8x1000000xf32, #tpu.memory_space<hbm>> -> memref<1x8x128xf32, #tpu.memory_space<hbm>>
        %dma_start3A_116 = tpu.memref_squeeze %dma_start3A_115 : memref<1x8x128xf32, #tpu.memory_space<hbm>> -> memref<8x128xf32, #tpu.memory_space<hbm>>
        tpu.enqueue_dma source(%dma_start3A_116 : memref<8x128xf32, #tpu.memory_space<hbm>>) target(%dma_start3A_113 : memref<8x128xf32, #tpu.memory_space<vmem>>) target_semaphore(%dma_start3A_109 : memref<!tpu.dma_semaphore, #tpu.memory_space<semaphore_mem>>)
      }
      %scan3A_98 = arith.constant 8 : i32
    }
    %add3A_24 = arith.constant 0 : i32
    %add3A_25 = vector.broadcast %add3A_24 : i32 to vector<16xi32>
    %add3A_26 = arith.addi %iota3A, %add3A_25 : vector<16xi32>
    %shift_right_logical3A = arith.constant 3 : i32
    %shift_right_logical3A_27 = vector.broadcast %shift_right_logical3A : i32 to vector<16xi32>
    %shift_right_logical3A_28 = arith.shrui %add3A_26, %shift_right_logical3A_27 : vector<16xi32>
    %add3A_29 = arith.constant 16 : i32
    %add3A_30 = vector.broadcast %add3A_29 : i32 to vector<16xi32>
    %add3A_31 = arith.addi %iota3A, %add3A_30 : vector<16xi32>
    %shift_right_logical3A_32 = arith.constant 3 : i32
    %shift_right_logical3A_33 = vector.broadcast %shift_right_logical3A_32 : i32 to vector<16xi32>
    %shift_right_logical3A_34 = arith.shrui %add3A_31, %shift_right_logical3A_33 : vector<16xi32>
    %add3A_35 = arith.constant 32 : i32
    %add3A_36 = vector.broadcast %add3A_35 : i32 to vector<16xi32>
    %add3A_37 = arith.addi %iota3A, %add3A_36 : vector<16xi32>
    %shift_right_logical3A_38 = arith.constant 3 : i32
    %shift_right_logical3A_39 = vector.broadcast %shift_right_logical3A_38 : i32 to vector<16xi32>
    %shift_right_logical3A_40 = arith.shrui %add3A_37, %shift_right_logical3A_39 : vector<16xi32>
    %add3A_41 = arith.constant 48 : i32
    %add3A_42 = vector.broadcast %add3A_41 : i32 to vector<16xi32>
    %add3A_43 = arith.addi %iota3A, %add3A_42 : vector<16xi32>
    %shift_right_logical3A_44 = arith.constant 3 : i32
    %shift_right_logical3A_45 = vector.broadcast %shift_right_logical3A_44 : i32 to vector<16xi32>
    %shift_right_logical3A_46 = arith.shrui %add3A_43, %shift_right_logical3A_45 : vector<16xi32>
    %add3A_47 = arith.constant 0 : i32
    %add3A_48 = vector.broadcast %add3A_47 : i32 to vector<16xi32>
    %add3A_49 = arith.addi %iota3A, %add3A_48 : vector<16xi32>
    %and3A = arith.constant 7 : i32
    %and3A_50 = vector.broadcast %and3A : i32 to vector<16xi32>
    %and3A_51 = arith.andi %add3A_49, %and3A_50 : vector<16xi32>
    %add3A_52 = arith.constant 16 : i32
    %add3A_53 = vector.broadcast %add3A_52 : i32 to vector<16xi32>
    %add3A_54 = arith.addi %iota3A, %add3A_53 : vector<16xi32>
    %and3A_55 = arith.constant 7 : i32
    %and3A_56 = vector.broadcast %and3A_55 : i32 to vector<16xi32>
    %and3A_57 = arith.andi %add3A_54, %and3A_56 : vector<16xi32>
    %add3A_58 = arith.constant 32 : i32
    %add3A_59 = vector.broadcast %add3A_58 : i32 to vector<16xi32>
    %add3A_60 = arith.addi %iota3A, %add3A_59 : vector<16xi32>
    %and3A_61 = arith.constant 7 : i32
    %and3A_62 = vector.broadcast %and3A_61 : i32 to vector<16xi32>
    %and3A_63 = arith.andi %add3A_60, %and3A_62 : vector<16xi32>
    %add3A_64 = arith.constant 48 : i32
    %add3A_65 = vector.broadcast %add3A_64 : i32 to vector<16xi32>
    %add3A_66 = arith.addi %iota3A, %add3A_65 : vector<16xi32>
    %and3A_67 = arith.constant 7 : i32
    %and3A_68 = vector.broadcast %and3A_67 : i32 to vector<16xi32>
    %and3A_69 = arith.andi %add3A_66, %and3A_68 : vector<16xi32>
    %scan3A_70 = arith.constant -1 : i32
    %scan3A_71 = arith.constant 0 : i32
    %scan3A_72 = arith.constant 0 : i32
    %scan3A_73 = arith.constant 8 : i32
    %scan3A_74 = arith.addi %scan3A_72, %scan3A_73 : i32
    %scan3A_75 = arith.constant 1 : i32
    %scan3A_76:2 = scf.for %scan3A_83 = %scan3A_72 to %scan3A_74 step %scan3A_75 iter_args(%scan3A_84 = %scan3A_70, %scan3A_85 = %scan3A_71) -> (i32, i32)  : i32 {
      %scan3A_86 = arith.constant 0 : i32
      %scan3A_87 = arith.constant 64 : i32
      %scan3A_88 = arith.addi %scan3A_86, %scan3A_87 : i32
      %scan3A_89 = arith.constant 1 : i32
      %scan3A_90:2 = scf.for %scan3A_92 = %scan3A_86 to %scan3A_88 step %scan3A_89 iter_args(%scan3A_93 = %scan3A_84, %scan3A_94 = %scan3A_85) -> (i32, i32)  : i32 {
        %mul3A_95 = arith.constant 64 : i32
        %mul3A_96 = arith.muli %scan3A_83, %mul3A_95 : i32
        %add3A_97 = arith.addi %mul3A_96, %scan3A_92 : i32
        %and3A_98 = arith.constant -16 : i32
        %and3A_99 = arith.andi %add3A_97, %and3A_98 : i32
        %and3A_100 = arith.constant 15 : i32
        %and3A_101 = arith.andi %add3A_97, %and3A_100 : i32
        %get3A = arith.index_cast %and3A_99 : i32 to index
        %get3A_102 = tpu.vector_load %arg7[%get3A] {strides = array<i32>} : memref<528xi32, #tpu.memory_space<vmem>>, vector<16xi32>,
        %broadcast_in_dim3A_103 = vector.broadcast %and3A_101 : i32 to vector<16xi32>
        %broadcast_in_dim3A_104 = vector.shape_cast %broadcast_in_dim3A_103 : vector<16xi32> to vector<16x1xi32>
        %gather3A = vector.shape_cast %broadcast_in_dim3A_104 : vector<16x1xi32> to vector<16xi32>
        %gather3A_105 = tpu.dynamic_gather %get3A_102[%gather3A] in [0] : vector<16xi32>, vector<16xi32> -> vector<16xi32>
        %slice3A = vector.extract_strided_slice %gather3A_105 {offsets = [0], sizes = [1], strides = [1]} : vector<16xi32> to vector<1xi32>
        %squeeze3A = vector.extract %slice3A[0] : i32 from vector<1xi32>
        %shift_right_logical3A_106 = arith.constant 7 : i32
        %shift_right_logical3A_107 = arith.shrui %squeeze3A, %shift_right_logical3A_106 : i32
        %ne3A = arith.cmpi ne, %shift_right_logical3A_107, %scan3A_93 : i32
        %convert_element_type3A = arith.extui %ne3A : i1 to i32
        %cond3A = arith.constant 0 : i32
        %cond3A_108 = arith.cmpi ne, %convert_element_type3A, %cond3A : i32
        scf.if %cond3A_108 {
          %rem3A_141 = arith.constant 5 : i32
          %rem3A_142 = arith.remsi %scan3A_94, %rem3A_141 : i32
          %dma_wait3A_143 = arith.constant 0 : i32
          %dma_wait3A_144 = arith.constant 0 : i32
          %dma_wait3A_145 = arith.constant 0 : i32
          %dma_wait3A_146 = tpu.memref_slice %arg10[%rem3A_142, %dma_wait3A_143, %dma_wait3A_144, %dma_wait3A_145] : memref<5x8x8x128xf32, #tpu.memory_space<vmem>> -> memref<1x8x8x128xf32, #tpu.memory_space<vmem>>
          %dma_wait3A_147 = tpu.memref_squeeze %dma_wait3A_146 : memref<1x8x8x128xf32, #tpu.memory_space<vmem>> -> memref<8x8x128xf32, #tpu.memory_space<vmem>>
          %dma_wait3A_148 = arith.constant 0 : i32
          %dma_wait3A_149 = arith.constant 0 : i32
          %dma_wait3A_150 = arith.constant 0 : i32
          %dma_wait3A_151 = tpu.memref_slice %arg4[%dma_wait3A_148, %dma_wait3A_149, %dma_wait3A_150] : memref<8x8x1000000xf32, #tpu.memory_space<hbm>> -> memref<8x8x128xf32, #tpu.memory_space<hbm>>
          %dma_wait3A_152 = tpu.memref_slice %arg14[%rem3A_142] : memref<5x!tpu.dma_semaphore, #tpu.memory_space<semaphore_mem>> -> memref<1x!tpu.dma_semaphore, #tpu.memory_space<semaphore_mem>>
          %dma_wait3A_153 = tpu.memref_squeeze %dma_wait3A_152 : memref<1x!tpu.dma_semaphore, #tpu.memory_space<semaphore_mem>> -> memref<!tpu.dma_semaphore, #tpu.memory_space<semaphore_mem>>
          %dma_wait3A_154 = arith.constant 0 : i32
          %dma_wait3A_155 = arith.constant 0 : i32
          %dma_wait3A_156 = arith.constant 0 : i32
          %dma_wait3A_157 = tpu.memref_slice %arg10[%rem3A_142, %dma_wait3A_154, %dma_wait3A_155, %dma_wait3A_156] : memref<5x8x8x128xf32, #tpu.memory_space<vmem>> -> memref<1x8x8x128xf32, #tpu.memory_space<vmem>>
          %dma_wait3A_158 = tpu.memref_squeeze %dma_wait3A_157 : memref<1x8x8x128xf32, #tpu.memory_space<vmem>> -> memref<8x8x128xf32, #tpu.memory_space<vmem>>
          %dma_wait3A_159 = arith.constant 0 : i32
          %dma_wait3A_160 = arith.constant 0 : i32
          %dma_wait3A_161 = arith.constant 0 : i32
          %dma_wait3A_162 = tpu.memref_slice %arg4[%dma_wait3A_159, %dma_wait3A_160, %dma_wait3A_161] : memref<8x8x1000000xf32, #tpu.memory_space<hbm>> -> memref<8x8x128xf32, #tpu.memory_space<hbm>>
          tpu.wait_dma2 semaphore(%dma_wait3A_153 : memref<!tpu.dma_semaphore, #tpu.memory_space<semaphore_mem>>) src(%dma_wait3A_162 : memref<8x8x128xf32, #tpu.memory_space<hbm>>) dst(%dma_wait3A_158 : memref<8x8x128xf32, #tpu.memory_space<vmem>>)
          %add3A_163 = arith.constant 4 : i32
          %add3A_164 = arith.addi %scan3A_94, %add3A_163 : i32
          %lt3A = arith.cmpi slt, %add3A_164, %scan3A_12#0 : i32
          %convert_element_type3A_165 = arith.extui %lt3A : i1 to i32
          %cond3A_166 = arith.constant 0 : i32
          %cond3A_167 = arith.cmpi ne, %convert_element_type3A_165, %cond3A_166 : i32
          scf.if %cond3A_167 {
            %add3A_168 = arith.constant 4 : i32
            %add3A_169 = arith.addi %scan3A_94, %add3A_168 : i32
            %and3A_170 = arith.constant -16 : i32
            %and3A_171 = arith.andi %add3A_169, %and3A_170 : i32
            %get3A_172 = arith.index_cast %and3A_171 : i32 to index
            %get3A_173 = tpu.vector_load %arg9[%get3A_172] {strides = array<i32>} : memref<528xi32, #tpu.memory_space<vmem>>, vector<16xi32>,
            %and3A_174 = arith.constant 15 : i32
            %and3A_175 = arith.andi %add3A_169, %and3A_174 : i32
            %broadcast_in_dim3A_176 = vector.broadcast %and3A_175 : i32 to vector<16xi32>
            %broadcast_in_dim3A_177 = vector.shape_cast %broadcast_in_dim3A_176 : vector<16xi32> to vector<16x1xi32>
            %gather3A_178 = vector.shape_cast %broadcast_in_dim3A_177 : vector<16x1xi32> to vector<16xi32>
            %gather3A_179 = tpu.dynamic_gather %get3A_173[%gather3A_178] in [0] : vector<16xi32>, vector<16xi32> -> vector<16xi32>
            %slice3A_180 = vector.extract_strided_slice %gather3A_179 {offsets = [0], sizes = [1], strides = [1]} : vector<16xi32> to vector<1xi32>
            %squeeze3A_181 = vector.extract %slice3A_180[0] : i32 from vector<1xi32>
            %rem3A_182 = arith.constant 5 : i32
            %rem3A_183 = arith.remsi %add3A_169, %rem3A_182 : i32
            %scan3A_184 = arith.constant 0 : i32
            %scan3A_185 = arith.constant 0 : i32
            %scan3A_186 = arith.constant 8 : i32
            %scan3A_187 = arith.addi %scan3A_185, %scan3A_186 : i32
            %scan3A_188 = arith.constant 1 : i32
            scf.for %scan3A_190 = %scan3A_185 to %scan3A_187 step %scan3A_188  : i32 {
              %mul3A_191 = arith.constant 128 : i32
              %mul3A_192 = arith.muli %squeeze3A_181, %mul3A_191 : i32
              %dma_start3A = arith.constant 0 : i32
              %dma_start3A_193 = arith.constant 0 : i32
              %dma_start3A_194 = tpu.memref_slice %arg10[%rem3A_183, %scan3A_190, %dma_start3A, %dma_start3A_193] : memref<5x8x8x128xf32, #tpu.memory_space<vmem>> -> memref<1x1x8x128xf32, #tpu.memory_space<vmem>>
              %dma_start3A_195 = tpu.memref_squeeze %dma_start3A_194 : memref<1x1x8x128xf32, #tpu.memory_space<vmem>> -> memref<8x128xf32, #tpu.memory_space<vmem>>
              %dma_start3A_196 = arith.constant 0 : i32
              %dma_start3A_197 = tpu.memref_slice %arg4[%scan3A_190, %dma_start3A_196, %mul3A_192] : memref<8x8x1000000xf32, #tpu.memory_space<hbm>> -> memref<1x8x128xf32, #tpu.memory_space<hbm>>
              %dma_start3A_198 = tpu.memref_squeeze %dma_start3A_197 : memref<1x8x128xf32, #tpu.memory_space<hbm>> -> memref<8x128xf32, #tpu.memory_space<hbm>>
              %dma_start3A_199 = tpu.memref_slice %arg14[%rem3A_183] : memref<5x!tpu.dma_semaphore, #tpu.memory_space<semaphore_mem>> -> memref<1x!tpu.dma_semaphore, #tpu.memory_space<semaphore_mem>>
              %dma_start3A_200 = tpu.memref_squeeze %dma_start3A_199 : memref<1x!tpu.dma_semaphore, #tpu.memory_space<semaphore_mem>> -> memref<!tpu.dma_semaphore, #tpu.memory_space<semaphore_mem>>
              %dma_start3A_201 = arith.constant 0 : i32
              %dma_start3A_202 = arith.constant 0 : i32
              %dma_start3A_203 = tpu.memref_slice %arg10[%rem3A_183, %scan3A_190, %dma_start3A_201, %dma_start3A_202] : memref<5x8x8x128xf32, #tpu.memory_space<vmem>> -> memref<1x1x8x128xf32, #tpu.memory_space<vmem>>
              %dma_start3A_204 = tpu.memref_squeeze %dma_start3A_203 : memref<1x1x8x128xf32, #tpu.memory_space<vmem>> -> memref<8x128xf32, #tpu.memory_space<vmem>>
              %dma_start3A_205 = arith.constant 0 : i32
              %dma_start3A_206 = tpu.memref_slice %arg4[%scan3A_190, %dma_start3A_205, %mul3A_192] : memref<8x8x1000000xf32, #tpu.memory_space<hbm>> -> memref<1x8x128xf32, #tpu.memory_space<hbm>>
              %dma_start3A_207 = tpu.memref_squeeze %dma_start3A_206 : memref<1x8x128xf32, #tpu.memory_space<hbm>> -> memref<8x128xf32, #tpu.memory_space<hbm>>
              tpu.enqueue_dma source(%dma_start3A_207 : memref<8x128xf32, #tpu.memory_space<hbm>>) target(%dma_start3A_204 : memref<8x128xf32, #tpu.memory_space<vmem>>) target_semaphore(%dma_start3A_200 : memref<!tpu.dma_semaphore, #tpu.memory_space<semaphore_mem>>)
            }
            %scan3A_189 = arith.constant 8 : i32
          } else {
          }
        } else {
        }
        %add3A_109 = arith.constant 1 : i32
        %add3A_110 = arith.addi %scan3A_94, %add3A_109 : i32
        %select_n3A_111 = arith.select %ne3A, %add3A_110, %scan3A_94 : i32
        %sub3A_112 = arith.constant 1 : i32
        %sub3A_113 = arith.subi %select_n3A_111, %sub3A_112 : i32
        %rem3A = arith.constant 5 : i32
        %rem3A_114 = arith.remsi %sub3A_113, %rem3A : i32
        %and3A_115 = arith.constant 127 : i32
        %and3A_116 = arith.andi %squeeze3A, %and3A_115 : i32
        %broadcast_in_dim3A_117 = vector.broadcast %and3A_116 : i32 to vector<16xi32>
        %broadcast_in_dim3A_118 = vector.broadcast %rem3A_114 : i32 to vector<16xi32>
        %broadcast_in_dim3A_119 = vector.broadcast %scan3A_92 : i32 to vector<16xi32>
        %gather3A_120 = tpu.vector_load_idx %arg10[%broadcast_in_dim3A_118, %shift_right_logical3A_28, %and3A_51, %broadcast_in_dim3A_117] : memref<5x8x8x128xf32, #tpu.memory_space<vmem>>[vector<16xi32>, vector<16xi32>, vector<16xi32>, vector<16xi32>], vector<16xf32>,
        %add3A_121 = arith.constant 0 : i32
        %add3A_122 = vector.broadcast %add3A_121 : i32 to vector<16xi32>
        %add3A_123 = arith.addi %iota3A, %add3A_122 : vector<16xi32>
        tpu.vector_store_idx %arg11[%broadcast_in_dim3A_119, %add3A_123], %gather3A_120 : memref<64x64xf32, #tpu.memory_space<vmem>>[vector<16xi32>, vector<16xi32>], vector<16xf32>,
        %gather3A_124 = tpu.vector_load_idx %arg10[%broadcast_in_dim3A_118, %shift_right_logical3A_34, %and3A_57, %broadcast_in_dim3A_117] : memref<5x8x8x128xf32, #tpu.memory_space<vmem>>[vector<16xi32>, vector<16xi32>, vector<16xi32>, vector<16xi32>], vector<16xf32>,
        %add3A_125 = arith.constant 16 : i32
        %add3A_126 = vector.broadcast %add3A_125 : i32 to vector<16xi32>
        %add3A_127 = arith.addi %iota3A, %add3A_126 : vector<16xi32>
        tpu.vector_store_idx %arg11[%broadcast_in_dim3A_119, %add3A_127], %gather3A_124 : memref<64x64xf32, #tpu.memory_space<vmem>>[vector<16xi32>, vector<16xi32>], vector<16xf32>,
        %gather3A_128 = tpu.vector_load_idx %arg10[%broadcast_in_dim3A_118, %shift_right_logical3A_40, %and3A_63, %broadcast_in_dim3A_117] : memref<5x8x8x128xf32, #tpu.memory_space<vmem>>[vector<16xi32>, vector<16xi32>, vector<16xi32>, vector<16xi32>], vector<16xf32>,
        %add3A_129 = arith.constant 32 : i32
        %add3A_130 = vector.broadcast %add3A_129 : i32 to vector<16xi32>
        %add3A_131 = arith.addi %iota3A, %add3A_130 : vector<16xi32>
        tpu.vector_store_idx %arg11[%broadcast_in_dim3A_119, %add3A_131], %gather3A_128 : memref<64x64xf32, #tpu.memory_space<vmem>>[vector<16xi32>, vector<16xi32>], vector<16xf32>,
        %gather3A_132 = tpu.vector_load_idx %arg10[%broadcast_in_dim3A_118, %shift_right_logical3A_46, %and3A_69, %broadcast_in_dim3A_117] : memref<5x8x8x128xf32, #tpu.memory_space<vmem>>[vector<16xi32>, vector<16xi32>, vector<16xi32>, vector<16xi32>], vector<16xf32>,
        %add3A_133 = arith.constant 48 : i32
        %add3A_134 = vector.broadcast %add3A_133 : i32 to vector<16xi32>
        %add3A_135 = arith.addi %iota3A, %add3A_134 : vector<16xi32>
        tpu.vector_store_idx %arg11[%broadcast_in_dim3A_119, %add3A_135], %gather3A_132 : memref<64x64xf32, #tpu.memory_space<vmem>>[vector<16xi32>, vector<16xi32>], vector<16xf32>,
        %eq3A_136 = arith.constant 15 : i32
        %eq3A_137 = arith.cmpi eq, %and3A_101, %eq3A_136 : i32
        %convert_element_type3A_138 = arith.extui %eq3A_137 : i1 to i32
        %cond3A_139 = arith.constant 0 : i32
        %cond3A_140 = arith.cmpi ne, %convert_element_type3A_138, %cond3A_139 : i32
        scf.if %cond3A_140 {
          %sub3A_141 = arith.constant 15 : i32
          %sub3A_142 = arith.subi %scan3A_92, %sub3A_141 : i32
          %add3A_143 = vector.broadcast %sub3A_142 : i32 to vector<16xi32>
          %add3A_144 = arith.addi %add3A_143, %iota3A : vector<16xi32>
          %get3A_145 = arith.constant 6144 : index
          %get3A_146 = tpu.vector_load %arg12[%get3A_145] {strides = array<i32>} : memref<6272xf32, #tpu.memory_space<vmem>>, vector<16xf32>,
          %get3A_147 = arith.constant 6160 : index
          %get3A_148 = tpu.vector_load %arg12[%get3A_147] {strides = array<i32>} : memref<6272xf32, #tpu.memory_space<vmem>>, vector<16xf32>,
          %get3A_149 = arith.constant 6176 : index
          %get3A_150 = tpu.vector_load %arg12[%get3A_149] {strides = array<i32>} : memref<6272xf32, #tpu.memory_space<vmem>>, vector<16xf32>,
          %get3A_151 = arith.constant 6192 : index
          %get3A_152 = tpu.vector_load %arg12[%get3A_151] {strides = array<i32>} : memref<6272xf32, #tpu.memory_space<vmem>>, vector<16xf32>,
          %get3A_153 = arith.constant 6208 : index
          %get3A_154 = tpu.vector_load %arg12[%get3A_153] {strides = array<i32>} : memref<6272xf32, #tpu.memory_space<vmem>>, vector<16xf32>,
          %get3A_155 = arith.constant 6224 : index
          %get3A_156 = tpu.vector_load %arg12[%get3A_155] {strides = array<i32>} : memref<6272xf32, #tpu.memory_space<vmem>>, vector<16xf32>,
          %broadcast_in_dim3A_157 = arith.constant 0 : i32
          %broadcast_in_dim3A_158 = vector.broadcast %broadcast_in_dim3A_157 : i32 to vector<16xi32>
          %gather3A_159 = tpu.vector_load_idx %arg11[%add3A_144, %broadcast_in_dim3A_158] : memref<64x64xf32, #tpu.memory_space<vmem>>[vector<16xi32>, vector<16xi32>], vector<16xf32>,
          %get3A_160 = arith.constant 0 : index
          %get3A_161 = tpu.vector_load %arg12[%get3A_160] {strides = array<i32>} : memref<6272xf32, #tpu.memory_space<vmem>>, vector<16xf32>,
          %mul3A_162 = arith.mulf %gather3A_159, %get3A_161 : vector<16xf32>
          %add3A_163 = arith.addf %get3A_146, %mul3A_162 : vector<16xf32>
          %get3A_164 = arith.constant 1024 : index
          %get3A_165 = tpu.vector_load %arg12[%get3A_164] {strides = array<i32>} : memref<6272xf32, #tpu.memory_space<vmem>>, vector<16xf32>,
          %mul3A_166 = arith.mulf %gather3A_159, %get3A_165 : vector<16xf32>
          %add3A_167 = arith.addf %get3A_148, %mul3A_166 : vector<16xf32>
          %get3A_168 = arith.constant 2048 : index
          %get3A_169 = tpu.vector_load %arg12[%get3A_168] {strides = array<i32>} : memref<6272xf32, #tpu.memory_space<vmem>>, vector<16xf32>,
          %mul3A_170 = arith.mulf %gather3A_159, %get3A_169 : vector<16xf32>
          %add3A_171 = arith.addf %get3A_150, %mul3A_170 : vector<16xf32>
          %get3A_172 = arith.constant 3072 : index
          %get3A_173 = tpu.vector_load %arg12[%get3A_172] {strides = array<i32>} : memref<6272xf32, #tpu.memory_space<vmem>>, vector<16xf32>,
          %mul3A_174 = arith.mulf %gather3A_159, %get3A_173 : vector<16xf32>
          %add3A_175 = arith.addf %get3A_152, %mul3A_174 : vector<16xf32>
          %get3A_176 = arith.constant 4096 : index
          %get3A_177 = tpu.vector_load %arg12[%get3A_176] {strides = array<i32>} : memref<6272xf32, #tpu.memory_space<vmem>>, vector<16xf32>,
          %mul3A_178 = arith.mulf %gather3A_159, %get3A_177 : vector<16xf32>
          %add3A_179 = arith.addf %get3A_154, %mul3A_178 : vector<16xf32>
          %get3A_180 = arith.constant 5120 : index
          %get3A_181 = tpu.vector_load %arg12[%get3A_180] {strides = array<i32>} : memref<6272xf32, #tpu.memory_space<vmem>>, vector<16xf32>,
          %mul3A_182 = arith.mulf %gather3A_159, %get3A_181 : vector<16xf32>
          %add3A_183 = arith.addf %get3A_156, %mul3A_182 : vector<16xf32>
          %broadcast_in_dim3A_184 = arith.constant 1 : i32
          %broadcast_in_dim3A_185 = vector.broadcast %broadcast_in_dim3A_184 : i32 to vector<16xi32>
          %gather3A_186 = tpu.vector_load_idx %arg11[%add3A_144, %broadcast_in_dim3A_185] : memref<64x64xf32, #tpu.memory_space<vmem>>[vector<16xi32>, vector<16xi32>], vector<16xf32>,
          %get3A_187 = arith.constant 16 : index
          %get3A_188 = tpu.vector_load %arg12[%get3A_187] {strides = array<i32>} : memref<6272xf32, #tpu.memory_space<vmem>>, vector<16xf32>,
          %mul3A_189 = arith.mulf %gather3A_186, %get3A_188 : vector<16xf32>
          %add3A_190 = arith.addf %add3A_163, %mul3A_189 : vector<16xf32>
          %get3A_191 = arith.constant 1040 : index
          %get3A_192 = tpu.vector_load %arg12[%get3A_191] {strides = array<i32>} : memref<6272xf32, #tpu.memory_space<vmem>>, vector<16xf32>,
          %mul3A_193 = arith.mulf %gather3A_186, %get3A_192 : vector<16xf32>
          %add3A_194 = arith.addf %add3A_167, %mul3A_193 : vector<16xf32>
          %get3A_195 = arith.constant 2064 : index
          %get3A_196 = tpu.vector_load %arg12[%get3A_195] {strides = array<i32>} : memref<6272xf32, #tpu.memory_space<vmem>>, vector<16xf32>,
          %mul3A_197 = arith.mulf %gather3A_186, %get3A_196 : vector<16xf32>
          %add3A_198 = arith.addf %add3A_171, %mul3A_197 : vector<16xf32>
          %get3A_199 = arith.constant 3088 : index
          %get3A_200 = tpu.vector_load %arg12[%get3A_199] {strides = array<i32>} : memref<6272xf32, #tpu.memory_space<vmem>>, vector<16xf32>,
          %mul3A_201 = arith.mulf %gather3A_186, %get3A_200 : vector<16xf32>
          %add3A_202 = arith.addf %add3A_175, %mul3A_201 : vector<16xf32>
          %get3A_203 = arith.constant 4112 : index
          %get3A_204 = tpu.vector_load %arg12[%get3A_203] {strides = array<i32>} : memref<6272xf32, #tpu.memory_space<vmem>>, vector<16xf32>,
          %mul3A_205 = arith.mulf %gather3A_186, %get3A_204 : vector<16xf32>
          %add3A_206 = arith.addf %add3A_179, %mul3A_205 : vector<16xf32>
          %get3A_207 = arith.constant 5136 : index
          %get3A_208 = tpu.vector_load %arg12[%get3A_207] {strides = array<i32>} : memref<6272xf32, #tpu.memory_space<vmem>>, vector<16xf32>,
          %mul3A_209 = arith.mulf %gather3A_186, %get3A_208 : vector<16xf32>
          %add3A_210 = arith.addf %add3A_183, %mul3A_209 : vector<16xf32>
          %broadcast_in_dim3A_211 = arith.constant 2 : i32
          %broadcast_in_dim3A_212 = vector.broadcast %broadcast_in_dim3A_211 : i32 to vector<16xi32>
          %gather3A_213 = tpu.vector_load_idx %arg11[%add3A_144, %broadcast_in_dim3A_212] : memref<64x64xf32, #tpu.memory_space<vmem>>[vector<16xi32>, vector<16xi32>], vector<16xf32>,
          %get3A_214 = arith.constant 32 : index
          %get3A_215 = tpu.vector_load %arg12[%get3A_214] {strides = array<i32>} : memref<6272xf32, #tpu.memory_space<vmem>>, vector<16xf32>,
          %mul3A_216 = arith.mulf %gather3A_213, %get3A_215 : vector<16xf32>
          %add3A_217 = arith.addf %add3A_190, %mul3A_216 : vector<16xf32>
          %get3A_218 = arith.constant 1056 : index
          %get3A_219 = tpu.vector_load %arg12[%get3A_218] {strides = array<i32>} : memref<6272xf32, #tpu.memory_space<vmem>>, vector<16xf32>,
          %mul3A_220 = arith.mulf %gather3A_213, %get3A_219 : vector<16xf32>
          %add3A_221 = arith.addf %add3A_194, %mul3A_220 : vector<16xf32>
          %get3A_222 = arith.constant 2080 : index
          %get3A_223 = tpu.vector_load %arg12[%get3A_222] {strides = array<i32>} : memref<6272xf32, #tpu.memory_space<vmem>>, vector<16xf32>,
          %mul3A_224 = arith.mulf %gather3A_213, %get3A_223 : vector<16xf32>
          %add3A_225 = arith.addf %add3A_198, %mul3A_224 : vector<16xf32>
          %get3A_226 = arith.constant 3104 : index
          %get3A_227 = tpu.vector_load %arg12[%get3A_226] {strides = array<i32>} : memref<6272xf32, #tpu.memory_space<vmem>>, vector<16xf32>,
          %mul3A_228 = arith.mulf %gather3A_213, %get3A_227 : vector<16xf32>
          %add3A_229 = arith.addf %add3A_202, %mul3A_228 : vector<16xf32>
          %get3A_230 = arith.constant 4128 : index
          %get3A_231 = tpu.vector_load %arg12[%get3A_230] {strides = array<i32>} : memref<6272xf32, #tpu.memory_space<vmem>>, vector<16xf32>,
          %mul3A_232 = arith.mulf %gather3A_213, %get3A_231 : vector<16xf32>
          %add3A_233 = arith.addf %add3A_206, %mul3A_232 : vector<16xf32>
          %get3A_234 = arith.constant 5152 : index
          %get3A_235 = tpu.vector_load %arg12[%get3A_234] {strides = array<i32>} : memref<6272xf32, #tpu.memory_space<vmem>>, vector<16xf32>,
          %mul3A_236 = arith.mulf %gather3A_213, %get3A_235 : vector<16xf32>
          %add3A_237 = arith.addf %add3A_210, %mul3A_236 : vector<16xf32>
          %broadcast_in_dim3A_238 = arith.constant 3 : i32
          %broadcast_in_dim3A_239 = vector.broadcast %broadcast_in_dim3A_238 : i32 to vector<16xi32>
          %gather3A_240 = tpu.vector_load_idx %arg11[%add3A_144, %broadcast_in_dim3A_239] : memref<64x64xf32, #tpu.memory_space<vmem>>[vector<16xi32>, vector<16xi32>], vector<16xf32>,
          %get3A_241 = arith.constant 48 : index
          %get3A_242 = tpu.vector_load %arg12[%get3A_241] {strides = array<i32>} : memref<6272xf32, #tpu.memory_space<vmem>>, vector<16xf32>,
          %mul3A_243 = arith.mulf %gather3A_240, %get3A_242 : vector<16xf32>
          %add3A_244 = arith.addf %add3A_217, %mul3A_243 : vector<16xf32>
          %get3A_245 = arith.constant 1072 : index
          %get3A_246 = tpu.vector_load %arg12[%get3A_245] {strides = array<i32>} : memref<6272xf32, #tpu.memory_space<vmem>>, vector<16xf32>,
          %mul3A_247 = arith.mulf %gather3A_240, %get3A_246 : vector<16xf32>
          %add3A_248 = arith.addf %add3A_221, %mul3A_247 : vector<16xf32>
          %get3A_249 = arith.constant 2096 : index
          %get3A_250 = tpu.vector_load %arg12[%get3A_249] {strides = array<i32>} : memref<6272xf32, #tpu.memory_space<vmem>>, vector<16xf32>,
          %mul3A_251 = arith.mulf %gather3A_240, %get3A_250 : vector<16xf32>
          %add3A_252 = arith.addf %add3A_225, %mul3A_251 : vector<16xf32>
          %get3A_253 = arith.constant 3120 : index
          %get3A_254 = tpu.vector_load %arg12[%get3A_253] {strides = array<i32>} : memref<6272xf32, #tpu.memory_space<vmem>>, vector<16xf32>,
          %mul3A_255 = arith.mulf %gather3A_240, %get3A_254 : vector<16xf32>
          %add3A_256 = arith.addf %add3A_229, %mul3A_255 : vector<16xf32>
          %get3A_257 = arith.constant 4144 : index
          %get3A_258 = tpu.vector_load %arg12[%get3A_257] {strides = array<i32>} : memref<6272xf32, #tpu.memory_space<vmem>>, vector<16xf32>,
          %mul3A_259 = arith.mulf %gather3A_240, %get3A_258 : vector<16xf32>
          %add3A_260 = arith.addf %add3A_233, %mul3A_259 : vector<16xf32>
          %get3A_261 = arith.constant 5168 : index
          %get3A_262 = tpu.vector_load %arg12[%get3A_261] {strides = array<i32>} : memref<6272xf32, #tpu.memory_space<vmem>>, vector<16xf32>,
          %mul3A_263 = arith.mulf %gather3A_240, %get3A_262 : vector<16xf32>
          %add3A_264 = arith.addf %add3A_237, %mul3A_263 : vector<16xf32>
          %broadcast_in_dim3A_265 = arith.constant 4 : i32
          %broadcast_in_dim3A_266 = vector.broadcast %broadcast_in_dim3A_265 : i32 to vector<16xi32>
          %gather3A_267 = tpu.vector_load_idx %arg11[%add3A_144, %broadcast_in_dim3A_266] : memref<64x64xf32, #tpu.memory_space<vmem>>[vector<16xi32>, vector<16xi32>], vector<16xf32>,
          %get3A_268 = arith.constant 64 : index
          %get3A_269 = tpu.vector_load %arg12[%get3A_268] {strides = array<i32>} : memref<6272xf32, #tpu.memory_space<vmem>>, vector<16xf32>,
          %mul3A_270 = arith.mulf %gather3A_267, %get3A_269 : vector<16xf32>
          %add3A_271 = arith.addf %add3A_244, %mul3A_270 : vector<16xf32>
          %get3A_272 = arith.constant 1088 : index
          %get3A_273 = tpu.vector_load %arg12[%get3A_272] {strides = array<i32>} : memref<6272xf32, #tpu.memory_space<vmem>>, vector<16xf32>,
          %mul3A_274 = arith.mulf %gather3A_267, %get3A_273 : vector<16xf32>
          %add3A_275 = arith.addf %add3A_248, %mul3A_274 : vector<16xf32>
          %get3A_276 = arith.constant 2112 : index
          %get3A_277 = tpu.vector_load %arg12[%get3A_276] {strides = array<i32>} : memref<6272xf32, #tpu.memory_space<vmem>>, vector<16xf32>,
          %mul3A_278 = arith.mulf %gather3A_267, %get3A_277 : vector<16xf32>
          %add3A_279 = arith.addf %add3A_252, %mul3A_278 : vector<16xf32>
          %get3A_280 = arith.constant 3136 : index
          %get3A_281 = tpu.vector_load %arg12[%get3A_280] {strides = array<i32>} : memref<6272xf32, #tpu.memory_space<vmem>>, vector<16xf32>,
          %mul3A_282 = arith.mulf %gather3A_267, %get3A_281 : vector<16xf32>
          %add3A_283 = arith.addf %add3A_256, %mul3A_282 : vector<16xf32>
          %get3A_284 = arith.constant 4160 : index
          %get3A_285 = tpu.vector_load %arg12[%get3A_284] {strides = array<i32>} : memref<6272xf32, #tpu.memory_space<vmem>>, vector<16xf32>,
          %mul3A_286 = arith.mulf %gather3A_267, %get3A_285 : vector<16xf32>
          %add3A_287 = arith.addf %add3A_260, %mul3A_286 : vector<16xf32>
          %get3A_288 = arith.constant 5184 : index
          %get3A_289 = tpu.vector_load %arg12[%get3A_288] {strides = array<i32>} : memref<6272xf32, #tpu.memory_space<vmem>>, vector<16xf32>,
          %mul3A_290 = arith.mulf %gather3A_267, %get3A_289 : vector<16xf32>
          %add3A_291 = arith.addf %add3A_264, %mul3A_290 : vector<16xf32>
          %broadcast_in_dim3A_292 = arith.constant 5 : i32
          %broadcast_in_dim3A_293 = vector.broadcast %broadcast_in_dim3A_292 : i32 to vector<16xi32>
          %gather3A_294 = tpu.vector_load_idx %arg11[%add3A_144, %broadcast_in_dim3A_293] : memref<64x64xf32, #tpu.memory_space<vmem>>[vector<16xi32>, vector<16xi32>], vector<16xf32>,
          %get3A_295 = arith.constant 80 : index
          %get3A_296 = tpu.vector_load %arg12[%get3A_295] {strides = array<i32>} : memref<6272xf32, #tpu.memory_space<vmem>>, vector<16xf32>,
          %mul3A_297 = arith.mulf %gather3A_294, %get3A_296 : vector<16xf32>
          %add3A_298 = arith.addf %add3A_271, %mul3A_297 : vector<16xf32>
          %get3A_299 = arith.constant 1104 : index
          %get3A_300 = tpu.vector_load %arg12[%get3A_299] {strides = array<i32>} : memref<6272xf32, #tpu.memory_space<vmem>>, vector<16xf32>,
          %mul3A_301 = arith.mulf %gather3A_294, %get3A_300 : vector<16xf32>
          %add3A_302 = arith.addf %add3A_275, %mul3A_301 : vector<16xf32>
          %get3A_303 = arith.constant 2128 : index
          %get3A_304 = tpu.vector_load %arg12[%get3A_303] {strides = array<i32>} : memref<6272xf32, #tpu.memory_space<vmem>>, vector<16xf32>,
          %mul3A_305 = arith.mulf %gather3A_294, %get3A_304 : vector<16xf32>
          %add3A_306 = arith.addf %add3A_279, %mul3A_305 : vector<16xf32>
          %get3A_307 = arith.constant 3152 : index
          %get3A_308 = tpu.vector_load %arg12[%get3A_307] {strides = array<i32>} : memref<6272xf32, #tpu.memory_space<vmem>>, vector<16xf32>,
          %mul3A_309 = arith.mulf %gather3A_294, %get3A_308 : vector<16xf32>
          %add3A_310 = arith.addf %add3A_283, %mul3A_309 : vector<16xf32>
          %get3A_311 = arith.constant 4176 : index
          %get3A_312 = tpu.vector_load %arg12[%get3A_311] {strides = array<i32>} : memref<6272xf32, #tpu.memory_space<vmem>>, vector<16xf32>,
          %mul3A_313 = arith.mulf %gather3A_294, %get3A_312 : vector<16xf32>
          %add3A_314 = arith.addf %add3A_287, %mul3A_313 : vector<16xf32>
          %get3A_315 = arith.constant 5200 : index
          %get3A_316 = tpu.vector_load %arg12[%get3A_315] {strides = array<i32>} : memref<6272xf32, #tpu.memory_space<vmem>>, vector<16xf32>,
          %mul3A_317 = arith.mulf %gather3A_294, %get3A_316 : vector<16xf32>
          %add3A_318 = arith.addf %add3A_291, %mul3A_317 : vector<16xf32>
          %broadcast_in_dim3A_319 = arith.constant 6 : i32
          %broadcast_in_dim3A_320 = vector.broadcast %broadcast_in_dim3A_319 : i32 to vector<16xi32>
          %gather3A_321 = tpu.vector_load_idx %arg11[%add3A_144, %broadcast_in_dim3A_320] : memref<64x64xf32, #tpu.memory_space<vmem>>[vector<16xi32>, vector<16xi32>], vector<16xf32>,
          %get3A_322 = arith.constant 96 : index
          %get3A_323 = tpu.vector_load %arg12[%get3A_322] {strides = array<i32>} : memref<6272xf32, #tpu.memory_space<vmem>>, vector<16xf32>,
          %mul3A_324 = arith.mulf %gather3A_321, %get3A_323 : vector<16xf32>
          %add3A_325 = arith.addf %add3A_298, %mul3A_324 : vector<16xf32>
          %get3A_326 = arith.constant 1120 : index
          %get3A_327 = tpu.vector_load %arg12[%get3A_326] {strides = array<i32>} : memref<6272xf32, #tpu.memory_space<vmem>>, vector<16xf32>,
          %mul3A_328 = arith.mulf %gather3A_321, %get3A_327 : vector<16xf32>
          %add3A_329 = arith.addf %add3A_302, %mul3A_328 : vector<16xf32>
          %get3A_330 = arith.constant 2144 : index
          %get3A_331 = tpu.vector_load %arg12[%get3A_330] {strides = array<i32>} : memref<6272xf32, #tpu.memory_space<vmem>>, vector<16xf32>,
          %mul3A_332 = arith.mulf %gather3A_321, %get3A_331 : vector<16xf32>
          %add3A_333 = arith.addf %add3A_306, %mul3A_332 : vector<16xf32>
          %get3A_334 = arith.constant 3168 : index
          %get3A_335 = tpu.vector_load %arg12[%get3A_334] {strides = array<i32>} : memref<6272xf32, #tpu.memory_space<vmem>>, vector<16xf32>,
          %mul3A_336 = arith.mulf %gather3A_321, %get3A_335 : vector<16xf32>
          %add3A_337 = arith.addf %add3A_310, %mul3A_336 : vector<16xf32>
          %get3A_338 = arith.constant 4192 : index
          %get3A_339 = tpu.vector_load %arg12[%get3A_338] {strides = array<i32>} : memref<6272xf32, #tpu.memory_space<vmem>>, vector<16xf32>,
          %mul3A_340 = arith.mulf %gather3A_321, %get3A_339 : vector<16xf32>
          %add3A_341 = arith.addf %add3A_314, %mul3A_340 : vector<16xf32>
          %get3A_342 = arith.constant 5216 : index
          %get3A_343 = tpu.vector_load %arg12[%get3A_342] {strides = array<i32>} : memref<6272xf32, #tpu.memory_space<vmem>>, vector<16xf32>,
          %mul3A_344 = arith.mulf %gather3A_321, %get3A_343 : vector<16xf32>
          %add3A_345 = arith.addf %add3A_318, %mul3A_344 : vector<16xf32>
          %broadcast_in_dim3A_346 = arith.constant 7 : i32
          %broadcast_in_dim3A_347 = vector.broadcast %broadcast_in_dim3A_346 : i32 to vector<16xi32>
          %gather3A_348 = tpu.vector_load_idx %arg11[%add3A_144, %broadcast_in_dim3A_347] : memref<64x64xf32, #tpu.memory_space<vmem>>[vector<16xi32>, vector<16xi32>], vector<16xf32>,
          %get3A_349 = arith.constant 112 : index
          %get3A_350 = tpu.vector_load %arg12[%get3A_349] {strides = array<i32>} : memref<6272xf32, #tpu.memory_space<vmem>>, vector<16xf32>,
          %mul3A_351 = arith.mulf %gather3A_348, %get3A_350 : vector<16xf32>
          %add3A_352 = arith.addf %add3A_325, %mul3A_351 : vector<16xf32>
          %get3A_353 = arith.constant 1136 : index
          %get3A_354 = tpu.vector_load %arg12[%get3A_353] {strides = array<i32>} : memref<6272xf32, #tpu.memory_space<vmem>>, vector<16xf32>,
          %mul3A_355 = arith.mulf %gather3A_348, %get3A_354 : vector<16xf32>
          %add3A_356 = arith.addf %add3A_329, %mul3A_355 : vector<16xf32>
          %get3A_357 = arith.constant 2160 : index
          %get3A_358 = tpu.vector_load %arg12[%get3A_357] {strides = array<i32>} : memref<6272xf32, #tpu.memory_space<vmem>>, vector<16xf32>,
          %mul3A_359 = arith.mulf %gather3A_348, %get3A_358 : vector<16xf32>
          %add3A_360 = arith.addf %add3A_333, %mul3A_359 : vector<16xf32>
          %get3A_361 = arith.constant 3184 : index
          %get3A_362 = tpu.vector_load %arg12[%get3A_361] {strides = array<i32>} : memref<6272xf32, #tpu.memory_space<vmem>>, vector<16xf32>,
          %mul3A_363 = arith.mulf %gather3A_348, %get3A_362 : vector<16xf32>
          %add3A_364 = arith.addf %add3A_337, %mul3A_363 : vector<16xf32>
          %get3A_365 = arith.constant 4208 : index
          %get3A_366 = tpu.vector_load %arg12[%get3A_365] {strides = array<i32>} : memref<6272xf32, #tpu.memory_space<vmem>>, vector<16xf32>,
          %mul3A_367 = arith.mulf %gather3A_348, %get3A_366 : vector<16xf32>
          %add3A_368 = arith.addf %add3A_341, %mul3A_367 : vector<16xf32>
          %get3A_369 = arith.constant 5232 : index
          %get3A_370 = tpu.vector_load %arg12[%get3A_369] {strides = array<i32>} : memref<6272xf32, #tpu.memory_space<vmem>>, vector<16xf32>,
          %mul3A_371 = arith.mulf %gather3A_348, %get3A_370 : vector<16xf32>
          %add3A_372 = arith.addf %add3A_345, %mul3A_371 : vector<16xf32>
          %broadcast_in_dim3A_373 = arith.constant 8 : i32
          %broadcast_in_dim3A_374 = vector.broadcast %broadcast_in_dim3A_373 : i32 to vector<16xi32>
          %gather3A_375 = tpu.vector_load_idx %arg11[%add3A_144, %broadcast_in_dim3A_374] : memref<64x64xf32, #tpu.memory_space<vmem>>[vector<16xi32>, vector<16xi32>], vector<16xf32>,
          %get3A_376 = arith.constant 128 : index
          %get3A_377 = tpu.vector_load %arg12[%get3A_376] {strides = array<i32>} : memref<6272xf32, #tpu.memory_space<vmem>>, vector<16xf32>,
          %mul3A_378 = arith.mulf %gather3A_375, %get3A_377 : vector<16xf32>
          %add3A_379 = arith.addf %add3A_352, %mul3A_378 : vector<16xf32>
          %get3A_380 = arith.constant 1152 : index
          %get3A_381 = tpu.vector_load %arg12[%get3A_380] {strides = array<i32>} : memref<6272xf32, #tpu.memory_space<vmem>>, vector<16xf32>,
          %mul3A_382 = arith.mulf %gather3A_375, %get3A_381 : vector<16xf32>
          %add3A_383 = arith.addf %add3A_356, %mul3A_382 : vector<16xf32>
          %get3A_384 = arith.constant 2176 : index
          %get3A_385 = tpu.vector_load %arg12[%get3A_384] {strides = array<i32>} : memref<6272xf32, #tpu.memory_space<vmem>>, vector<16xf32>,
          %mul3A_386 = arith.mulf %gather3A_375, %get3A_385 : vector<16xf32>
          %add3A_387 = arith.addf %add3A_360, %mul3A_386 : vector<16xf32>
          %get3A_388 = arith.constant 3200 : index
          %get3A_389 = tpu.vector_load %arg12[%get3A_388] {strides = array<i32>} : memref<6272xf32, #tpu.memory_space<vmem>>, vector<16xf32>,
          %mul3A_390 = arith.mulf %gather3A_375, %get3A_389 : vector<16xf32>
          %add3A_391 = arith.addf %add3A_364, %mul3A_390 : vector<16xf32>
          %get3A_392 = arith.constant 4224 : index
          %get3A_393 = tpu.vector_load %arg12[%get3A_392] {strides = array<i32>} : memref<6272xf32, #tpu.memory_space<vmem>>, vector<16xf32>,
          %mul3A_394 = arith.mulf %gather3A_375, %get3A_393 : vector<16xf32>
          %add3A_395 = arith.addf %add3A_368, %mul3A_394 : vector<16xf32>
          %get3A_396 = arith.constant 5248 : index
          %get3A_397 = tpu.vector_load %arg12[%get3A_396] {strides = array<i32>} : memref<6272xf32, #tpu.memory_space<vmem>>, vector<16xf32>,
          %mul3A_398 = arith.mulf %gather3A_375, %get3A_397 : vector<16xf32>
          %add3A_399 = arith.addf %add3A_372, %mul3A_398 : vector<16xf32>
          %broadcast_in_dim3A_400 = arith.constant 9 : i32
          %broadcast_in_dim3A_401 = vector.broadcast %broadcast_in_dim3A_400 : i32 to vector<16xi32>
          %gather3A_402 = tpu.vector_load_idx %arg11[%add3A_144, %broadcast_in_dim3A_401] : memref<64x64xf32, #tpu.memory_space<vmem>>[vector<16xi32>, vector<16xi32>], vector<16xf32>,
          %get3A_403 = arith.constant 144 : index
          %get3A_404 = tpu.vector_load %arg12[%get3A_403] {strides = array<i32>} : memref<6272xf32, #tpu.memory_space<vmem>>, vector<16xf32>,
          %mul3A_405 = arith.mulf %gather3A_402, %get3A_404 : vector<16xf32>
          %add3A_406 = arith.addf %add3A_379, %mul3A_405 : vector<16xf32>
          %get3A_407 = arith.constant 1168 : index
          %get3A_408 = tpu.vector_load %arg12[%get3A_407] {strides = array<i32>} : memref<6272xf32, #tpu.memory_space<vmem>>, vector<16xf32>,
          %mul3A_409 = arith.mulf %gather3A_402, %get3A_408 : vector<16xf32>
          %add3A_410 = arith.addf %add3A_383, %mul3A_409 : vector<16xf32>
          %get3A_411 = arith.constant 2192 : index
          %get3A_412 = tpu.vector_load %arg12[%get3A_411] {strides = array<i32>} : memref<6272xf32, #tpu.memory_space<vmem>>, vector<16xf32>,
          %mul3A_413 = arith.mulf %gather3A_402, %get3A_412 : vector<16xf32>
          %add3A_414 = arith.addf %add3A_387, %mul3A_413 : vector<16xf32>
          %get3A_415 = arith.constant 3216 : index
          %get3A_416 = tpu.vector_load %arg12[%get3A_415] {strides = array<i32>} : memref<6272xf32, #tpu.memory_space<vmem>>, vector<16xf32>,
          %mul3A_417 = arith.mulf %gather3A_402, %get3A_416 : vector<16xf32>
          %add3A_418 = arith.addf %add3A_391, %mul3A_417 : vector<16xf32>
          %get3A_419 = arith.constant 4240 : index
          %get3A_420 = tpu.vector_load %arg12[%get3A_419] {strides = array<i32>} : memref<6272xf32, #tpu.memory_space<vmem>>, vector<16xf32>,
          %mul3A_421 = arith.mulf %gather3A_402, %get3A_420 : vector<16xf32>
          %add3A_422 = arith.addf %add3A_395, %mul3A_421 : vector<16xf32>
          %get3A_423 = arith.constant 5264 : index
          %get3A_424 = tpu.vector_load %arg12[%get3A_423] {strides = array<i32>} : memref<6272xf32, #tpu.memory_space<vmem>>, vector<16xf32>,
          %mul3A_425 = arith.mulf %gather3A_402, %get3A_424 : vector<16xf32>
          %add3A_426 = arith.addf %add3A_399, %mul3A_425 : vector<16xf32>
          %broadcast_in_dim3A_427 = arith.constant 10 : i32
          %broadcast_in_dim3A_428 = vector.broadcast %broadcast_in_dim3A_427 : i32 to vector<16xi32>
          %gather3A_429 = tpu.vector_load_idx %arg11[%add3A_144, %broadcast_in_dim3A_428] : memref<64x64xf32, #tpu.memory_space<vmem>>[vector<16xi32>, vector<16xi32>], vector<16xf32>,
          %get3A_430 = arith.constant 160 : index
          %get3A_431 = tpu.vector_load %arg12[%get3A_430] {strides = array<i32>} : memref<6272xf32, #tpu.memory_space<vmem>>, vector<16xf32>,
          %mul3A_432 = arith.mulf %gather3A_429, %get3A_431 : vector<16xf32>
          %add3A_433 = arith.addf %add3A_406, %mul3A_432 : vector<16xf32>
          %get3A_434 = arith.constant 1184 : index
          %get3A_435 = tpu.vector_load %arg12[%get3A_434] {strides = array<i32>} : memref<6272xf32, #tpu.memory_space<vmem>>, vector<16xf32>,
          %mul3A_436 = arith.mulf %gather3A_429, %get3A_435 : vector<16xf32>
          %add3A_437 = arith.addf %add3A_410, %mul3A_436 : vector<16xf32>
          %get3A_438 = arith.constant 2208 : index
          %get3A_439 = tpu.vector_load %arg12[%get3A_438] {strides = array<i32>} : memref<6272xf32, #tpu.memory_space<vmem>>, vector<16xf32>,
          %mul3A_440 = arith.mulf %gather3A_429, %get3A_439 : vector<16xf32>
          %add3A_441 = arith.addf %add3A_414, %mul3A_440 : vector<16xf32>
          %get3A_442 = arith.constant 3232 : index
          %get3A_443 = tpu.vector_load %arg12[%get3A_442] {strides = array<i32>} : memref<6272xf32, #tpu.memory_space<vmem>>, vector<16xf32>,
          %mul3A_444 = arith.mulf %gather3A_429, %get3A_443 : vector<16xf32>
          %add3A_445 = arith.addf %add3A_418, %mul3A_444 : vector<16xf32>
          %get3A_446 = arith.constant 4256 : index
          %get3A_447 = tpu.vector_load %arg12[%get3A_446] {strides = array<i32>} : memref<6272xf32, #tpu.memory_space<vmem>>, vector<16xf32>,
          %mul3A_448 = arith.mulf %gather3A_429, %get3A_447 : vector<16xf32>
          %add3A_449 = arith.addf %add3A_422, %mul3A_448 : vector<16xf32>
          %get3A_450 = arith.constant 5280 : index
          %get3A_451 = tpu.vector_load %arg12[%get3A_450] {strides = array<i32>} : memref<6272xf32, #tpu.memory_space<vmem>>, vector<16xf32>,
          %mul3A_452 = arith.mulf %gather3A_429, %get3A_451 : vector<16xf32>
          %add3A_453 = arith.addf %add3A_426, %mul3A_452 : vector<16xf32>
          %broadcast_in_dim3A_454 = arith.constant 11 : i32
          %broadcast_in_dim3A_455 = vector.broadcast %broadcast_in_dim3A_454 : i32 to vector<16xi32>
          %gather3A_456 = tpu.vector_load_idx %arg11[%add3A_144, %broadcast_in_dim3A_455] : memref<64x64xf32, #tpu.memory_space<vmem>>[vector<16xi32>, vector<16xi32>], vector<16xf32>,
          %get3A_457 = arith.constant 176 : index
          %get3A_458 = tpu.vector_load %arg12[%get3A_457] {strides = array<i32>} : memref<6272xf32, #tpu.memory_space<vmem>>, vector<16xf32>,
          %mul3A_459 = arith.mulf %gather3A_456, %get3A_458 : vector<16xf32>
          %add3A_460 = arith.addf %add3A_433, %mul3A_459 : vector<16xf32>
          %get3A_461 = arith.constant 1200 : index
          %get3A_462 = tpu.vector_load %arg12[%get3A_461] {strides = array<i32>} : memref<6272xf32, #tpu.memory_space<vmem>>, vector<16xf32>,
          %mul3A_463 = arith.mulf %gather3A_456, %get3A_462 : vector<16xf32>
          %add3A_464 = arith.addf %add3A_437, %mul3A_463 : vector<16xf32>
          %get3A_465 = arith.constant 2224 : index
          %get3A_466 = tpu.vector_load %arg12[%get3A_465] {strides = array<i32>} : memref<6272xf32, #tpu.memory_space<vmem>>, vector<16xf32>,
          %mul3A_467 = arith.mulf %gather3A_456, %get3A_466 : vector<16xf32>
          %add3A_468 = arith.addf %add3A_441, %mul3A_467 : vector<16xf32>
          %get3A_469 = arith.constant 3248 : index
          %get3A_470 = tpu.vector_load %arg12[%get3A_469] {strides = array<i32>} : memref<6272xf32, #tpu.memory_space<vmem>>, vector<16xf32>,
          %mul3A_471 = arith.mulf %gather3A_456, %get3A_470 : vector<16xf32>
          %add3A_472 = arith.addf %add3A_445, %mul3A_471 : vector<16xf32>
          %get3A_473 = arith.constant 4272 : index
          %get3A_474 = tpu.vector_load %arg12[%get3A_473] {strides = array<i32>} : memref<6272xf32, #tpu.memory_space<vmem>>, vector<16xf32>,
          %mul3A_475 = arith.mulf %gather3A_456, %get3A_474 : vector<16xf32>
          %add3A_476 = arith.addf %add3A_449, %mul3A_475 : vector<16xf32>
          %get3A_477 = arith.constant 5296 : index
          %get3A_478 = tpu.vector_load %arg12[%get3A_477] {strides = array<i32>} : memref<6272xf32, #tpu.memory_space<vmem>>, vector<16xf32>,
          %mul3A_479 = arith.mulf %gather3A_456, %get3A_478 : vector<16xf32>
          %add3A_480 = arith.addf %add3A_453, %mul3A_479 : vector<16xf32>
          %broadcast_in_dim3A_481 = arith.constant 12 : i32
          %broadcast_in_dim3A_482 = vector.broadcast %broadcast_in_dim3A_481 : i32 to vector<16xi32>
          %gather3A_483 = tpu.vector_load_idx %arg11[%add3A_144, %broadcast_in_dim3A_482] : memref<64x64xf32, #tpu.memory_space<vmem>>[vector<16xi32>, vector<16xi32>], vector<16xf32>,
          %get3A_484 = arith.constant 192 : index
          %get3A_485 = tpu.vector_load %arg12[%get3A_484] {strides = array<i32>} : memref<6272xf32, #tpu.memory_space<vmem>>, vector<16xf32>,
          %mul3A_486 = arith.mulf %gather3A_483, %get3A_485 : vector<16xf32>
          %add3A_487 = arith.addf %add3A_460, %mul3A_486 : vector<16xf32>
          %get3A_488 = arith.constant 1216 : index
          %get3A_489 = tpu.vector_load %arg12[%get3A_488] {strides = array<i32>} : memref<6272xf32, #tpu.memory_space<vmem>>, vector<16xf32>,
          %mul3A_490 = arith.mulf %gather3A_483, %get3A_489 : vector<16xf32>
          %add3A_491 = arith.addf %add3A_464, %mul3A_490 : vector<16xf32>
          %get3A_492 = arith.constant 2240 : index
          %get3A_493 = tpu.vector_load %arg12[%get3A_492] {strides = array<i32>} : memref<6272xf32, #tpu.memory_space<vmem>>, vector<16xf32>,
          %mul3A_494 = arith.mulf %gather3A_483, %get3A_493 : vector<16xf32>
          %add3A_495 = arith.addf %add3A_468, %mul3A_494 : vector<16xf32>
          %get3A_496 = arith.constant 3264 : index
          %get3A_497 = tpu.vector_load %arg12[%get3A_496] {strides = array<i32>} : memref<6272xf32, #tpu.memory_space<vmem>>, vector<16xf32>,
          %mul3A_498 = arith.mulf %gather3A_483, %get3A_497 : vector<16xf32>
          %add3A_499 = arith.addf %add3A_472, %mul3A_498 : vector<16xf32>
          %get3A_500 = arith.constant 4288 : index
          %get3A_501 = tpu.vector_load %arg12[%get3A_500] {strides = array<i32>} : memref<6272xf32, #tpu.memory_space<vmem>>, vector<16xf32>,
          %mul3A_502 = arith.mulf %gather3A_483, %get3A_501 : vector<16xf32>
          %add3A_503 = arith.addf %add3A_476, %mul3A_502 : vector<16xf32>
          %get3A_504 = arith.constant 5312 : index
          %get3A_505 = tpu.vector_load %arg12[%get3A_504] {strides = array<i32>} : memref<6272xf32, #tpu.memory_space<vmem>>, vector<16xf32>,
          %mul3A_506 = arith.mulf %gather3A_483, %get3A_505 : vector<16xf32>
          %add3A_507 = arith.addf %add3A_480, %mul3A_506 : vector<16xf32>
          %broadcast_in_dim3A_508 = arith.constant 13 : i32
          %broadcast_in_dim3A_509 = vector.broadcast %broadcast_in_dim3A_508 : i32 to vector<16xi32>
          %gather3A_510 = tpu.vector_load_idx %arg11[%add3A_144, %broadcast_in_dim3A_509] : memref<64x64xf32, #tpu.memory_space<vmem>>[vector<16xi32>, vector<16xi32>], vector<16xf32>,
          %get3A_511 = arith.constant 208 : index
          %get3A_512 = tpu.vector_load %arg12[%get3A_511] {strides = array<i32>} : memref<6272xf32, #tpu.memory_space<vmem>>, vector<16xf32>,
          %mul3A_513 = arith.mulf %gather3A_510, %get3A_512 : vector<16xf32>
          %add3A_514 = arith.addf %add3A_487, %mul3A_513 : vector<16xf32>
          %get3A_515 = arith.constant 1232 : index
          %get3A_516 = tpu.vector_load %arg12[%get3A_515] {strides = array<i32>} : memref<6272xf32, #tpu.memory_space<vmem>>, vector<16xf32>,
          %mul3A_517 = arith.mulf %gather3A_510, %get3A_516 : vector<16xf32>
          %add3A_518 = arith.addf %add3A_491, %mul3A_517 : vector<16xf32>
          %get3A_519 = arith.constant 2256 : index
          %get3A_520 = tpu.vector_load %arg12[%get3A_519] {strides = array<i32>} : memref<6272xf32, #tpu.memory_space<vmem>>, vector<16xf32>,
          %mul3A_521 = arith.mulf %gather3A_510, %get3A_520 : vector<16xf32>
          %add3A_522 = arith.addf %add3A_495, %mul3A_521 : vector<16xf32>
          %get3A_523 = arith.constant 3280 : index
          %get3A_524 = tpu.vector_load %arg12[%get3A_523] {strides = array<i32>} : memref<6272xf32, #tpu.memory_space<vmem>>, vector<16xf32>,
          %mul3A_525 = arith.mulf %gather3A_510, %get3A_524 : vector<16xf32>
          %add3A_526 = arith.addf %add3A_499, %mul3A_525 : vector<16xf32>
          %get3A_527 = arith.constant 4304 : index
          %get3A_528 = tpu.vector_load %arg12[%get3A_527] {strides = array<i32>} : memref<6272xf32, #tpu.memory_space<vmem>>, vector<16xf32>,
          %mul3A_529 = arith.mulf %gather3A_510, %get3A_528 : vector<16xf32>
          %add3A_530 = arith.addf %add3A_503, %mul3A_529 : vector<16xf32>
          %get3A_531 = arith.constant 5328 : index
          %get3A_532 = tpu.vector_load %arg12[%get3A_531] {strides = array<i32>} : memref<6272xf32, #tpu.memory_space<vmem>>, vector<16xf32>,
          %mul3A_533 = arith.mulf %gather3A_510, %get3A_532 : vector<16xf32>
          %add3A_534 = arith.addf %add3A_507, %mul3A_533 : vector<16xf32>
          %broadcast_in_dim3A_535 = arith.constant 14 : i32
          %broadcast_in_dim3A_536 = vector.broadcast %broadcast_in_dim3A_535 : i32 to vector<16xi32>
          %gather3A_537 = tpu.vector_load_idx %arg11[%add3A_144, %broadcast_in_dim3A_536] : memref<64x64xf32, #tpu.memory_space<vmem>>[vector<16xi32>, vector<16xi32>], vector<16xf32>,
          %get3A_538 = arith.constant 224 : index
          %get3A_539 = tpu.vector_load %arg12[%get3A_538] {strides = array<i32>} : memref<6272xf32, #tpu.memory_space<vmem>>, vector<16xf32>,
          %mul3A_540 = arith.mulf %gather3A_537, %get3A_539 : vector<16xf32>
          %add3A_541 = arith.addf %add3A_514, %mul3A_540 : vector<16xf32>
          %get3A_542 = arith.constant 1248 : index
          %get3A_543 = tpu.vector_load %arg12[%get3A_542] {strides = array<i32>} : memref<6272xf32, #tpu.memory_space<vmem>>, vector<16xf32>,
          %mul3A_544 = arith.mulf %gather3A_537, %get3A_543 : vector<16xf32>
          %add3A_545 = arith.addf %add3A_518, %mul3A_544 : vector<16xf32>
          %get3A_546 = arith.constant 2272 : index
          %get3A_547 = tpu.vector_load %arg12[%get3A_546] {strides = array<i32>} : memref<6272xf32, #tpu.memory_space<vmem>>, vector<16xf32>,
          %mul3A_548 = arith.mulf %gather3A_537, %get3A_547 : vector<16xf32>
          %add3A_549 = arith.addf %add3A_522, %mul3A_548 : vector<16xf32>
          %get3A_550 = arith.constant 3296 : index
          %get3A_551 = tpu.vector_load %arg12[%get3A_550] {strides = array<i32>} : memref<6272xf32, #tpu.memory_space<vmem>>, vector<16xf32>,
          %mul3A_552 = arith.mulf %gather3A_537, %get3A_551 : vector<16xf32>
          %add3A_553 = arith.addf %add3A_526, %mul3A_552 : vector<16xf32>
          %get3A_554 = arith.constant 4320 : index
          %get3A_555 = tpu.vector_load %arg12[%get3A_554] {strides = array<i32>} : memref<6272xf32, #tpu.memory_space<vmem>>, vector<16xf32>,
          %mul3A_556 = arith.mulf %gather3A_537, %get3A_555 : vector<16xf32>
          %add3A_557 = arith.addf %add3A_530, %mul3A_556 : vector<16xf32>
          %get3A_558 = arith.constant 5344 : index
          %get3A_559 = tpu.vector_load %arg12[%get3A_558] {strides = array<i32>} : memref<6272xf32, #tpu.memory_space<vmem>>, vector<16xf32>,
          %mul3A_560 = arith.mulf %gather3A_537, %get3A_559 : vector<16xf32>
          %add3A_561 = arith.addf %add3A_534, %mul3A_560 : vector<16xf32>
          %broadcast_in_dim3A_562 = arith.constant 15 : i32
          %broadcast_in_dim3A_563 = vector.broadcast %broadcast_in_dim3A_562 : i32 to vector<16xi32>
          %gather3A_564 = tpu.vector_load_idx %arg11[%add3A_144, %broadcast_in_dim3A_563] : memref<64x64xf32, #tpu.memory_space<vmem>>[vector<16xi32>, vector<16xi32>], vector<16xf32>,
          %get3A_565 = arith.constant 240 : index
          %get3A_566 = tpu.vector_load %arg12[%get3A_565] {strides = array<i32>} : memref<6272xf32, #tpu.memory_space<vmem>>, vector<16xf32>,
          %mul3A_567 = arith.mulf %gather3A_564, %get3A_566 : vector<16xf32>
          %add3A_568 = arith.addf %add3A_541, %mul3A_567 : vector<16xf32>
          %get3A_569 = arith.constant 1264 : index
          %get3A_570 = tpu.vector_load %arg12[%get3A_569] {strides = array<i32>} : memref<6272xf32, #tpu.memory_space<vmem>>, vector<16xf32>,
          %mul3A_571 = arith.mulf %gather3A_564, %get3A_570 : vector<16xf32>
          %add3A_572 = arith.addf %add3A_545, %mul3A_571 : vector<16xf32>
          %get3A_573 = arith.constant 2288 : index
          %get3A_574 = tpu.vector_load %arg12[%get3A_573] {strides = array<i32>} : memref<6272xf32, #tpu.memory_space<vmem>>, vector<16xf32>,
          %mul3A_575 = arith.mulf %gather3A_564, %get3A_574 : vector<16xf32>
          %add3A_576 = arith.addf %add3A_549, %mul3A_575 : vector<16xf32>
          %get3A_577 = arith.constant 3312 : index
          %get3A_578 = tpu.vector_load %arg12[%get3A_577] {strides = array<i32>} : memref<6272xf32, #tpu.memory_space<vmem>>, vector<16xf32>,
          %mul3A_579 = arith.mulf %gather3A_564, %get3A_578 : vector<16xf32>
          %add3A_580 = arith.addf %add3A_553, %mul3A_579 : vector<16xf32>
          %get3A_581 = arith.constant 4336 : index
          %get3A_582 = tpu.vector_load %arg12[%get3A_581] {strides = array<i32>} : memref<6272xf32, #tpu.memory_space<vmem>>, vector<16xf32>,
          %mul3A_583 = arith.mulf %gather3A_564, %get3A_582 : vector<16xf32>
          %add3A_584 = arith.addf %add3A_557, %mul3A_583 : vector<16xf32>
          %get3A_585 = arith.constant 5360 : index
          %get3A_586 = tpu.vector_load %arg12[%get3A_585] {strides = array<i32>} : memref<6272xf32, #tpu.memory_space<vmem>>, vector<16xf32>,
          %mul3A_587 = arith.mulf %gather3A_564, %get3A_586 : vector<16xf32>
          %add3A_588 = arith.addf %add3A_561, %mul3A_587 : vector<16xf32>
          %broadcast_in_dim3A_589 = arith.constant 16 : i32
          %broadcast_in_dim3A_590 = vector.broadcast %broadcast_in_dim3A_589 : i32 to vector<16xi32>
          %gather3A_591 = tpu.vector_load_idx %arg11[%add3A_144, %broadcast_in_dim3A_590] : memref<64x64xf32, #tpu.memory_space<vmem>>[vector<16xi32>, vector<16xi32>], vector<16xf32>,
          %get3A_592 = arith.constant 256 : index
          %get3A_593 = tpu.vector_load %arg12[%get3A_592] {strides = array<i32>} : memref<6272xf32, #tpu.memory_space<vmem>>, vector<16xf32>,
          %mul3A_594 = arith.mulf %gather3A_591, %get3A_593 : vector<16xf32>
          %add3A_595 = arith.addf %add3A_568, %mul3A_594 : vector<16xf32>
          %get3A_596 = arith.constant 1280 : index
          %get3A_597 = tpu.vector_load %arg12[%get3A_596] {strides = array<i32>} : memref<6272xf32, #tpu.memory_space<vmem>>, vector<16xf32>,
          %mul3A_598 = arith.mulf %gather3A_591, %get3A_597 : vector<16xf32>
          %add3A_599 = arith.addf %add3A_572, %mul3A_598 : vector<16xf32>
          %get3A_600 = arith.constant 2304 : index
          %get3A_601 = tpu.vector_load %arg12[%get3A_600] {strides = array<i32>} : memref<6272xf32, #tpu.memory_space<vmem>>, vector<16xf32>,
          %mul3A_602 = arith.mulf %gather3A_591, %get3A_601 : vector<16xf32>
          %add3A_603 = arith.addf %add3A_576, %mul3A_602 : vector<16xf32>
          %get3A_604 = arith.constant 3328 : index
          %get3A_605 = tpu.vector_load %arg12[%get3A_604] {strides = array<i32>} : memref<6272xf32, #tpu.memory_space<vmem>>, vector<16xf32>,
          %mul3A_606 = arith.mulf %gather3A_591, %get3A_605 : vector<16xf32>
          %add3A_607 = arith.addf %add3A_580, %mul3A_606 : vector<16xf32>
          %get3A_608 = arith.constant 4352 : index
          %get3A_609 = tpu.vector_load %arg12[%get3A_608] {strides = array<i32>} : memref<6272xf32, #tpu.memory_space<vmem>>, vector<16xf32>,
          %mul3A_610 = arith.mulf %gather3A_591, %get3A_609 : vector<16xf32>
          %add3A_611 = arith.addf %add3A_584, %mul3A_610 : vector<16xf32>
          %get3A_612 = arith.constant 5376 : index
          %get3A_613 = tpu.vector_load %arg12[%get3A_612] {strides = array<i32>} : memref<6272xf32, #tpu.memory_space<vmem>>, vector<16xf32>,
          %mul3A_614 = arith.mulf %gather3A_591, %get3A_613 : vector<16xf32>
          %add3A_615 = arith.addf %add3A_588, %mul3A_614 : vector<16xf32>
          %broadcast_in_dim3A_616 = arith.constant 17 : i32
          %broadcast_in_dim3A_617 = vector.broadcast %broadcast_in_dim3A_616 : i32 to vector<16xi32>
          %gather3A_618 = tpu.vector_load_idx %arg11[%add3A_144, %broadcast_in_dim3A_617] : memref<64x64xf32, #tpu.memory_space<vmem>>[vector<16xi32>, vector<16xi32>], vector<16xf32>,
          %get3A_619 = arith.constant 272 : index
          %get3A_620 = tpu.vector_load %arg12[%get3A_619] {strides = array<i32>} : memref<6272xf32, #tpu.memory_space<vmem>>, vector<16xf32>,
          %mul3A_621 = arith.mulf %gather3A_618, %get3A_620 : vector<16xf32>
          %add3A_622 = arith.addf %add3A_595, %mul3A_621 : vector<16xf32>
          %get3A_623 = arith.constant 1296 : index
          %get3A_624 = tpu.vector_load %arg12[%get3A_623] {strides = array<i32>} : memref<6272xf32, #tpu.memory_space<vmem>>, vector<16xf32>,
          %mul3A_625 = arith.mulf %gather3A_618, %get3A_624 : vector<16xf32>
          %add3A_626 = arith.addf %add3A_599, %mul3A_625 : vector<16xf32>
          %get3A_627 = arith.constant 2320 : index
          %get3A_628 = tpu.vector_load %arg12[%get3A_627] {strides = array<i32>} : memref<6272xf32, #tpu.memory_space<vmem>>, vector<16xf32>,
          %mul3A_629 = arith.mulf %gather3A_618, %get3A_628 : vector<16xf32>
          %add3A_630 = arith.addf %add3A_603, %mul3A_629 : vector<16xf32>
          %get3A_631 = arith.constant 3344 : index
          %get3A_632 = tpu.vector_load %arg12[%get3A_631] {strides = array<i32>} : memref<6272xf32, #tpu.memory_space<vmem>>, vector<16xf32>,
          %mul3A_633 = arith.mulf %gather3A_618, %get3A_632 : vector<16xf32>
          %add3A_634 = arith.addf %add3A_607, %mul3A_633 : vector<16xf32>
          %get3A_635 = arith.constant 4368 : index
          %get3A_636 = tpu.vector_load %arg12[%get3A_635] {strides = array<i32>} : memref<6272xf32, #tpu.memory_space<vmem>>, vector<16xf32>,
          %mul3A_637 = arith.mulf %gather3A_618, %get3A_636 : vector<16xf32>
          %add3A_638 = arith.addf %add3A_611, %mul3A_637 : vector<16xf32>
          %get3A_639 = arith.constant 5392 : index
          %get3A_640 = tpu.vector_load %arg12[%get3A_639] {strides = array<i32>} : memref<6272xf32, #tpu.memory_space<vmem>>, vector<16xf32>,
          %mul3A_641 = arith.mulf %gather3A_618, %get3A_640 : vector<16xf32>
          %add3A_642 = arith.addf %add3A_615, %mul3A_641 : vector<16xf32>
          %broadcast_in_dim3A_643 = arith.constant 18 : i32
          %broadcast_in_dim3A_644 = vector.broadcast %broadcast_in_dim3A_643 : i32 to vector<16xi32>
          %gather3A_645 = tpu.vector_load_idx %arg11[%add3A_144, %broadcast_in_dim3A_644] : memref<64x64xf32, #tpu.memory_space<vmem>>[vector<16xi32>, vector<16xi32>], vector<16xf32>,
          %get3A_646 = arith.constant 288 : index
          %get3A_647 = tpu.vector_load %arg12[%get3A_646] {strides = array<i32>} : memref<6272xf32, #tpu.memory_space<vmem>>, vector<16xf32>,
          %mul3A_648 = arith.mulf %gather3A_645, %get3A_647 : vector<16xf32>
          %add3A_649 = arith.addf %add3A_622, %mul3A_648 : vector<16xf32>
          %get3A_650 = arith.constant 1312 : index
          %get3A_651 = tpu.vector_load %arg12[%get3A_650] {strides = array<i32>} : memref<6272xf32, #tpu.memory_space<vmem>>, vector<16xf32>,
          %mul3A_652 = arith.mulf %gather3A_645, %get3A_651 : vector<16xf32>
          %add3A_653 = arith.addf %add3A_626, %mul3A_652 : vector<16xf32>
          %get3A_654 = arith.constant 2336 : index
          %get3A_655 = tpu.vector_load %arg12[%get3A_654] {strides = array<i32>} : memref<6272xf32, #tpu.memory_space<vmem>>, vector<16xf32>,
          %mul3A_656 = arith.mulf %gather3A_645, %get3A_655 : vector<16xf32>
          %add3A_657 = arith.addf %add3A_630, %mul3A_656 : vector<16xf32>
          %get3A_658 = arith.constant 3360 : index
          %get3A_659 = tpu.vector_load %arg12[%get3A_658] {strides = array<i32>} : memref<6272xf32, #tpu.memory_space<vmem>>, vector<16xf32>,
          %mul3A_660 = arith.mulf %gather3A_645, %get3A_659 : vector<16xf32>
          %add3A_661 = arith.addf %add3A_634, %mul3A_660 : vector<16xf32>
          %get3A_662 = arith.constant 4384 : index
          %get3A_663 = tpu.vector_load %arg12[%get3A_662] {strides = array<i32>} : memref<6272xf32, #tpu.memory_space<vmem>>, vector<16xf32>,
          %mul3A_664 = arith.mulf %gather3A_645, %get3A_663 : vector<16xf32>
          %add3A_665 = arith.addf %add3A_638, %mul3A_664 : vector<16xf32>
          %get3A_666 = arith.constant 5408 : index
          %get3A_667 = tpu.vector_load %arg12[%get3A_666] {strides = array<i32>} : memref<6272xf32, #tpu.memory_space<vmem>>, vector<16xf32>,
          %mul3A_668 = arith.mulf %gather3A_645, %get3A_667 : vector<16xf32>
          %add3A_669 = arith.addf %add3A_642, %mul3A_668 : vector<16xf32>
          %broadcast_in_dim3A_670 = arith.constant 19 : i32
          %broadcast_in_dim3A_671 = vector.broadcast %broadcast_in_dim3A_670 : i32 to vector<16xi32>
          %gather3A_672 = tpu.vector_load_idx %arg11[%add3A_144, %broadcast_in_dim3A_671] : memref<64x64xf32, #tpu.memory_space<vmem>>[vector<16xi32>, vector<16xi32>], vector<16xf32>,
          %get3A_673 = arith.constant 304 : index
          %get3A_674 = tpu.vector_load %arg12[%get3A_673] {strides = array<i32>} : memref<6272xf32, #tpu.memory_space<vmem>>, vector<16xf32>,
          %mul3A_675 = arith.mulf %gather3A_672, %get3A_674 : vector<16xf32>
          %add3A_676 = arith.addf %add3A_649, %mul3A_675 : vector<16xf32>
          %get3A_677 = arith.constant 1328 : index
          %get3A_678 = tpu.vector_load %arg12[%get3A_677] {strides = array<i32>} : memref<6272xf32, #tpu.memory_space<vmem>>, vector<16xf32>,
          %mul3A_679 = arith.mulf %gather3A_672, %get3A_678 : vector<16xf32>
          %add3A_680 = arith.addf %add3A_653, %mul3A_679 : vector<16xf32>
          %get3A_681 = arith.constant 2352 : index
          %get3A_682 = tpu.vector_load %arg12[%get3A_681] {strides = array<i32>} : memref<6272xf32, #tpu.memory_space<vmem>>, vector<16xf32>,
          %mul3A_683 = arith.mulf %gather3A_672, %get3A_682 : vector<16xf32>
          %add3A_684 = arith.addf %add3A_657, %mul3A_683 : vector<16xf32>
          %get3A_685 = arith.constant 3376 : index
          %get3A_686 = tpu.vector_load %arg12[%get3A_685] {strides = array<i32>} : memref<6272xf32, #tpu.memory_space<vmem>>, vector<16xf32>,
          %mul3A_687 = arith.mulf %gather3A_672, %get3A_686 : vector<16xf32>
          %add3A_688 = arith.addf %add3A_661, %mul3A_687 : vector<16xf32>
          %get3A_689 = arith.constant 4400 : index
          %get3A_690 = tpu.vector_load %arg12[%get3A_689] {strides = array<i32>} : memref<6272xf32, #tpu.memory_space<vmem>>, vector<16xf32>,
          %mul3A_691 = arith.mulf %gather3A_672, %get3A_690 : vector<16xf32>
          %add3A_692 = arith.addf %add3A_665, %mul3A_691 : vector<16xf32>
          %get3A_693 = arith.constant 5424 : index
          %get3A_694 = tpu.vector_load %arg12[%get3A_693] {strides = array<i32>} : memref<6272xf32, #tpu.memory_space<vmem>>, vector<16xf32>,
          %mul3A_695 = arith.mulf %gather3A_672, %get3A_694 : vector<16xf32>
          %add3A_696 = arith.addf %add3A_669, %mul3A_695 : vector<16xf32>
          %broadcast_in_dim3A_697 = arith.constant 20 : i32
          %broadcast_in_dim3A_698 = vector.broadcast %broadcast_in_dim3A_697 : i32 to vector<16xi32>
          %gather3A_699 = tpu.vector_load_idx %arg11[%add3A_144, %broadcast_in_dim3A_698] : memref<64x64xf32, #tpu.memory_space<vmem>>[vector<16xi32>, vector<16xi32>], vector<16xf32>,
          %get3A_700 = arith.constant 320 : index
          %get3A_701 = tpu.vector_load %arg12[%get3A_700] {strides = array<i32>} : memref<6272xf32, #tpu.memory_space<vmem>>, vector<16xf32>,
          %mul3A_702 = arith.mulf %gather3A_699, %get3A_701 : vector<16xf32>
          %add3A_703 = arith.addf %add3A_676, %mul3A_702 : vector<16xf32>
          %get3A_704 = arith.constant 1344 : index
          %get3A_705 = tpu.vector_load %arg12[%get3A_704] {strides = array<i32>} : memref<6272xf32, #tpu.memory_space<vmem>>, vector<16xf32>,
          %mul3A_706 = arith.mulf %gather3A_699, %get3A_705 : vector<16xf32>
          %add3A_707 = arith.addf %add3A_680, %mul3A_706 : vector<16xf32>
          %get3A_708 = arith.constant 2368 : index
          %get3A_709 = tpu.vector_load %arg12[%get3A_708] {strides = array<i32>} : memref<6272xf32, #tpu.memory_space<vmem>>, vector<16xf32>,
          %mul3A_710 = arith.mulf %gather3A_699, %get3A_709 : vector<16xf32>
          %add3A_711 = arith.addf %add3A_684, %mul3A_710 : vector<16xf32>
          %get3A_712 = arith.constant 3392 : index
          %get3A_713 = tpu.vector_load %arg12[%get3A_712] {strides = array<i32>} : memref<6272xf32, #tpu.memory_space<vmem>>, vector<16xf32>,
          %mul3A_714 = arith.mulf %gather3A_699, %get3A_713 : vector<16xf32>
          %add3A_715 = arith.addf %add3A_688, %mul3A_714 : vector<16xf32>
          %get3A_716 = arith.constant 4416 : index
          %get3A_717 = tpu.vector_load %arg12[%get3A_716] {strides = array<i32>} : memref<6272xf32, #tpu.memory_space<vmem>>, vector<16xf32>,
          %mul3A_718 = arith.mulf %gather3A_699, %get3A_717 : vector<16xf32>
          %add3A_719 = arith.addf %add3A_692, %mul3A_718 : vector<16xf32>
          %get3A_720 = arith.constant 5440 : index
          %get3A_721 = tpu.vector_load %arg12[%get3A_720] {strides = array<i32>} : memref<6272xf32, #tpu.memory_space<vmem>>, vector<16xf32>,
          %mul3A_722 = arith.mulf %gather3A_699, %get3A_721 : vector<16xf32>
          %add3A_723 = arith.addf %add3A_696, %mul3A_722 : vector<16xf32>
          %broadcast_in_dim3A_724 = arith.constant 21 : i32
          %broadcast_in_dim3A_725 = vector.broadcast %broadcast_in_dim3A_724 : i32 to vector<16xi32>
          %gather3A_726 = tpu.vector_load_idx %arg11[%add3A_144, %broadcast_in_dim3A_725] : memref<64x64xf32, #tpu.memory_space<vmem>>[vector<16xi32>, vector<16xi32>], vector<16xf32>,
          %get3A_727 = arith.constant 336 : index
          %get3A_728 = tpu.vector_load %arg12[%get3A_727] {strides = array<i32>} : memref<6272xf32, #tpu.memory_space<vmem>>, vector<16xf32>,
          %mul3A_729 = arith.mulf %gather3A_726, %get3A_728 : vector<16xf32>
          %add3A_730 = arith.addf %add3A_703, %mul3A_729 : vector<16xf32>
          %get3A_731 = arith.constant 1360 : index
          %get3A_732 = tpu.vector_load %arg12[%get3A_731] {strides = array<i32>} : memref<6272xf32, #tpu.memory_space<vmem>>, vector<16xf32>,
          %mul3A_733 = arith.mulf %gather3A_726, %get3A_732 : vector<16xf32>
          %add3A_734 = arith.addf %add3A_707, %mul3A_733 : vector<16xf32>
          %get3A_735 = arith.constant 2384 : index
          %get3A_736 = tpu.vector_load %arg12[%get3A_735] {strides = array<i32>} : memref<6272xf32, #tpu.memory_space<vmem>>, vector<16xf32>,
          %mul3A_737 = arith.mulf %gather3A_726, %get3A_736 : vector<16xf32>
          %add3A_738 = arith.addf %add3A_711, %mul3A_737 : vector<16xf32>
          %get3A_739 = arith.constant 3408 : index
          %get3A_740 = tpu.vector_load %arg12[%get3A_739] {strides = array<i32>} : memref<6272xf32, #tpu.memory_space<vmem>>, vector<16xf32>,
          %mul3A_741 = arith.mulf %gather3A_726, %get3A_740 : vector<16xf32>
          %add3A_742 = arith.addf %add3A_715, %mul3A_741 : vector<16xf32>
          %get3A_743 = arith.constant 4432 : index
          %get3A_744 = tpu.vector_load %arg12[%get3A_743] {strides = array<i32>} : memref<6272xf32, #tpu.memory_space<vmem>>, vector<16xf32>,
          %mul3A_745 = arith.mulf %gather3A_726, %get3A_744 : vector<16xf32>
          %add3A_746 = arith.addf %add3A_719, %mul3A_745 : vector<16xf32>
          %get3A_747 = arith.constant 5456 : index
          %get3A_748 = tpu.vector_load %arg12[%get3A_747] {strides = array<i32>} : memref<6272xf32, #tpu.memory_space<vmem>>, vector<16xf32>,
          %mul3A_749 = arith.mulf %gather3A_726, %get3A_748 : vector<16xf32>
          %add3A_750 = arith.addf %add3A_723, %mul3A_749 : vector<16xf32>
          %broadcast_in_dim3A_751 = arith.constant 22 : i32
          %broadcast_in_dim3A_752 = vector.broadcast %broadcast_in_dim3A_751 : i32 to vector<16xi32>
          %gather3A_753 = tpu.vector_load_idx %arg11[%add3A_144, %broadcast_in_dim3A_752] : memref<64x64xf32, #tpu.memory_space<vmem>>[vector<16xi32>, vector<16xi32>], vector<16xf32>,
          %get3A_754 = arith.constant 352 : index
          %get3A_755 = tpu.vector_load %arg12[%get3A_754] {strides = array<i32>} : memref<6272xf32, #tpu.memory_space<vmem>>, vector<16xf32>,
          %mul3A_756 = arith.mulf %gather3A_753, %get3A_755 : vector<16xf32>
          %add3A_757 = arith.addf %add3A_730, %mul3A_756 : vector<16xf32>
          %get3A_758 = arith.constant 1376 : index
          %get3A_759 = tpu.vector_load %arg12[%get3A_758] {strides = array<i32>} : memref<6272xf32, #tpu.memory_space<vmem>>, vector<16xf32>,
          %mul3A_760 = arith.mulf %gather3A_753, %get3A_759 : vector<16xf32>
          %add3A_761 = arith.addf %add3A_734, %mul3A_760 : vector<16xf32>
          %get3A_762 = arith.constant 2400 : index
          %get3A_763 = tpu.vector_load %arg12[%get3A_762] {strides = array<i32>} : memref<6272xf32, #tpu.memory_space<vmem>>, vector<16xf32>,
          %mul3A_764 = arith.mulf %gather3A_753, %get3A_763 : vector<16xf32>
          %add3A_765 = arith.addf %add3A_738, %mul3A_764 : vector<16xf32>
          %get3A_766 = arith.constant 3424 : index
          %get3A_767 = tpu.vector_load %arg12[%get3A_766] {strides = array<i32>} : memref<6272xf32, #tpu.memory_space<vmem>>, vector<16xf32>,
          %mul3A_768 = arith.mulf %gather3A_753, %get3A_767 : vector<16xf32>
          %add3A_769 = arith.addf %add3A_742, %mul3A_768 : vector<16xf32>
          %get3A_770 = arith.constant 4448 : index
          %get3A_771 = tpu.vector_load %arg12[%get3A_770] {strides = array<i32>} : memref<6272xf32, #tpu.memory_space<vmem>>, vector<16xf32>,
          %mul3A_772 = arith.mulf %gather3A_753, %get3A_771 : vector<16xf32>
          %add3A_773 = arith.addf %add3A_746, %mul3A_772 : vector<16xf32>
          %get3A_774 = arith.constant 5472 : index
          %get3A_775 = tpu.vector_load %arg12[%get3A_774] {strides = array<i32>} : memref<6272xf32, #tpu.memory_space<vmem>>, vector<16xf32>,
          %mul3A_776 = arith.mulf %gather3A_753, %get3A_775 : vector<16xf32>
          %add3A_777 = arith.addf %add3A_750, %mul3A_776 : vector<16xf32>
          %broadcast_in_dim3A_778 = arith.constant 23 : i32
          %broadcast_in_dim3A_779 = vector.broadcast %broadcast_in_dim3A_778 : i32 to vector<16xi32>
          %gather3A_780 = tpu.vector_load_idx %arg11[%add3A_144, %broadcast_in_dim3A_779] : memref<64x64xf32, #tpu.memory_space<vmem>>[vector<16xi32>, vector<16xi32>], vector<16xf32>,
          %get3A_781 = arith.constant 368 : index
          %get3A_782 = tpu.vector_load %arg12[%get3A_781] {strides = array<i32>} : memref<6272xf32, #tpu.memory_space<vmem>>, vector<16xf32>,
          %mul3A_783 = arith.mulf %gather3A_780, %get3A_782 : vector<16xf32>
          %add3A_784 = arith.addf %add3A_757, %mul3A_783 : vector<16xf32>
          %get3A_785 = arith.constant 1392 : index
          %get3A_786 = tpu.vector_load %arg12[%get3A_785] {strides = array<i32>} : memref<6272xf32, #tpu.memory_space<vmem>>, vector<16xf32>,
          %mul3A_787 = arith.mulf %gather3A_780, %get3A_786 : vector<16xf32>
          %add3A_788 = arith.addf %add3A_761, %mul3A_787 : vector<16xf32>
          %get3A_789 = arith.constant 2416 : index
          %get3A_790 = tpu.vector_load %arg12[%get3A_789] {strides = array<i32>} : memref<6272xf32, #tpu.memory_space<vmem>>, vector<16xf32>,
          %mul3A_791 = arith.mulf %gather3A_780, %get3A_790 : vector<16xf32>
          %add3A_792 = arith.addf %add3A_765, %mul3A_791 : vector<16xf32>
          %get3A_793 = arith.constant 3440 : index
          %get3A_794 = tpu.vector_load %arg12[%get3A_793] {strides = array<i32>} : memref<6272xf32, #tpu.memory_space<vmem>>, vector<16xf32>,
          %mul3A_795 = arith.mulf %gather3A_780, %get3A_794 : vector<16xf32>
          %add3A_796 = arith.addf %add3A_769, %mul3A_795 : vector<16xf32>
          %get3A_797 = arith.constant 4464 : index
          %get3A_798 = tpu.vector_load %arg12[%get3A_797] {strides = array<i32>} : memref<6272xf32, #tpu.memory_space<vmem>>, vector<16xf32>,
          %mul3A_799 = arith.mulf %gather3A_780, %get3A_798 : vector<16xf32>
          %add3A_800 = arith.addf %add3A_773, %mul3A_799 : vector<16xf32>
          %get3A_801 = arith.constant 5488 : index
          %get3A_802 = tpu.vector_load %arg12[%get3A_801] {strides = array<i32>} : memref<6272xf32, #tpu.memory_space<vmem>>, vector<16xf32>,
          %mul3A_803 = arith.mulf %gather3A_780, %get3A_802 : vector<16xf32>
          %add3A_804 = arith.addf %add3A_777, %mul3A_803 : vector<16xf32>
          %broadcast_in_dim3A_805 = arith.constant 24 : i32
          %broadcast_in_dim3A_806 = vector.broadcast %broadcast_in_dim3A_805 : i32 to vector<16xi32>
          %gather3A_807 = tpu.vector_load_idx %arg11[%add3A_144, %broadcast_in_dim3A_806] : memref<64x64xf32, #tpu.memory_space<vmem>>[vector<16xi32>, vector<16xi32>], vector<16xf32>,
          %get3A_808 = arith.constant 384 : index
          %get3A_809 = tpu.vector_load %arg12[%get3A_808] {strides = array<i32>} : memref<6272xf32, #tpu.memory_space<vmem>>, vector<16xf32>,
          %mul3A_810 = arith.mulf %gather3A_807, %get3A_809 : vector<16xf32>
          %add3A_811 = arith.addf %add3A_784, %mul3A_810 : vector<16xf32>
          %get3A_812 = arith.constant 1408 : index
          %get3A_813 = tpu.vector_load %arg12[%get3A_812] {strides = array<i32>} : memref<6272xf32, #tpu.memory_space<vmem>>, vector<16xf32>,
          %mul3A_814 = arith.mulf %gather3A_807, %get3A_813 : vector<16xf32>
          %add3A_815 = arith.addf %add3A_788, %mul3A_814 : vector<16xf32>
          %get3A_816 = arith.constant 2432 : index
          %get3A_817 = tpu.vector_load %arg12[%get3A_816] {strides = array<i32>} : memref<6272xf32, #tpu.memory_space<vmem>>, vector<16xf32>,
          %mul3A_818 = arith.mulf %gather3A_807, %get3A_817 : vector<16xf32>
          %add3A_819 = arith.addf %add3A_792, %mul3A_818 : vector<16xf32>
          %get3A_820 = arith.constant 3456 : index
          %get3A_821 = tpu.vector_load %arg12[%get3A_820] {strides = array<i32>} : memref<6272xf32, #tpu.memory_space<vmem>>, vector<16xf32>,
          %mul3A_822 = arith.mulf %gather3A_807, %get3A_821 : vector<16xf32>
          %add3A_823 = arith.addf %add3A_796, %mul3A_822 : vector<16xf32>
          %get3A_824 = arith.constant 4480 : index
          %get3A_825 = tpu.vector_load %arg12[%get3A_824] {strides = array<i32>} : memref<6272xf32, #tpu.memory_space<vmem>>, vector<16xf32>,
          %mul3A_826 = arith.mulf %gather3A_807, %get3A_825 : vector<16xf32>
          %add3A_827 = arith.addf %add3A_800, %mul3A_826 : vector<16xf32>
          %get3A_828 = arith.constant 5504 : index
          %get3A_829 = tpu.vector_load %arg12[%get3A_828] {strides = array<i32>} : memref<6272xf32, #tpu.memory_space<vmem>>, vector<16xf32>,
          %mul3A_830 = arith.mulf %gather3A_807, %get3A_829 : vector<16xf32>
          %add3A_831 = arith.addf %add3A_804, %mul3A_830 : vector<16xf32>
          %broadcast_in_dim3A_832 = arith.constant 25 : i32
          %broadcast_in_dim3A_833 = vector.broadcast %broadcast_in_dim3A_832 : i32 to vector<16xi32>
          %gather3A_834 = tpu.vector_load_idx %arg11[%add3A_144, %broadcast_in_dim3A_833] : memref<64x64xf32, #tpu.memory_space<vmem>>[vector<16xi32>, vector<16xi32>], vector<16xf32>,
          %get3A_835 = arith.constant 400 : index
          %get3A_836 = tpu.vector_load %arg12[%get3A_835] {strides = array<i32>} : memref<6272xf32, #tpu.memory_space<vmem>>, vector<16xf32>,
          %mul3A_837 = arith.mulf %gather3A_834, %get3A_836 : vector<16xf32>
          %add3A_838 = arith.addf %add3A_811, %mul3A_837 : vector<16xf32>
          %get3A_839 = arith.constant 1424 : index
          %get3A_840 = tpu.vector_load %arg12[%get3A_839] {strides = array<i32>} : memref<6272xf32, #tpu.memory_space<vmem>>, vector<16xf32>,
          %mul3A_841 = arith.mulf %gather3A_834, %get3A_840 : vector<16xf32>
          %add3A_842 = arith.addf %add3A_815, %mul3A_841 : vector<16xf32>
          %get3A_843 = arith.constant 2448 : index
          %get3A_844 = tpu.vector_load %arg12[%get3A_843] {strides = array<i32>} : memref<6272xf32, #tpu.memory_space<vmem>>, vector<16xf32>,
          %mul3A_845 = arith.mulf %gather3A_834, %get3A_844 : vector<16xf32>
          %add3A_846 = arith.addf %add3A_819, %mul3A_845 : vector<16xf32>
          %get3A_847 = arith.constant 3472 : index
          %get3A_848 = tpu.vector_load %arg12[%get3A_847] {strides = array<i32>} : memref<6272xf32, #tpu.memory_space<vmem>>, vector<16xf32>,
          %mul3A_849 = arith.mulf %gather3A_834, %get3A_848 : vector<16xf32>
          %add3A_850 = arith.addf %add3A_823, %mul3A_849 : vector<16xf32>
          %get3A_851 = arith.constant 4496 : index
          %get3A_852 = tpu.vector_load %arg12[%get3A_851] {strides = array<i32>} : memref<6272xf32, #tpu.memory_space<vmem>>, vector<16xf32>,
          %mul3A_853 = arith.mulf %gather3A_834, %get3A_852 : vector<16xf32>
          %add3A_854 = arith.addf %add3A_827, %mul3A_853 : vector<16xf32>
          %get3A_855 = arith.constant 5520 : index
          %get3A_856 = tpu.vector_load %arg12[%get3A_855] {strides = array<i32>} : memref<6272xf32, #tpu.memory_space<vmem>>, vector<16xf32>,
          %mul3A_857 = arith.mulf %gather3A_834, %get3A_856 : vector<16xf32>
          %add3A_858 = arith.addf %add3A_831, %mul3A_857 : vector<16xf32>
          %broadcast_in_dim3A_859 = arith.constant 26 : i32
          %broadcast_in_dim3A_860 = vector.broadcast %broadcast_in_dim3A_859 : i32 to vector<16xi32>
          %gather3A_861 = tpu.vector_load_idx %arg11[%add3A_144, %broadcast_in_dim3A_860] : memref<64x64xf32, #tpu.memory_space<vmem>>[vector<16xi32>, vector<16xi32>], vector<16xf32>,
          %get3A_862 = arith.constant 416 : index
          %get3A_863 = tpu.vector_load %arg12[%get3A_862] {strides = array<i32>} : memref<6272xf32, #tpu.memory_space<vmem>>, vector<16xf32>,
          %mul3A_864 = arith.mulf %gather3A_861, %get3A_863 : vector<16xf32>
          %add3A_865 = arith.addf %add3A_838, %mul3A_864 : vector<16xf32>
          %get3A_866 = arith.constant 1440 : index
          %get3A_867 = tpu.vector_load %arg12[%get3A_866] {strides = array<i32>} : memref<6272xf32, #tpu.memory_space<vmem>>, vector<16xf32>,
          %mul3A_868 = arith.mulf %gather3A_861, %get3A_867 : vector<16xf32>
          %add3A_869 = arith.addf %add3A_842, %mul3A_868 : vector<16xf32>
          %get3A_870 = arith.constant 2464 : index
          %get3A_871 = tpu.vector_load %arg12[%get3A_870] {strides = array<i32>} : memref<6272xf32, #tpu.memory_space<vmem>>, vector<16xf32>,
          %mul3A_872 = arith.mulf %gather3A_861, %get3A_871 : vector<16xf32>
          %add3A_873 = arith.addf %add3A_846, %mul3A_872 : vector<16xf32>
          %get3A_874 = arith.constant 3488 : index
          %get3A_875 = tpu.vector_load %arg12[%get3A_874] {strides = array<i32>} : memref<6272xf32, #tpu.memory_space<vmem>>, vector<16xf32>,
          %mul3A_876 = arith.mulf %gather3A_861, %get3A_875 : vector<16xf32>
          %add3A_877 = arith.addf %add3A_850, %mul3A_876 : vector<16xf32>
          %get3A_878 = arith.constant 4512 : index
          %get3A_879 = tpu.vector_load %arg12[%get3A_878] {strides = array<i32>} : memref<6272xf32, #tpu.memory_space<vmem>>, vector<16xf32>,
          %mul3A_880 = arith.mulf %gather3A_861, %get3A_879 : vector<16xf32>
          %add3A_881 = arith.addf %add3A_854, %mul3A_880 : vector<16xf32>
          %get3A_882 = arith.constant 5536 : index
          %get3A_883 = tpu.vector_load %arg12[%get3A_882] {strides = array<i32>} : memref<6272xf32, #tpu.memory_space<vmem>>, vector<16xf32>,
          %mul3A_884 = arith.mulf %gather3A_861, %get3A_883 : vector<16xf32>
          %add3A_885 = arith.addf %add3A_858, %mul3A_884 : vector<16xf32>
          %broadcast_in_dim3A_886 = arith.constant 27 : i32
          %broadcast_in_dim3A_887 = vector.broadcast %broadcast_in_dim3A_886 : i32 to vector<16xi32>
          %gather3A_888 = tpu.vector_load_idx %arg11[%add3A_144, %broadcast_in_dim3A_887] : memref<64x64xf32, #tpu.memory_space<vmem>>[vector<16xi32>, vector<16xi32>], vector<16xf32>,
          %get3A_889 = arith.constant 432 : index
          %get3A_890 = tpu.vector_load %arg12[%get3A_889] {strides = array<i32>} : memref<6272xf32, #tpu.memory_space<vmem>>, vector<16xf32>,
          %mul3A_891 = arith.mulf %gather3A_888, %get3A_890 : vector<16xf32>
          %add3A_892 = arith.addf %add3A_865, %mul3A_891 : vector<16xf32>
          %get3A_893 = arith.constant 1456 : index
          %get3A_894 = tpu.vector_load %arg12[%get3A_893] {strides = array<i32>} : memref<6272xf32, #tpu.memory_space<vmem>>, vector<16xf32>,
          %mul3A_895 = arith.mulf %gather3A_888, %get3A_894 : vector<16xf32>
          %add3A_896 = arith.addf %add3A_869, %mul3A_895 : vector<16xf32>
          %get3A_897 = arith.constant 2480 : index
          %get3A_898 = tpu.vector_load %arg12[%get3A_897] {strides = array<i32>} : memref<6272xf32, #tpu.memory_space<vmem>>, vector<16xf32>,
          %mul3A_899 = arith.mulf %gather3A_888, %get3A_898 : vector<16xf32>
          %add3A_900 = arith.addf %add3A_873, %mul3A_899 : vector<16xf32>
          %get3A_901 = arith.constant 3504 : index
          %get3A_902 = tpu.vector_load %arg12[%get3A_901] {strides = array<i32>} : memref<6272xf32, #tpu.memory_space<vmem>>, vector<16xf32>,
          %mul3A_903 = arith.mulf %gather3A_888, %get3A_902 : vector<16xf32>
          %add3A_904 = arith.addf %add3A_877, %mul3A_903 : vector<16xf32>
          %get3A_905 = arith.constant 4528 : index
          %get3A_906 = tpu.vector_load %arg12[%get3A_905] {strides = array<i32>} : memref<6272xf32, #tpu.memory_space<vmem>>, vector<16xf32>,
          %mul3A_907 = arith.mulf %gather3A_888, %get3A_906 : vector<16xf32>
          %add3A_908 = arith.addf %add3A_881, %mul3A_907 : vector<16xf32>
          %get3A_909 = arith.constant 5552 : index
          %get3A_910 = tpu.vector_load %arg12[%get3A_909] {strides = array<i32>} : memref<6272xf32, #tpu.memory_space<vmem>>, vector<16xf32>,
          %mul3A_911 = arith.mulf %gather3A_888, %get3A_910 : vector<16xf32>
          %add3A_912 = arith.addf %add3A_885, %mul3A_911 : vector<16xf32>
          %broadcast_in_dim3A_913 = arith.constant 28 : i32
          %broadcast_in_dim3A_914 = vector.broadcast %broadcast_in_dim3A_913 : i32 to vector<16xi32>
          %gather3A_915 = tpu.vector_load_idx %arg11[%add3A_144, %broadcast_in_dim3A_914] : memref<64x64xf32, #tpu.memory_space<vmem>>[vector<16xi32>, vector<16xi32>], vector<16xf32>,
          %get3A_916 = arith.constant 448 : index
          %get3A_917 = tpu.vector_load %arg12[%get3A_916] {strides = array<i32>} : memref<6272xf32, #tpu.memory_space<vmem>>, vector<16xf32>,
          %mul3A_918 = arith.mulf %gather3A_915, %get3A_917 : vector<16xf32>
          %add3A_919 = arith.addf %add3A_892, %mul3A_918 : vector<16xf32>
          %get3A_920 = arith.constant 1472 : index
          %get3A_921 = tpu.vector_load %arg12[%get3A_920] {strides = array<i32>} : memref<6272xf32, #tpu.memory_space<vmem>>, vector<16xf32>,
          %mul3A_922 = arith.mulf %gather3A_915, %get3A_921 : vector<16xf32>
          %add3A_923 = arith.addf %add3A_896, %mul3A_922 : vector<16xf32>
          %get3A_924 = arith.constant 2496 : index
          %get3A_925 = tpu.vector_load %arg12[%get3A_924] {strides = array<i32>} : memref<6272xf32, #tpu.memory_space<vmem>>, vector<16xf32>,
          %mul3A_926 = arith.mulf %gather3A_915, %get3A_925 : vector<16xf32>
          %add3A_927 = arith.addf %add3A_900, %mul3A_926 : vector<16xf32>
          %get3A_928 = arith.constant 3520 : index
          %get3A_929 = tpu.vector_load %arg12[%get3A_928] {strides = array<i32>} : memref<6272xf32, #tpu.memory_space<vmem>>, vector<16xf32>,
          %mul3A_930 = arith.mulf %gather3A_915, %get3A_929 : vector<16xf32>
          %add3A_931 = arith.addf %add3A_904, %mul3A_930 : vector<16xf32>
          %get3A_932 = arith.constant 4544 : index
          %get3A_933 = tpu.vector_load %arg12[%get3A_932] {strides = array<i32>} : memref<6272xf32, #tpu.memory_space<vmem>>, vector<16xf32>,
          %mul3A_934 = arith.mulf %gather3A_915, %get3A_933 : vector<16xf32>
          %add3A_935 = arith.addf %add3A_908, %mul3A_934 : vector<16xf32>
          %get3A_936 = arith.constant 5568 : index
          %get3A_937 = tpu.vector_load %arg12[%get3A_936] {strides = array<i32>} : memref<6272xf32, #tpu.memory_space<vmem>>, vector<16xf32>,
          %mul3A_938 = arith.mulf %gather3A_915, %get3A_937 : vector<16xf32>
          %add3A_939 = arith.addf %add3A_912, %mul3A_938 : vector<16xf32>
          %broadcast_in_dim3A_940 = arith.constant 29 : i32
          %broadcast_in_dim3A_941 = vector.broadcast %broadcast_in_dim3A_940 : i32 to vector<16xi32>
          %gather3A_942 = tpu.vector_load_idx %arg11[%add3A_144, %broadcast_in_dim3A_941] : memref<64x64xf32, #tpu.memory_space<vmem>>[vector<16xi32>, vector<16xi32>], vector<16xf32>,
          %get3A_943 = arith.constant 464 : index
          %get3A_944 = tpu.vector_load %arg12[%get3A_943] {strides = array<i32>} : memref<6272xf32, #tpu.memory_space<vmem>>, vector<16xf32>,
          %mul3A_945 = arith.mulf %gather3A_942, %get3A_944 : vector<16xf32>
          %add3A_946 = arith.addf %add3A_919, %mul3A_945 : vector<16xf32>
          %get3A_947 = arith.constant 1488 : index
          %get3A_948 = tpu.vector_load %arg12[%get3A_947] {strides = array<i32>} : memref<6272xf32, #tpu.memory_space<vmem>>, vector<16xf32>,
          %mul3A_949 = arith.mulf %gather3A_942, %get3A_948 : vector<16xf32>
          %add3A_950 = arith.addf %add3A_923, %mul3A_949 : vector<16xf32>
          %get3A_951 = arith.constant 2512 : index
          %get3A_952 = tpu.vector_load %arg12[%get3A_951] {strides = array<i32>} : memref<6272xf32, #tpu.memory_space<vmem>>, vector<16xf32>,
          %mul3A_953 = arith.mulf %gather3A_942, %get3A_952 : vector<16xf32>
          %add3A_954 = arith.addf %add3A_927, %mul3A_953 : vector<16xf32>
          %get3A_955 = arith.constant 3536 : index
          %get3A_956 = tpu.vector_load %arg12[%get3A_955] {strides = array<i32>} : memref<6272xf32, #tpu.memory_space<vmem>>, vector<16xf32>,
          %mul3A_957 = arith.mulf %gather3A_942, %get3A_956 : vector<16xf32>
          %add3A_958 = arith.addf %add3A_931, %mul3A_957 : vector<16xf32>
          %get3A_959 = arith.constant 4560 : index
          %get3A_960 = tpu.vector_load %arg12[%get3A_959] {strides = array<i32>} : memref<6272xf32, #tpu.memory_space<vmem>>, vector<16xf32>,
          %mul3A_961 = arith.mulf %gather3A_942, %get3A_960 : vector<16xf32>
          %add3A_962 = arith.addf %add3A_935, %mul3A_961 : vector<16xf32>
          %get3A_963 = arith.constant 5584 : index
          %get3A_964 = tpu.vector_load %arg12[%get3A_963] {strides = array<i32>} : memref<6272xf32, #tpu.memory_space<vmem>>, vector<16xf32>,
          %mul3A_965 = arith.mulf %gather3A_942, %get3A_964 : vector<16xf32>
          %add3A_966 = arith.addf %add3A_939, %mul3A_965 : vector<16xf32>
          %broadcast_in_dim3A_967 = arith.constant 30 : i32
          %broadcast_in_dim3A_968 = vector.broadcast %broadcast_in_dim3A_967 : i32 to vector<16xi32>
          %gather3A_969 = tpu.vector_load_idx %arg11[%add3A_144, %broadcast_in_dim3A_968] : memref<64x64xf32, #tpu.memory_space<vmem>>[vector<16xi32>, vector<16xi32>], vector<16xf32>,
          %get3A_970 = arith.constant 480 : index
          %get3A_971 = tpu.vector_load %arg12[%get3A_970] {strides = array<i32>} : memref<6272xf32, #tpu.memory_space<vmem>>, vector<16xf32>,
          %mul3A_972 = arith.mulf %gather3A_969, %get3A_971 : vector<16xf32>
          %add3A_973 = arith.addf %add3A_946, %mul3A_972 : vector<16xf32>
          %get3A_974 = arith.constant 1504 : index
          %get3A_975 = tpu.vector_load %arg12[%get3A_974] {strides = array<i32>} : memref<6272xf32, #tpu.memory_space<vmem>>, vector<16xf32>,
          %mul3A_976 = arith.mulf %gather3A_969, %get3A_975 : vector<16xf32>
          %add3A_977 = arith.addf %add3A_950, %mul3A_976 : vector<16xf32>
          %get3A_978 = arith.constant 2528 : index
          %get3A_979 = tpu.vector_load %arg12[%get3A_978] {strides = array<i32>} : memref<6272xf32, #tpu.memory_space<vmem>>, vector<16xf32>,
          %mul3A_980 = arith.mulf %gather3A_969, %get3A_979 : vector<16xf32>
          %add3A_981 = arith.addf %add3A_954, %mul3A_980 : vector<16xf32>
          %get3A_982 = arith.constant 3552 : index
          %get3A_983 = tpu.vector_load %arg12[%get3A_982] {strides = array<i32>} : memref<6272xf32, #tpu.memory_space<vmem>>, vector<16xf32>,
          %mul3A_984 = arith.mulf %gather3A_969, %get3A_983 : vector<16xf32>
          %add3A_985 = arith.addf %add3A_958, %mul3A_984 : vector<16xf32>
          %get3A_986 = arith.constant 4576 : index
          %get3A_987 = tpu.vector_load %arg12[%get3A_986] {strides = array<i32>} : memref<6272xf32, #tpu.memory_space<vmem>>, vector<16xf32>,
          %mul3A_988 = arith.mulf %gather3A_969, %get3A_987 : vector<16xf32>
          %add3A_989 = arith.addf %add3A_962, %mul3A_988 : vector<16xf32>
          %get3A_990 = arith.constant 5600 : index
          %get3A_991 = tpu.vector_load %arg12[%get3A_990] {strides = array<i32>} : memref<6272xf32, #tpu.memory_space<vmem>>, vector<16xf32>,
          %mul3A_992 = arith.mulf %gather3A_969, %get3A_991 : vector<16xf32>
          %add3A_993 = arith.addf %add3A_966, %mul3A_992 : vector<16xf32>
          %broadcast_in_dim3A_994 = arith.constant 31 : i32
          %broadcast_in_dim3A_995 = vector.broadcast %broadcast_in_dim3A_994 : i32 to vector<16xi32>
          %gather3A_996 = tpu.vector_load_idx %arg11[%add3A_144, %broadcast_in_dim3A_995] : memref<64x64xf32, #tpu.memory_space<vmem>>[vector<16xi32>, vector<16xi32>], vector<16xf32>,
          %get3A_997 = arith.constant 496 : index
          %get3A_998 = tpu.vector_load %arg12[%get3A_997] {strides = array<i32>} : memref<6272xf32, #tpu.memory_space<vmem>>, vector<16xf32>,
          %mul3A_999 = arith.mulf %gather3A_996, %get3A_998 : vector<16xf32>
          %add3A_1000 = arith.addf %add3A_973, %mul3A_999 : vector<16xf32>
          %get3A_1001 = arith.constant 1520 : index
          %get3A_1002 = tpu.vector_load %arg12[%get3A_1001] {strides = array<i32>} : memref<6272xf32, #tpu.memory_space<vmem>>, vector<16xf32>,
          %mul3A_1003 = arith.mulf %gather3A_996, %get3A_1002 : vector<16xf32>
          %add3A_1004 = arith.addf %add3A_977, %mul3A_1003 : vector<16xf32>
          %get3A_1005 = arith.constant 2544 : index
          %get3A_1006 = tpu.vector_load %arg12[%get3A_1005] {strides = array<i32>} : memref<6272xf32, #tpu.memory_space<vmem>>, vector<16xf32>,
          %mul3A_1007 = arith.mulf %gather3A_996, %get3A_1006 : vector<16xf32>
          %add3A_1008 = arith.addf %add3A_981, %mul3A_1007 : vector<16xf32>
          %get3A_1009 = arith.constant 3568 : index
          %get3A_1010 = tpu.vector_load %arg12[%get3A_1009] {strides = array<i32>} : memref<6272xf32, #tpu.memory_space<vmem>>, vector<16xf32>,
          %mul3A_1011 = arith.mulf %gather3A_996, %get3A_1010 : vector<16xf32>
          %add3A_1012 = arith.addf %add3A_985, %mul3A_1011 : vector<16xf32>
          %get3A_1013 = arith.constant 4592 : index
          %get3A_1014 = tpu.vector_load %arg12[%get3A_1013] {strides = array<i32>} : memref<6272xf32, #tpu.memory_space<vmem>>, vector<16xf32>,
          %mul3A_1015 = arith.mulf %gather3A_996, %get3A_1014 : vector<16xf32>
          %add3A_1016 = arith.addf %add3A_989, %mul3A_1015 : vector<16xf32>
          %get3A_1017 = arith.constant 5616 : index
          %get3A_1018 = tpu.vector_load %arg12[%get3A_1017] {strides = array<i32>} : memref<6272xf32, #tpu.memory_space<vmem>>, vector<16xf32>,
          %mul3A_1019 = arith.mulf %gather3A_996, %get3A_1018 : vector<16xf32>
          %add3A_1020 = arith.addf %add3A_993, %mul3A_1019 : vector<16xf32>
          %broadcast_in_dim3A_1021 = arith.constant 32 : i32
          %broadcast_in_dim3A_1022 = vector.broadcast %broadcast_in_dim3A_1021 : i32 to vector<16xi32>
          %gather3A_1023 = tpu.vector_load_idx %arg11[%add3A_144, %broadcast_in_dim3A_1022] : memref<64x64xf32, #tpu.memory_space<vmem>>[vector<16xi32>, vector<16xi32>], vector<16xf32>,
          %get3A_1024 = arith.constant 512 : index
          %get3A_1025 = tpu.vector_load %arg12[%get3A_1024] {strides = array<i32>} : memref<6272xf32, #tpu.memory_space<vmem>>, vector<16xf32>,
          %mul3A_1026 = arith.mulf %gather3A_1023, %get3A_1025 : vector<16xf32>
          %add3A_1027 = arith.addf %add3A_1000, %mul3A_1026 : vector<16xf32>
          %get3A_1028 = arith.constant 1536 : index
          %get3A_1029 = tpu.vector_load %arg12[%get3A_1028] {strides = array<i32>} : memref<6272xf32, #tpu.memory_space<vmem>>, vector<16xf32>,
          %mul3A_1030 = arith.mulf %gather3A_1023, %get3A_1029 : vector<16xf32>
          %add3A_1031 = arith.addf %add3A_1004, %mul3A_1030 : vector<16xf32>
          %get3A_1032 = arith.constant 2560 : index
          %get3A_1033 = tpu.vector_load %arg12[%get3A_1032] {strides = array<i32>} : memref<6272xf32, #tpu.memory_space<vmem>>, vector<16xf32>,
          %mul3A_1034 = arith.mulf %gather3A_1023, %get3A_1033 : vector<16xf32>
          %add3A_1035 = arith.addf %add3A_1008, %mul3A_1034 : vector<16xf32>
          %get3A_1036 = arith.constant 3584 : index
          %get3A_1037 = tpu.vector_load %arg12[%get3A_1036] {strides = array<i32>} : memref<6272xf32, #tpu.memory_space<vmem>>, vector<16xf32>,
          %mul3A_1038 = arith.mulf %gather3A_1023, %get3A_1037 : vector<16xf32>
          %add3A_1039 = arith.addf %add3A_1012, %mul3A_1038 : vector<16xf32>
          %get3A_1040 = arith.constant 4608 : index
          %get3A_1041 = tpu.vector_load %arg12[%get3A_1040] {strides = array<i32>} : memref<6272xf32, #tpu.memory_space<vmem>>, vector<16xf32>,
          %mul3A_1042 = arith.mulf %gather3A_1023, %get3A_1041 : vector<16xf32>
          %add3A_1043 = arith.addf %add3A_1016, %mul3A_1042 : vector<16xf32>
          %get3A_1044 = arith.constant 5632 : index
          %get3A_1045 = tpu.vector_load %arg12[%get3A_1044] {strides = array<i32>} : memref<6272xf32, #tpu.memory_space<vmem>>, vector<16xf32>,
          %mul3A_1046 = arith.mulf %gather3A_1023, %get3A_1045 : vector<16xf32>
          %add3A_1047 = arith.addf %add3A_1020, %mul3A_1046 : vector<16xf32>
          %broadcast_in_dim3A_1048 = arith.constant 33 : i32
          %broadcast_in_dim3A_1049 = vector.broadcast %broadcast_in_dim3A_1048 : i32 to vector<16xi32>
          %gather3A_1050 = tpu.vector_load_idx %arg11[%add3A_144, %broadcast_in_dim3A_1049] : memref<64x64xf32, #tpu.memory_space<vmem>>[vector<16xi32>, vector<16xi32>], vector<16xf32>,
          %get3A_1051 = arith.constant 528 : index
          %get3A_1052 = tpu.vector_load %arg12[%get3A_1051] {strides = array<i32>} : memref<6272xf32, #tpu.memory_space<vmem>>, vector<16xf32>,
          %mul3A_1053 = arith.mulf %gather3A_1050, %get3A_1052 : vector<16xf32>
          %add3A_1054 = arith.addf %add3A_1027, %mul3A_1053 : vector<16xf32>
          %get3A_1055 = arith.constant 1552 : index
          %get3A_1056 = tpu.vector_load %arg12[%get3A_1055] {strides = array<i32>} : memref<6272xf32, #tpu.memory_space<vmem>>, vector<16xf32>,
          %mul3A_1057 = arith.mulf %gather3A_1050, %get3A_1056 : vector<16xf32>
          %add3A_1058 = arith.addf %add3A_1031, %mul3A_1057 : vector<16xf32>
          %get3A_1059 = arith.constant 2576 : index
          %get3A_1060 = tpu.vector_load %arg12[%get3A_1059] {strides = array<i32>} : memref<6272xf32, #tpu.memory_space<vmem>>, vector<16xf32>,
          %mul3A_1061 = arith.mulf %gather3A_1050, %get3A_1060 : vector<16xf32>
          %add3A_1062 = arith.addf %add3A_1035, %mul3A_1061 : vector<16xf32>
          %get3A_1063 = arith.constant 3600 : index
          %get3A_1064 = tpu.vector_load %arg12[%get3A_1063] {strides = array<i32>} : memref<6272xf32, #tpu.memory_space<vmem>>, vector<16xf32>,
          %mul3A_1065 = arith.mulf %gather3A_1050, %get3A_1064 : vector<16xf32>
          %add3A_1066 = arith.addf %add3A_1039, %mul3A_1065 : vector<16xf32>
          %get3A_1067 = arith.constant 4624 : index
          %get3A_1068 = tpu.vector_load %arg12[%get3A_1067] {strides = array<i32>} : memref<6272xf32, #tpu.memory_space<vmem>>, vector<16xf32>,
          %mul3A_1069 = arith.mulf %gather3A_1050, %get3A_1068 : vector<16xf32>
          %add3A_1070 = arith.addf %add3A_1043, %mul3A_1069 : vector<16xf32>
          %get3A_1071 = arith.constant 5648 : index
          %get3A_1072 = tpu.vector_load %arg12[%get3A_1071] {strides = array<i32>} : memref<6272xf32, #tpu.memory_space<vmem>>, vector<16xf32>,
          %mul3A_1073 = arith.mulf %gather3A_1050, %get3A_1072 : vector<16xf32>
          %add3A_1074 = arith.addf %add3A_1047, %mul3A_1073 : vector<16xf32>
          %broadcast_in_dim3A_1075 = arith.constant 34 : i32
          %broadcast_in_dim3A_1076 = vector.broadcast %broadcast_in_dim3A_1075 : i32 to vector<16xi32>
          %gather3A_1077 = tpu.vector_load_idx %arg11[%add3A_144, %broadcast_in_dim3A_1076] : memref<64x64xf32, #tpu.memory_space<vmem>>[vector<16xi32>, vector<16xi32>], vector<16xf32>,
          %get3A_1078 = arith.constant 544 : index
          %get3A_1079 = tpu.vector_load %arg12[%get3A_1078] {strides = array<i32>} : memref<6272xf32, #tpu.memory_space<vmem>>, vector<16xf32>,
          %mul3A_1080 = arith.mulf %gather3A_1077, %get3A_1079 : vector<16xf32>
          %add3A_1081 = arith.addf %add3A_1054, %mul3A_1080 : vector<16xf32>
          %get3A_1082 = arith.constant 1568 : index
          %get3A_1083 = tpu.vector_load %arg12[%get3A_1082] {strides = array<i32>} : memref<6272xf32, #tpu.memory_space<vmem>>, vector<16xf32>,
          %mul3A_1084 = arith.mulf %gather3A_1077, %get3A_1083 : vector<16xf32>
          %add3A_1085 = arith.addf %add3A_1058, %mul3A_1084 : vector<16xf32>
          %get3A_1086 = arith.constant 2592 : index
          %get3A_1087 = tpu.vector_load %arg12[%get3A_1086] {strides = array<i32>} : memref<6272xf32, #tpu.memory_space<vmem>>, vector<16xf32>,
          %mul3A_1088 = arith.mulf %gather3A_1077, %get3A_1087 : vector<16xf32>
          %add3A_1089 = arith.addf %add3A_1062, %mul3A_1088 : vector<16xf32>
          %get3A_1090 = arith.constant 3616 : index
          %get3A_1091 = tpu.vector_load %arg12[%get3A_1090] {strides = array<i32>} : memref<6272xf32, #tpu.memory_space<vmem>>, vector<16xf32>,
          %mul3A_1092 = arith.mulf %gather3A_1077, %get3A_1091 : vector<16xf32>
          %add3A_1093 = arith.addf %add3A_1066, %mul3A_1092 : vector<16xf32>
          %get3A_1094 = arith.constant 4640 : index
          %get3A_1095 = tpu.vector_load %arg12[%get3A_1094] {strides = array<i32>} : memref<6272xf32, #tpu.memory_space<vmem>>, vector<16xf32>,
          %mul3A_1096 = arith.mulf %gather3A_1077, %get3A_1095 : vector<16xf32>
          %add3A_1097 = arith.addf %add3A_1070, %mul3A_1096 : vector<16xf32>
          %get3A_1098 = arith.constant 5664 : index
          %get3A_1099 = tpu.vector_load %arg12[%get3A_1098] {strides = array<i32>} : memref<6272xf32, #tpu.memory_space<vmem>>, vector<16xf32>,
          %mul3A_1100 = arith.mulf %gather3A_1077, %get3A_1099 : vector<16xf32>
          %add3A_1101 = arith.addf %add3A_1074, %mul3A_1100 : vector<16xf32>
          %broadcast_in_dim3A_1102 = arith.constant 35 : i32
          %broadcast_in_dim3A_1103 = vector.broadcast %broadcast_in_dim3A_1102 : i32 to vector<16xi32>
          %gather3A_1104 = tpu.vector_load_idx %arg11[%add3A_144, %broadcast_in_dim3A_1103] : memref<64x64xf32, #tpu.memory_space<vmem>>[vector<16xi32>, vector<16xi32>], vector<16xf32>,
          %get3A_1105 = arith.constant 560 : index
          %get3A_1106 = tpu.vector_load %arg12[%get3A_1105] {strides = array<i32>} : memref<6272xf32, #tpu.memory_space<vmem>>, vector<16xf32>,
          %mul3A_1107 = arith.mulf %gather3A_1104, %get3A_1106 : vector<16xf32>
          %add3A_1108 = arith.addf %add3A_1081, %mul3A_1107 : vector<16xf32>
          %get3A_1109 = arith.constant 1584 : index
          %get3A_1110 = tpu.vector_load %arg12[%get3A_1109] {strides = array<i32>} : memref<6272xf32, #tpu.memory_space<vmem>>, vector<16xf32>,
          %mul3A_1111 = arith.mulf %gather3A_1104, %get3A_1110 : vector<16xf32>
          %add3A_1112 = arith.addf %add3A_1085, %mul3A_1111 : vector<16xf32>
          %get3A_1113 = arith.constant 2608 : index
          %get3A_1114 = tpu.vector_load %arg12[%get3A_1113] {strides = array<i32>} : memref<6272xf32, #tpu.memory_space<vmem>>, vector<16xf32>,
          %mul3A_1115 = arith.mulf %gather3A_1104, %get3A_1114 : vector<16xf32>
          %add3A_1116 = arith.addf %add3A_1089, %mul3A_1115 : vector<16xf32>
          %get3A_1117 = arith.constant 3632 : index
          %get3A_1118 = tpu.vector_load %arg12[%get3A_1117] {strides = array<i32>} : memref<6272xf32, #tpu.memory_space<vmem>>, vector<16xf32>,
          %mul3A_1119 = arith.mulf %gather3A_1104, %get3A_1118 : vector<16xf32>
          %add3A_1120 = arith.addf %add3A_1093, %mul3A_1119 : vector<16xf32>
          %get3A_1121 = arith.constant 4656 : index
          %get3A_1122 = tpu.vector_load %arg12[%get3A_1121] {strides = array<i32>} : memref<6272xf32, #tpu.memory_space<vmem>>, vector<16xf32>,
          %mul3A_1123 = arith.mulf %gather3A_1104, %get3A_1122 : vector<16xf32>
          %add3A_1124 = arith.addf %add3A_1097, %mul3A_1123 : vector<16xf32>
          %get3A_1125 = arith.constant 5680 : index
          %get3A_1126 = tpu.vector_load %arg12[%get3A_1125] {strides = array<i32>} : memref<6272xf32, #tpu.memory_space<vmem>>, vector<16xf32>,
          %mul3A_1127 = arith.mulf %gather3A_1104, %get3A_1126 : vector<16xf32>
          %add3A_1128 = arith.addf %add3A_1101, %mul3A_1127 : vector<16xf32>
          %broadcast_in_dim3A_1129 = arith.constant 36 : i32
          %broadcast_in_dim3A_1130 = vector.broadcast %broadcast_in_dim3A_1129 : i32 to vector<16xi32>
          %gather3A_1131 = tpu.vector_load_idx %arg11[%add3A_144, %broadcast_in_dim3A_1130] : memref<64x64xf32, #tpu.memory_space<vmem>>[vector<16xi32>, vector<16xi32>], vector<16xf32>,
          %get3A_1132 = arith.constant 576 : index
          %get3A_1133 = tpu.vector_load %arg12[%get3A_1132] {strides = array<i32>} : memref<6272xf32, #tpu.memory_space<vmem>>, vector<16xf32>,
          %mul3A_1134 = arith.mulf %gather3A_1131, %get3A_1133 : vector<16xf32>
          %add3A_1135 = arith.addf %add3A_1108, %mul3A_1134 : vector<16xf32>
          %get3A_1136 = arith.constant 1600 : index
          %get3A_1137 = tpu.vector_load %arg12[%get3A_1136] {strides = array<i32>} : memref<6272xf32, #tpu.memory_space<vmem>>, vector<16xf32>,
          %mul3A_1138 = arith.mulf %gather3A_1131, %get3A_1137 : vector<16xf32>
          %add3A_1139 = arith.addf %add3A_1112, %mul3A_1138 : vector<16xf32>
          %get3A_1140 = arith.constant 2624 : index
          %get3A_1141 = tpu.vector_load %arg12[%get3A_1140] {strides = array<i32>} : memref<6272xf32, #tpu.memory_space<vmem>>, vector<16xf32>,
          %mul3A_1142 = arith.mulf %gather3A_1131, %get3A_1141 : vector<16xf32>
          %add3A_1143 = arith.addf %add3A_1116, %mul3A_1142 : vector<16xf32>
          %get3A_1144 = arith.constant 3648 : index
          %get3A_1145 = tpu.vector_load %arg12[%get3A_1144] {strides = array<i32>} : memref<6272xf32, #tpu.memory_space<vmem>>, vector<16xf32>,
          %mul3A_1146 = arith.mulf %gather3A_1131, %get3A_1145 : vector<16xf32>
          %add3A_1147 = arith.addf %add3A_1120, %mul3A_1146 : vector<16xf32>
          %get3A_1148 = arith.constant 4672 : index
          %get3A_1149 = tpu.vector_load %arg12[%get3A_1148] {strides = array<i32>} : memref<6272xf32, #tpu.memory_space<vmem>>, vector<16xf32>,
          %mul3A_1150 = arith.mulf %gather3A_1131, %get3A_1149 : vector<16xf32>
          %add3A_1151 = arith.addf %add3A_1124, %mul3A_1150 : vector<16xf32>
          %get3A_1152 = arith.constant 5696 : index
          %get3A_1153 = tpu.vector_load %arg12[%get3A_1152] {strides = array<i32>} : memref<6272xf32, #tpu.memory_space<vmem>>, vector<16xf32>,
          %mul3A_1154 = arith.mulf %gather3A_1131, %get3A_1153 : vector<16xf32>
          %add3A_1155 = arith.addf %add3A_1128, %mul3A_1154 : vector<16xf32>
          %broadcast_in_dim3A_1156 = arith.constant 37 : i32
          %broadcast_in_dim3A_1157 = vector.broadcast %broadcast_in_dim3A_1156 : i32 to vector<16xi32>
          %gather3A_1158 = tpu.vector_load_idx %arg11[%add3A_144, %broadcast_in_dim3A_1157] : memref<64x64xf32, #tpu.memory_space<vmem>>[vector<16xi32>, vector<16xi32>], vector<16xf32>,
          %get3A_1159 = arith.constant 592 : index
          %get3A_1160 = tpu.vector_load %arg12[%get3A_1159] {strides = array<i32>} : memref<6272xf32, #tpu.memory_space<vmem>>, vector<16xf32>,
          %mul3A_1161 = arith.mulf %gather3A_1158, %get3A_1160 : vector<16xf32>
          %add3A_1162 = arith.addf %add3A_1135, %mul3A_1161 : vector<16xf32>
          %get3A_1163 = arith.constant 1616 : index
          %get3A_1164 = tpu.vector_load %arg12[%get3A_1163] {strides = array<i32>} : memref<6272xf32, #tpu.memory_space<vmem>>, vector<16xf32>,
          %mul3A_1165 = arith.mulf %gather3A_1158, %get3A_1164 : vector<16xf32>
          %add3A_1166 = arith.addf %add3A_1139, %mul3A_1165 : vector<16xf32>
          %get3A_1167 = arith.constant 2640 : index
          %get3A_1168 = tpu.vector_load %arg12[%get3A_1167] {strides = array<i32>} : memref<6272xf32, #tpu.memory_space<vmem>>, vector<16xf32>,
          %mul3A_1169 = arith.mulf %gather3A_1158, %get3A_1168 : vector<16xf32>
          %add3A_1170 = arith.addf %add3A_1143, %mul3A_1169 : vector<16xf32>
          %get3A_1171 = arith.constant 3664 : index
          %get3A_1172 = tpu.vector_load %arg12[%get3A_1171] {strides = array<i32>} : memref<6272xf32, #tpu.memory_space<vmem>>, vector<16xf32>,
          %mul3A_1173 = arith.mulf %gather3A_1158, %get3A_1172 : vector<16xf32>
          %add3A_1174 = arith.addf %add3A_1147, %mul3A_1173 : vector<16xf32>
          %get3A_1175 = arith.constant 4688 : index
          %get3A_1176 = tpu.vector_load %arg12[%get3A_1175] {strides = array<i32>} : memref<6272xf32, #tpu.memory_space<vmem>>, vector<16xf32>,
          %mul3A_1177 = arith.mulf %gather3A_1158, %get3A_1176 : vector<16xf32>
          %add3A_1178 = arith.addf %add3A_1151, %mul3A_1177 : vector<16xf32>
          %get3A_1179 = arith.constant 5712 : index
          %get3A_1180 = tpu.vector_load %arg12[%get3A_1179] {strides = array<i32>} : memref<6272xf32, #tpu.memory_space<vmem>>, vector<16xf32>,
          %mul3A_1181 = arith.mulf %gather3A_1158, %get3A_1180 : vector<16xf32>
          %add3A_1182 = arith.addf %add3A_1155, %mul3A_1181 : vector<16xf32>
          %broadcast_in_dim3A_1183 = arith.constant 38 : i32
          %broadcast_in_dim3A_1184 = vector.broadcast %broadcast_in_dim3A_1183 : i32 to vector<16xi32>
          %gather3A_1185 = tpu.vector_load_idx %arg11[%add3A_144, %broadcast_in_dim3A_1184] : memref<64x64xf32, #tpu.memory_space<vmem>>[vector<16xi32>, vector<16xi32>], vector<16xf32>,
          %get3A_1186 = arith.constant 608 : index
          %get3A_1187 = tpu.vector_load %arg12[%get3A_1186] {strides = array<i32>} : memref<6272xf32, #tpu.memory_space<vmem>>, vector<16xf32>,
          %mul3A_1188 = arith.mulf %gather3A_1185, %get3A_1187 : vector<16xf32>
          %add3A_1189 = arith.addf %add3A_1162, %mul3A_1188 : vector<16xf32>
          %get3A_1190 = arith.constant 1632 : index
          %get3A_1191 = tpu.vector_load %arg12[%get3A_1190] {strides = array<i32>} : memref<6272xf32, #tpu.memory_space<vmem>>, vector<16xf32>,
          %mul3A_1192 = arith.mulf %gather3A_1185, %get3A_1191 : vector<16xf32>
          %add3A_1193 = arith.addf %add3A_1166, %mul3A_1192 : vector<16xf32>
          %get3A_1194 = arith.constant 2656 : index
          %get3A_1195 = tpu.vector_load %arg12[%get3A_1194] {strides = array<i32>} : memref<6272xf32, #tpu.memory_space<vmem>>, vector<16xf32>,
          %mul3A_1196 = arith.mulf %gather3A_1185, %get3A_1195 : vector<16xf32>
          %add3A_1197 = arith.addf %add3A_1170, %mul3A_1196 : vector<16xf32>
          %get3A_1198 = arith.constant 3680 : index
          %get3A_1199 = tpu.vector_load %arg12[%get3A_1198] {strides = array<i32>} : memref<6272xf32, #tpu.memory_space<vmem>>, vector<16xf32>,
          %mul3A_1200 = arith.mulf %gather3A_1185, %get3A_1199 : vector<16xf32>
          %add3A_1201 = arith.addf %add3A_1174, %mul3A_1200 : vector<16xf32>
          %get3A_1202 = arith.constant 4704 : index
          %get3A_1203 = tpu.vector_load %arg12[%get3A_1202] {strides = array<i32>} : memref<6272xf32, #tpu.memory_space<vmem>>, vector<16xf32>,
          %mul3A_1204 = arith.mulf %gather3A_1185, %get3A_1203 : vector<16xf32>
          %add3A_1205 = arith.addf %add3A_1178, %mul3A_1204 : vector<16xf32>
          %get3A_1206 = arith.constant 5728 : index
          %get3A_1207 = tpu.vector_load %arg12[%get3A_1206] {strides = array<i32>} : memref<6272xf32, #tpu.memory_space<vmem>>, vector<16xf32>,
          %mul3A_1208 = arith.mulf %gather3A_1185, %get3A_1207 : vector<16xf32>
          %add3A_1209 = arith.addf %add3A_1182, %mul3A_1208 : vector<16xf32>
          %broadcast_in_dim3A_1210 = arith.constant 39 : i32
          %broadcast_in_dim3A_1211 = vector.broadcast %broadcast_in_dim3A_1210 : i32 to vector<16xi32>
          %gather3A_1212 = tpu.vector_load_idx %arg11[%add3A_144, %broadcast_in_dim3A_1211] : memref<64x64xf32, #tpu.memory_space<vmem>>[vector<16xi32>, vector<16xi32>], vector<16xf32>,
          %get3A_1213 = arith.constant 624 : index
          %get3A_1214 = tpu.vector_load %arg12[%get3A_1213] {strides = array<i32>} : memref<6272xf32, #tpu.memory_space<vmem>>, vector<16xf32>,
          %mul3A_1215 = arith.mulf %gather3A_1212, %get3A_1214 : vector<16xf32>
          %add3A_1216 = arith.addf %add3A_1189, %mul3A_1215 : vector<16xf32>
          %get3A_1217 = arith.constant 1648 : index
          %get3A_1218 = tpu.vector_load %arg12[%get3A_1217] {strides = array<i32>} : memref<6272xf32, #tpu.memory_space<vmem>>, vector<16xf32>,
          %mul3A_1219 = arith.mulf %gather3A_1212, %get3A_1218 : vector<16xf32>
          %add3A_1220 = arith.addf %add3A_1193, %mul3A_1219 : vector<16xf32>
          %get3A_1221 = arith.constant 2672 : index
          %get3A_1222 = tpu.vector_load %arg12[%get3A_1221] {strides = array<i32>} : memref<6272xf32, #tpu.memory_space<vmem>>, vector<16xf32>,
          %mul3A_1223 = arith.mulf %gather3A_1212, %get3A_1222 : vector<16xf32>
          %add3A_1224 = arith.addf %add3A_1197, %mul3A_1223 : vector<16xf32>
          %get3A_1225 = arith.constant 3696 : index
          %get3A_1226 = tpu.vector_load %arg12[%get3A_1225] {strides = array<i32>} : memref<6272xf32, #tpu.memory_space<vmem>>, vector<16xf32>,
          %mul3A_1227 = arith.mulf %gather3A_1212, %get3A_1226 : vector<16xf32>
          %add3A_1228 = arith.addf %add3A_1201, %mul3A_1227 : vector<16xf32>
          %get3A_1229 = arith.constant 4720 : index
          %get3A_1230 = tpu.vector_load %arg12[%get3A_1229] {strides = array<i32>} : memref<6272xf32, #tpu.memory_space<vmem>>, vector<16xf32>,
          %mul3A_1231 = arith.mulf %gather3A_1212, %get3A_1230 : vector<16xf32>
          %add3A_1232 = arith.addf %add3A_1205, %mul3A_1231 : vector<16xf32>
          %get3A_1233 = arith.constant 5744 : index
          %get3A_1234 = tpu.vector_load %arg12[%get3A_1233] {strides = array<i32>} : memref<6272xf32, #tpu.memory_space<vmem>>, vector<16xf32>,
          %mul3A_1235 = arith.mulf %gather3A_1212, %get3A_1234 : vector<16xf32>
          %add3A_1236 = arith.addf %add3A_1209, %mul3A_1235 : vector<16xf32>
          %broadcast_in_dim3A_1237 = arith.constant 40 : i32
          %broadcast_in_dim3A_1238 = vector.broadcast %broadcast_in_dim3A_1237 : i32 to vector<16xi32>
          %gather3A_1239 = tpu.vector_load_idx %arg11[%add3A_144, %broadcast_in_dim3A_1238] : memref<64x64xf32, #tpu.memory_space<vmem>>[vector<16xi32>, vector<16xi32>], vector<16xf32>,
          %get3A_1240 = arith.constant 640 : index
          %get3A_1241 = tpu.vector_load %arg12[%get3A_1240] {strides = array<i32>} : memref<6272xf32, #tpu.memory_space<vmem>>, vector<16xf32>,
          %mul3A_1242 = arith.mulf %gather3A_1239, %get3A_1241 : vector<16xf32>
          %add3A_1243 = arith.addf %add3A_1216, %mul3A_1242 : vector<16xf32>
          %get3A_1244 = arith.constant 1664 : index
          %get3A_1245 = tpu.vector_load %arg12[%get3A_1244] {strides = array<i32>} : memref<6272xf32, #tpu.memory_space<vmem>>, vector<16xf32>,
          %mul3A_1246 = arith.mulf %gather3A_1239, %get3A_1245 : vector<16xf32>
          %add3A_1247 = arith.addf %add3A_1220, %mul3A_1246 : vector<16xf32>
          %get3A_1248 = arith.constant 2688 : index
          %get3A_1249 = tpu.vector_load %arg12[%get3A_1248] {strides = array<i32>} : memref<6272xf32, #tpu.memory_space<vmem>>, vector<16xf32>,
          %mul3A_1250 = arith.mulf %gather3A_1239, %get3A_1249 : vector<16xf32>
          %add3A_1251 = arith.addf %add3A_1224, %mul3A_1250 : vector<16xf32>
          %get3A_1252 = arith.constant 3712 : index
          %get3A_1253 = tpu.vector_load %arg12[%get3A_1252] {strides = array<i32>} : memref<6272xf32, #tpu.memory_space<vmem>>, vector<16xf32>,
          %mul3A_1254 = arith.mulf %gather3A_1239, %get3A_1253 : vector<16xf32>
          %add3A_1255 = arith.addf %add3A_1228, %mul3A_1254 : vector<16xf32>
          %get3A_1256 = arith.constant 4736 : index
          %get3A_1257 = tpu.vector_load %arg12[%get3A_1256] {strides = array<i32>} : memref<6272xf32, #tpu.memory_space<vmem>>, vector<16xf32>,
          %mul3A_1258 = arith.mulf %gather3A_1239, %get3A_1257 : vector<16xf32>
          %add3A_1259 = arith.addf %add3A_1232, %mul3A_1258 : vector<16xf32>
          %get3A_1260 = arith.constant 5760 : index
          %get3A_1261 = tpu.vector_load %arg12[%get3A_1260] {strides = array<i32>} : memref<6272xf32, #tpu.memory_space<vmem>>, vector<16xf32>,
          %mul3A_1262 = arith.mulf %gather3A_1239, %get3A_1261 : vector<16xf32>
          %add3A_1263 = arith.addf %add3A_1236, %mul3A_1262 : vector<16xf32>
          %broadcast_in_dim3A_1264 = arith.constant 41 : i32
          %broadcast_in_dim3A_1265 = vector.broadcast %broadcast_in_dim3A_1264 : i32 to vector<16xi32>
          %gather3A_1266 = tpu.vector_load_idx %arg11[%add3A_144, %broadcast_in_dim3A_1265] : memref<64x64xf32, #tpu.memory_space<vmem>>[vector<16xi32>, vector<16xi32>], vector<16xf32>,
          %get3A_1267 = arith.constant 656 : index
          %get3A_1268 = tpu.vector_load %arg12[%get3A_1267] {strides = array<i32>} : memref<6272xf32, #tpu.memory_space<vmem>>, vector<16xf32>,
          %mul3A_1269 = arith.mulf %gather3A_1266, %get3A_1268 : vector<16xf32>
          %add3A_1270 = arith.addf %add3A_1243, %mul3A_1269 : vector<16xf32>
          %get3A_1271 = arith.constant 1680 : index
          %get3A_1272 = tpu.vector_load %arg12[%get3A_1271] {strides = array<i32>} : memref<6272xf32, #tpu.memory_space<vmem>>, vector<16xf32>,
          %mul3A_1273 = arith.mulf %gather3A_1266, %get3A_1272 : vector<16xf32>
          %add3A_1274 = arith.addf %add3A_1247, %mul3A_1273 : vector<16xf32>
          %get3A_1275 = arith.constant 2704 : index
          %get3A_1276 = tpu.vector_load %arg12[%get3A_1275] {strides = array<i32>} : memref<6272xf32, #tpu.memory_space<vmem>>, vector<16xf32>,
          %mul3A_1277 = arith.mulf %gather3A_1266, %get3A_1276 : vector<16xf32>
          %add3A_1278 = arith.addf %add3A_1251, %mul3A_1277 : vector<16xf32>
          %get3A_1279 = arith.constant 3728 : index
          %get3A_1280 = tpu.vector_load %arg12[%get3A_1279] {strides = array<i32>} : memref<6272xf32, #tpu.memory_space<vmem>>, vector<16xf32>,
          %mul3A_1281 = arith.mulf %gather3A_1266, %get3A_1280 : vector<16xf32>
          %add3A_1282 = arith.addf %add3A_1255, %mul3A_1281 : vector<16xf32>
          %get3A_1283 = arith.constant 4752 : index
          %get3A_1284 = tpu.vector_load %arg12[%get3A_1283] {strides = array<i32>} : memref<6272xf32, #tpu.memory_space<vmem>>, vector<16xf32>,
          %mul3A_1285 = arith.mulf %gather3A_1266, %get3A_1284 : vector<16xf32>
          %add3A_1286 = arith.addf %add3A_1259, %mul3A_1285 : vector<16xf32>
          %get3A_1287 = arith.constant 5776 : index
          %get3A_1288 = tpu.vector_load %arg12[%get3A_1287] {strides = array<i32>} : memref<6272xf32, #tpu.memory_space<vmem>>, vector<16xf32>,
          %mul3A_1289 = arith.mulf %gather3A_1266, %get3A_1288 : vector<16xf32>
          %add3A_1290 = arith.addf %add3A_1263, %mul3A_1289 : vector<16xf32>
          %broadcast_in_dim3A_1291 = arith.constant 42 : i32
          %broadcast_in_dim3A_1292 = vector.broadcast %broadcast_in_dim3A_1291 : i32 to vector<16xi32>
          %gather3A_1293 = tpu.vector_load_idx %arg11[%add3A_144, %broadcast_in_dim3A_1292] : memref<64x64xf32, #tpu.memory_space<vmem>>[vector<16xi32>, vector<16xi32>], vector<16xf32>,
          %get3A_1294 = arith.constant 672 : index
          %get3A_1295 = tpu.vector_load %arg12[%get3A_1294] {strides = array<i32>} : memref<6272xf32, #tpu.memory_space<vmem>>, vector<16xf32>,
          %mul3A_1296 = arith.mulf %gather3A_1293, %get3A_1295 : vector<16xf32>
          %add3A_1297 = arith.addf %add3A_1270, %mul3A_1296 : vector<16xf32>
          %get3A_1298 = arith.constant 1696 : index
          %get3A_1299 = tpu.vector_load %arg12[%get3A_1298] {strides = array<i32>} : memref<6272xf32, #tpu.memory_space<vmem>>, vector<16xf32>,
          %mul3A_1300 = arith.mulf %gather3A_1293, %get3A_1299 : vector<16xf32>
          %add3A_1301 = arith.addf %add3A_1274, %mul3A_1300 : vector<16xf32>
          %get3A_1302 = arith.constant 2720 : index
          %get3A_1303 = tpu.vector_load %arg12[%get3A_1302] {strides = array<i32>} : memref<6272xf32, #tpu.memory_space<vmem>>, vector<16xf32>,
          %mul3A_1304 = arith.mulf %gather3A_1293, %get3A_1303 : vector<16xf32>
          %add3A_1305 = arith.addf %add3A_1278, %mul3A_1304 : vector<16xf32>
          %get3A_1306 = arith.constant 3744 : index
          %get3A_1307 = tpu.vector_load %arg12[%get3A_1306] {strides = array<i32>} : memref<6272xf32, #tpu.memory_space<vmem>>, vector<16xf32>,
          %mul3A_1308 = arith.mulf %gather3A_1293, %get3A_1307 : vector<16xf32>
          %add3A_1309 = arith.addf %add3A_1282, %mul3A_1308 : vector<16xf32>
          %get3A_1310 = arith.constant 4768 : index
          %get3A_1311 = tpu.vector_load %arg12[%get3A_1310] {strides = array<i32>} : memref<6272xf32, #tpu.memory_space<vmem>>, vector<16xf32>,
          %mul3A_1312 = arith.mulf %gather3A_1293, %get3A_1311 : vector<16xf32>
          %add3A_1313 = arith.addf %add3A_1286, %mul3A_1312 : vector<16xf32>
          %get3A_1314 = arith.constant 5792 : index
          %get3A_1315 = tpu.vector_load %arg12[%get3A_1314] {strides = array<i32>} : memref<6272xf32, #tpu.memory_space<vmem>>, vector<16xf32>,
          %mul3A_1316 = arith.mulf %gather3A_1293, %get3A_1315 : vector<16xf32>
          %add3A_1317 = arith.addf %add3A_1290, %mul3A_1316 : vector<16xf32>
          %broadcast_in_dim3A_1318 = arith.constant 43 : i32
          %broadcast_in_dim3A_1319 = vector.broadcast %broadcast_in_dim3A_1318 : i32 to vector<16xi32>
          %gather3A_1320 = tpu.vector_load_idx %arg11[%add3A_144, %broadcast_in_dim3A_1319] : memref<64x64xf32, #tpu.memory_space<vmem>>[vector<16xi32>, vector<16xi32>], vector<16xf32>,
          %get3A_1321 = arith.constant 688 : index
          %get3A_1322 = tpu.vector_load %arg12[%get3A_1321] {strides = array<i32>} : memref<6272xf32, #tpu.memory_space<vmem>>, vector<16xf32>,
          %mul3A_1323 = arith.mulf %gather3A_1320, %get3A_1322 : vector<16xf32>
          %add3A_1324 = arith.addf %add3A_1297, %mul3A_1323 : vector<16xf32>
          %get3A_1325 = arith.constant 1712 : index
          %get3A_1326 = tpu.vector_load %arg12[%get3A_1325] {strides = array<i32>} : memref<6272xf32, #tpu.memory_space<vmem>>, vector<16xf32>,
          %mul3A_1327 = arith.mulf %gather3A_1320, %get3A_1326 : vector<16xf32>
          %add3A_1328 = arith.addf %add3A_1301, %mul3A_1327 : vector<16xf32>
          %get3A_1329 = arith.constant 2736 : index
          %get3A_1330 = tpu.vector_load %arg12[%get3A_1329] {strides = array<i32>} : memref<6272xf32, #tpu.memory_space<vmem>>, vector<16xf32>,
          %mul3A_1331 = arith.mulf %gather3A_1320, %get3A_1330 : vector<16xf32>
          %add3A_1332 = arith.addf %add3A_1305, %mul3A_1331 : vector<16xf32>
          %get3A_1333 = arith.constant 3760 : index
          %get3A_1334 = tpu.vector_load %arg12[%get3A_1333] {strides = array<i32>} : memref<6272xf32, #tpu.memory_space<vmem>>, vector<16xf32>,
          %mul3A_1335 = arith.mulf %gather3A_1320, %get3A_1334 : vector<16xf32>
          %add3A_1336 = arith.addf %add3A_1309, %mul3A_1335 : vector<16xf32>
          %get3A_1337 = arith.constant 4784 : index
          %get3A_1338 = tpu.vector_load %arg12[%get3A_1337] {strides = array<i32>} : memref<6272xf32, #tpu.memory_space<vmem>>, vector<16xf32>,
          %mul3A_1339 = arith.mulf %gather3A_1320, %get3A_1338 : vector<16xf32>
          %add3A_1340 = arith.addf %add3A_1313, %mul3A_1339 : vector<16xf32>
          %get3A_1341 = arith.constant 5808 : index
          %get3A_1342 = tpu.vector_load %arg12[%get3A_1341] {strides = array<i32>} : memref<6272xf32, #tpu.memory_space<vmem>>, vector<16xf32>,
          %mul3A_1343 = arith.mulf %gather3A_1320, %get3A_1342 : vector<16xf32>
          %add3A_1344 = arith.addf %add3A_1317, %mul3A_1343 : vector<16xf32>
          %broadcast_in_dim3A_1345 = arith.constant 44 : i32
          %broadcast_in_dim3A_1346 = vector.broadcast %broadcast_in_dim3A_1345 : i32 to vector<16xi32>
          %gather3A_1347 = tpu.vector_load_idx %arg11[%add3A_144, %broadcast_in_dim3A_1346] : memref<64x64xf32, #tpu.memory_space<vmem>>[vector<16xi32>, vector<16xi32>], vector<16xf32>,
          %get3A_1348 = arith.constant 704 : index
          %get3A_1349 = tpu.vector_load %arg12[%get3A_1348] {strides = array<i32>} : memref<6272xf32, #tpu.memory_space<vmem>>, vector<16xf32>,
          %mul3A_1350 = arith.mulf %gather3A_1347, %get3A_1349 : vector<16xf32>
          %add3A_1351 = arith.addf %add3A_1324, %mul3A_1350 : vector<16xf32>
          %get3A_1352 = arith.constant 1728 : index
          %get3A_1353 = tpu.vector_load %arg12[%get3A_1352] {strides = array<i32>} : memref<6272xf32, #tpu.memory_space<vmem>>, vector<16xf32>,
          %mul3A_1354 = arith.mulf %gather3A_1347, %get3A_1353 : vector<16xf32>
          %add3A_1355 = arith.addf %add3A_1328, %mul3A_1354 : vector<16xf32>
          %get3A_1356 = arith.constant 2752 : index
          %get3A_1357 = tpu.vector_load %arg12[%get3A_1356] {strides = array<i32>} : memref<6272xf32, #tpu.memory_space<vmem>>, vector<16xf32>,
          %mul3A_1358 = arith.mulf %gather3A_1347, %get3A_1357 : vector<16xf32>
          %add3A_1359 = arith.addf %add3A_1332, %mul3A_1358 : vector<16xf32>
          %get3A_1360 = arith.constant 3776 : index
          %get3A_1361 = tpu.vector_load %arg12[%get3A_1360] {strides = array<i32>} : memref<6272xf32, #tpu.memory_space<vmem>>, vector<16xf32>,
          %mul3A_1362 = arith.mulf %gather3A_1347, %get3A_1361 : vector<16xf32>
          %add3A_1363 = arith.addf %add3A_1336, %mul3A_1362 : vector<16xf32>
          %get3A_1364 = arith.constant 4800 : index
          %get3A_1365 = tpu.vector_load %arg12[%get3A_1364] {strides = array<i32>} : memref<6272xf32, #tpu.memory_space<vmem>>, vector<16xf32>,
          %mul3A_1366 = arith.mulf %gather3A_1347, %get3A_1365 : vector<16xf32>
          %add3A_1367 = arith.addf %add3A_1340, %mul3A_1366 : vector<16xf32>
          %get3A_1368 = arith.constant 5824 : index
          %get3A_1369 = tpu.vector_load %arg12[%get3A_1368] {strides = array<i32>} : memref<6272xf32, #tpu.memory_space<vmem>>, vector<16xf32>,
          %mul3A_1370 = arith.mulf %gather3A_1347, %get3A_1369 : vector<16xf32>
          %add3A_1371 = arith.addf %add3A_1344, %mul3A_1370 : vector<16xf32>
          %broadcast_in_dim3A_1372 = arith.constant 45 : i32
          %broadcast_in_dim3A_1373 = vector.broadcast %broadcast_in_dim3A_1372 : i32 to vector<16xi32>
          %gather3A_1374 = tpu.vector_load_idx %arg11[%add3A_144, %broadcast_in_dim3A_1373] : memref<64x64xf32, #tpu.memory_space<vmem>>[vector<16xi32>, vector<16xi32>], vector<16xf32>,
          %get3A_1375 = arith.constant 720 : index
          %get3A_1376 = tpu.vector_load %arg12[%get3A_1375] {strides = array<i32>} : memref<6272xf32, #tpu.memory_space<vmem>>, vector<16xf32>,
          %mul3A_1377 = arith.mulf %gather3A_1374, %get3A_1376 : vector<16xf32>
          %add3A_1378 = arith.addf %add3A_1351, %mul3A_1377 : vector<16xf32>
          %get3A_1379 = arith.constant 1744 : index
          %get3A_1380 = tpu.vector_load %arg12[%get3A_1379] {strides = array<i32>} : memref<6272xf32, #tpu.memory_space<vmem>>, vector<16xf32>,
          %mul3A_1381 = arith.mulf %gather3A_1374, %get3A_1380 : vector<16xf32>
          %add3A_1382 = arith.addf %add3A_1355, %mul3A_1381 : vector<16xf32>
          %get3A_1383 = arith.constant 2768 : index
          %get3A_1384 = tpu.vector_load %arg12[%get3A_1383] {strides = array<i32>} : memref<6272xf32, #tpu.memory_space<vmem>>, vector<16xf32>,
          %mul3A_1385 = arith.mulf %gather3A_1374, %get3A_1384 : vector<16xf32>
          %add3A_1386 = arith.addf %add3A_1359, %mul3A_1385 : vector<16xf32>
          %get3A_1387 = arith.constant 3792 : index
          %get3A_1388 = tpu.vector_load %arg12[%get3A_1387] {strides = array<i32>} : memref<6272xf32, #tpu.memory_space<vmem>>, vector<16xf32>,
          %mul3A_1389 = arith.mulf %gather3A_1374, %get3A_1388 : vector<16xf32>
          %add3A_1390 = arith.addf %add3A_1363, %mul3A_1389 : vector<16xf32>
          %get3A_1391 = arith.constant 4816 : index
          %get3A_1392 = tpu.vector_load %arg12[%get3A_1391] {strides = array<i32>} : memref<6272xf32, #tpu.memory_space<vmem>>, vector<16xf32>,
          %mul3A_1393 = arith.mulf %gather3A_1374, %get3A_1392 : vector<16xf32>
          %add3A_1394 = arith.addf %add3A_1367, %mul3A_1393 : vector<16xf32>
          %get3A_1395 = arith.constant 5840 : index
          %get3A_1396 = tpu.vector_load %arg12[%get3A_1395] {strides = array<i32>} : memref<6272xf32, #tpu.memory_space<vmem>>, vector<16xf32>,
          %mul3A_1397 = arith.mulf %gather3A_1374, %get3A_1396 : vector<16xf32>
          %add3A_1398 = arith.addf %add3A_1371, %mul3A_1397 : vector<16xf32>
          %broadcast_in_dim3A_1399 = arith.constant 46 : i32
          %broadcast_in_dim3A_1400 = vector.broadcast %broadcast_in_dim3A_1399 : i32 to vector<16xi32>
          %gather3A_1401 = tpu.vector_load_idx %arg11[%add3A_144, %broadcast_in_dim3A_1400] : memref<64x64xf32, #tpu.memory_space<vmem>>[vector<16xi32>, vector<16xi32>], vector<16xf32>,
          %get3A_1402 = arith.constant 736 : index
          %get3A_1403 = tpu.vector_load %arg12[%get3A_1402] {strides = array<i32>} : memref<6272xf32, #tpu.memory_space<vmem>>, vector<16xf32>,
          %mul3A_1404 = arith.mulf %gather3A_1401, %get3A_1403 : vector<16xf32>
          %add3A_1405 = arith.addf %add3A_1378, %mul3A_1404 : vector<16xf32>
          %get3A_1406 = arith.constant 1760 : index
          %get3A_1407 = tpu.vector_load %arg12[%get3A_1406] {strides = array<i32>} : memref<6272xf32, #tpu.memory_space<vmem>>, vector<16xf32>,
          %mul3A_1408 = arith.mulf %gather3A_1401, %get3A_1407 : vector<16xf32>
          %add3A_1409 = arith.addf %add3A_1382, %mul3A_1408 : vector<16xf32>
          %get3A_1410 = arith.constant 2784 : index
          %get3A_1411 = tpu.vector_load %arg12[%get3A_1410] {strides = array<i32>} : memref<6272xf32, #tpu.memory_space<vmem>>, vector<16xf32>,
          %mul3A_1412 = arith.mulf %gather3A_1401, %get3A_1411 : vector<16xf32>
          %add3A_1413 = arith.addf %add3A_1386, %mul3A_1412 : vector<16xf32>
          %get3A_1414 = arith.constant 3808 : index
          %get3A_1415 = tpu.vector_load %arg12[%get3A_1414] {strides = array<i32>} : memref<6272xf32, #tpu.memory_space<vmem>>, vector<16xf32>,
          %mul3A_1416 = arith.mulf %gather3A_1401, %get3A_1415 : vector<16xf32>
          %add3A_1417 = arith.addf %add3A_1390, %mul3A_1416 : vector<16xf32>
          %get3A_1418 = arith.constant 4832 : index
          %get3A_1419 = tpu.vector_load %arg12[%get3A_1418] {strides = array<i32>} : memref<6272xf32, #tpu.memory_space<vmem>>, vector<16xf32>,
          %mul3A_1420 = arith.mulf %gather3A_1401, %get3A_1419 : vector<16xf32>
          %add3A_1421 = arith.addf %add3A_1394, %mul3A_1420 : vector<16xf32>
          %get3A_1422 = arith.constant 5856 : index
          %get3A_1423 = tpu.vector_load %arg12[%get3A_1422] {strides = array<i32>} : memref<6272xf32, #tpu.memory_space<vmem>>, vector<16xf32>,
          %mul3A_1424 = arith.mulf %gather3A_1401, %get3A_1423 : vector<16xf32>
          %add3A_1425 = arith.addf %add3A_1398, %mul3A_1424 : vector<16xf32>
          %broadcast_in_dim3A_1426 = arith.constant 47 : i32
          %broadcast_in_dim3A_1427 = vector.broadcast %broadcast_in_dim3A_1426 : i32 to vector<16xi32>
          %gather3A_1428 = tpu.vector_load_idx %arg11[%add3A_144, %broadcast_in_dim3A_1427] : memref<64x64xf32, #tpu.memory_space<vmem>>[vector<16xi32>, vector<16xi32>], vector<16xf32>,
          %get3A_1429 = arith.constant 752 : index
          %get3A_1430 = tpu.vector_load %arg12[%get3A_1429] {strides = array<i32>} : memref<6272xf32, #tpu.memory_space<vmem>>, vector<16xf32>,
          %mul3A_1431 = arith.mulf %gather3A_1428, %get3A_1430 : vector<16xf32>
          %add3A_1432 = arith.addf %add3A_1405, %mul3A_1431 : vector<16xf32>
          %get3A_1433 = arith.constant 1776 : index
          %get3A_1434 = tpu.vector_load %arg12[%get3A_1433] {strides = array<i32>} : memref<6272xf32, #tpu.memory_space<vmem>>, vector<16xf32>,
          %mul3A_1435 = arith.mulf %gather3A_1428, %get3A_1434 : vector<16xf32>
          %add3A_1436 = arith.addf %add3A_1409, %mul3A_1435 : vector<16xf32>
          %get3A_1437 = arith.constant 2800 : index
          %get3A_1438 = tpu.vector_load %arg12[%get3A_1437] {strides = array<i32>} : memref<6272xf32, #tpu.memory_space<vmem>>, vector<16xf32>,
          %mul3A_1439 = arith.mulf %gather3A_1428, %get3A_1438 : vector<16xf32>
          %add3A_1440 = arith.addf %add3A_1413, %mul3A_1439 : vector<16xf32>
          %get3A_1441 = arith.constant 3824 : index
          %get3A_1442 = tpu.vector_load %arg12[%get3A_1441] {strides = array<i32>} : memref<6272xf32, #tpu.memory_space<vmem>>, vector<16xf32>,
          %mul3A_1443 = arith.mulf %gather3A_1428, %get3A_1442 : vector<16xf32>
          %add3A_1444 = arith.addf %add3A_1417, %mul3A_1443 : vector<16xf32>
          %get3A_1445 = arith.constant 4848 : index
          %get3A_1446 = tpu.vector_load %arg12[%get3A_1445] {strides = array<i32>} : memref<6272xf32, #tpu.memory_space<vmem>>, vector<16xf32>,
          %mul3A_1447 = arith.mulf %gather3A_1428, %get3A_1446 : vector<16xf32>
          %add3A_1448 = arith.addf %add3A_1421, %mul3A_1447 : vector<16xf32>
          %get3A_1449 = arith.constant 5872 : index
          %get3A_1450 = tpu.vector_load %arg12[%get3A_1449] {strides = array<i32>} : memref<6272xf32, #tpu.memory_space<vmem>>, vector<16xf32>,
          %mul3A_1451 = arith.mulf %gather3A_1428, %get3A_1450 : vector<16xf32>
          %add3A_1452 = arith.addf %add3A_1425, %mul3A_1451 : vector<16xf32>
          %broadcast_in_dim3A_1453 = arith.constant 48 : i32
          %broadcast_in_dim3A_1454 = vector.broadcast %broadcast_in_dim3A_1453 : i32 to vector<16xi32>
          %gather3A_1455 = tpu.vector_load_idx %arg11[%add3A_144, %broadcast_in_dim3A_1454] : memref<64x64xf32, #tpu.memory_space<vmem>>[vector<16xi32>, vector<16xi32>], vector<16xf32>,
          %get3A_1456 = arith.constant 768 : index
          %get3A_1457 = tpu.vector_load %arg12[%get3A_1456] {strides = array<i32>} : memref<6272xf32, #tpu.memory_space<vmem>>, vector<16xf32>,
          %mul3A_1458 = arith.mulf %gather3A_1455, %get3A_1457 : vector<16xf32>
          %add3A_1459 = arith.addf %add3A_1432, %mul3A_1458 : vector<16xf32>
          %get3A_1460 = arith.constant 1792 : index
          %get3A_1461 = tpu.vector_load %arg12[%get3A_1460] {strides = array<i32>} : memref<6272xf32, #tpu.memory_space<vmem>>, vector<16xf32>,
          %mul3A_1462 = arith.mulf %gather3A_1455, %get3A_1461 : vector<16xf32>
          %add3A_1463 = arith.addf %add3A_1436, %mul3A_1462 : vector<16xf32>
          %get3A_1464 = arith.constant 2816 : index
          %get3A_1465 = tpu.vector_load %arg12[%get3A_1464] {strides = array<i32>} : memref<6272xf32, #tpu.memory_space<vmem>>, vector<16xf32>,
          %mul3A_1466 = arith.mulf %gather3A_1455, %get3A_1465 : vector<16xf32>
          %add3A_1467 = arith.addf %add3A_1440, %mul3A_1466 : vector<16xf32>
          %get3A_1468 = arith.constant 3840 : index
          %get3A_1469 = tpu.vector_load %arg12[%get3A_1468] {strides = array<i32>} : memref<6272xf32, #tpu.memory_space<vmem>>, vector<16xf32>,
          %mul3A_1470 = arith.mulf %gather3A_1455, %get3A_1469 : vector<16xf32>
          %add3A_1471 = arith.addf %add3A_1444, %mul3A_1470 : vector<16xf32>
          %get3A_1472 = arith.constant 4864 : index
          %get3A_1473 = tpu.vector_load %arg12[%get3A_1472] {strides = array<i32>} : memref<6272xf32, #tpu.memory_space<vmem>>, vector<16xf32>,
          %mul3A_1474 = arith.mulf %gather3A_1455, %get3A_1473 : vector<16xf32>
          %add3A_1475 = arith.addf %add3A_1448, %mul3A_1474 : vector<16xf32>
          %get3A_1476 = arith.constant 5888 : index
          %get3A_1477 = tpu.vector_load %arg12[%get3A_1476] {strides = array<i32>} : memref<6272xf32, #tpu.memory_space<vmem>>, vector<16xf32>,
          %mul3A_1478 = arith.mulf %gather3A_1455, %get3A_1477 : vector<16xf32>
          %add3A_1479 = arith.addf %add3A_1452, %mul3A_1478 : vector<16xf32>
          %broadcast_in_dim3A_1480 = arith.constant 49 : i32
          %broadcast_in_dim3A_1481 = vector.broadcast %broadcast_in_dim3A_1480 : i32 to vector<16xi32>
          %gather3A_1482 = tpu.vector_load_idx %arg11[%add3A_144, %broadcast_in_dim3A_1481] : memref<64x64xf32, #tpu.memory_space<vmem>>[vector<16xi32>, vector<16xi32>], vector<16xf32>,
          %get3A_1483 = arith.constant 784 : index
          %get3A_1484 = tpu.vector_load %arg12[%get3A_1483] {strides = array<i32>} : memref<6272xf32, #tpu.memory_space<vmem>>, vector<16xf32>,
          %mul3A_1485 = arith.mulf %gather3A_1482, %get3A_1484 : vector<16xf32>
          %add3A_1486 = arith.addf %add3A_1459, %mul3A_1485 : vector<16xf32>
          %get3A_1487 = arith.constant 1808 : index
          %get3A_1488 = tpu.vector_load %arg12[%get3A_1487] {strides = array<i32>} : memref<6272xf32, #tpu.memory_space<vmem>>, vector<16xf32>,
          %mul3A_1489 = arith.mulf %gather3A_1482, %get3A_1488 : vector<16xf32>
          %add3A_1490 = arith.addf %add3A_1463, %mul3A_1489 : vector<16xf32>
          %get3A_1491 = arith.constant 2832 : index
          %get3A_1492 = tpu.vector_load %arg12[%get3A_1491] {strides = array<i32>} : memref<6272xf32, #tpu.memory_space<vmem>>, vector<16xf32>,
          %mul3A_1493 = arith.mulf %gather3A_1482, %get3A_1492 : vector<16xf32>
          %add3A_1494 = arith.addf %add3A_1467, %mul3A_1493 : vector<16xf32>
          %get3A_1495 = arith.constant 3856 : index
          %get3A_1496 = tpu.vector_load %arg12[%get3A_1495] {strides = array<i32>} : memref<6272xf32, #tpu.memory_space<vmem>>, vector<16xf32>,
          %mul3A_1497 = arith.mulf %gather3A_1482, %get3A_1496 : vector<16xf32>
          %add3A_1498 = arith.addf %add3A_1471, %mul3A_1497 : vector<16xf32>
          %get3A_1499 = arith.constant 4880 : index
          %get3A_1500 = tpu.vector_load %arg12[%get3A_1499] {strides = array<i32>} : memref<6272xf32, #tpu.memory_space<vmem>>, vector<16xf32>,
          %mul3A_1501 = arith.mulf %gather3A_1482, %get3A_1500 : vector<16xf32>
          %add3A_1502 = arith.addf %add3A_1475, %mul3A_1501 : vector<16xf32>
          %get3A_1503 = arith.constant 5904 : index
          %get3A_1504 = tpu.vector_load %arg12[%get3A_1503] {strides = array<i32>} : memref<6272xf32, #tpu.memory_space<vmem>>, vector<16xf32>,
          %mul3A_1505 = arith.mulf %gather3A_1482, %get3A_1504 : vector<16xf32>
          %add3A_1506 = arith.addf %add3A_1479, %mul3A_1505 : vector<16xf32>
          %broadcast_in_dim3A_1507 = arith.constant 50 : i32
          %broadcast_in_dim3A_1508 = vector.broadcast %broadcast_in_dim3A_1507 : i32 to vector<16xi32>
          %gather3A_1509 = tpu.vector_load_idx %arg11[%add3A_144, %broadcast_in_dim3A_1508] : memref<64x64xf32, #tpu.memory_space<vmem>>[vector<16xi32>, vector<16xi32>], vector<16xf32>,
          %get3A_1510 = arith.constant 800 : index
          %get3A_1511 = tpu.vector_load %arg12[%get3A_1510] {strides = array<i32>} : memref<6272xf32, #tpu.memory_space<vmem>>, vector<16xf32>,
          %mul3A_1512 = arith.mulf %gather3A_1509, %get3A_1511 : vector<16xf32>
          %add3A_1513 = arith.addf %add3A_1486, %mul3A_1512 : vector<16xf32>
          %get3A_1514 = arith.constant 1824 : index
          %get3A_1515 = tpu.vector_load %arg12[%get3A_1514] {strides = array<i32>} : memref<6272xf32, #tpu.memory_space<vmem>>, vector<16xf32>,
          %mul3A_1516 = arith.mulf %gather3A_1509, %get3A_1515 : vector<16xf32>
          %add3A_1517 = arith.addf %add3A_1490, %mul3A_1516 : vector<16xf32>
          %get3A_1518 = arith.constant 2848 : index
          %get3A_1519 = tpu.vector_load %arg12[%get3A_1518] {strides = array<i32>} : memref<6272xf32, #tpu.memory_space<vmem>>, vector<16xf32>,
          %mul3A_1520 = arith.mulf %gather3A_1509, %get3A_1519 : vector<16xf32>
          %add3A_1521 = arith.addf %add3A_1494, %mul3A_1520 : vector<16xf32>
          %get3A_1522 = arith.constant 3872 : index
          %get3A_1523 = tpu.vector_load %arg12[%get3A_1522] {strides = array<i32>} : memref<6272xf32, #tpu.memory_space<vmem>>, vector<16xf32>,
          %mul3A_1524 = arith.mulf %gather3A_1509, %get3A_1523 : vector<16xf32>
          %add3A_1525 = arith.addf %add3A_1498, %mul3A_1524 : vector<16xf32>
          %get3A_1526 = arith.constant 4896 : index
          %get3A_1527 = tpu.vector_load %arg12[%get3A_1526] {strides = array<i32>} : memref<6272xf32, #tpu.memory_space<vmem>>, vector<16xf32>,
          %mul3A_1528 = arith.mulf %gather3A_1509, %get3A_1527 : vector<16xf32>
          %add3A_1529 = arith.addf %add3A_1502, %mul3A_1528 : vector<16xf32>
          %get3A_1530 = arith.constant 5920 : index
          %get3A_1531 = tpu.vector_load %arg12[%get3A_1530] {strides = array<i32>} : memref<6272xf32, #tpu.memory_space<vmem>>, vector<16xf32>,
          %mul3A_1532 = arith.mulf %gather3A_1509, %get3A_1531 : vector<16xf32>
          %add3A_1533 = arith.addf %add3A_1506, %mul3A_1532 : vector<16xf32>
          %broadcast_in_dim3A_1534 = arith.constant 51 : i32
          %broadcast_in_dim3A_1535 = vector.broadcast %broadcast_in_dim3A_1534 : i32 to vector<16xi32>
          %gather3A_1536 = tpu.vector_load_idx %arg11[%add3A_144, %broadcast_in_dim3A_1535] : memref<64x64xf32, #tpu.memory_space<vmem>>[vector<16xi32>, vector<16xi32>], vector<16xf32>,
          %get3A_1537 = arith.constant 816 : index
          %get3A_1538 = tpu.vector_load %arg12[%get3A_1537] {strides = array<i32>} : memref<6272xf32, #tpu.memory_space<vmem>>, vector<16xf32>,
          %mul3A_1539 = arith.mulf %gather3A_1536, %get3A_1538 : vector<16xf32>
          %add3A_1540 = arith.addf %add3A_1513, %mul3A_1539 : vector<16xf32>
          %get3A_1541 = arith.constant 1840 : index
          %get3A_1542 = tpu.vector_load %arg12[%get3A_1541] {strides = array<i32>} : memref<6272xf32, #tpu.memory_space<vmem>>, vector<16xf32>,
          %mul3A_1543 = arith.mulf %gather3A_1536, %get3A_1542 : vector<16xf32>
          %add3A_1544 = arith.addf %add3A_1517, %mul3A_1543 : vector<16xf32>
          %get3A_1545 = arith.constant 2864 : index
          %get3A_1546 = tpu.vector_load %arg12[%get3A_1545] {strides = array<i32>} : memref<6272xf32, #tpu.memory_space<vmem>>, vector<16xf32>,
          %mul3A_1547 = arith.mulf %gather3A_1536, %get3A_1546 : vector<16xf32>
          %add3A_1548 = arith.addf %add3A_1521, %mul3A_1547 : vector<16xf32>
          %get3A_1549 = arith.constant 3888 : index
          %get3A_1550 = tpu.vector_load %arg12[%get3A_1549] {strides = array<i32>} : memref<6272xf32, #tpu.memory_space<vmem>>, vector<16xf32>,
          %mul3A_1551 = arith.mulf %gather3A_1536, %get3A_1550 : vector<16xf32>
          %add3A_1552 = arith.addf %add3A_1525, %mul3A_1551 : vector<16xf32>
          %get3A_1553 = arith.constant 4912 : index
          %get3A_1554 = tpu.vector_load %arg12[%get3A_1553] {strides = array<i32>} : memref<6272xf32, #tpu.memory_space<vmem>>, vector<16xf32>,
          %mul3A_1555 = arith.mulf %gather3A_1536, %get3A_1554 : vector<16xf32>
          %add3A_1556 = arith.addf %add3A_1529, %mul3A_1555 : vector<16xf32>
          %get3A_1557 = arith.constant 5936 : index
          %get3A_1558 = tpu.vector_load %arg12[%get3A_1557] {strides = array<i32>} : memref<6272xf32, #tpu.memory_space<vmem>>, vector<16xf32>,
          %mul3A_1559 = arith.mulf %gather3A_1536, %get3A_1558 : vector<16xf32>
          %add3A_1560 = arith.addf %add3A_1533, %mul3A_1559 : vector<16xf32>
          %broadcast_in_dim3A_1561 = arith.constant 52 : i32
          %broadcast_in_dim3A_1562 = vector.broadcast %broadcast_in_dim3A_1561 : i32 to vector<16xi32>
          %gather3A_1563 = tpu.vector_load_idx %arg11[%add3A_144, %broadcast_in_dim3A_1562] : memref<64x64xf32, #tpu.memory_space<vmem>>[vector<16xi32>, vector<16xi32>], vector<16xf32>,
          %get3A_1564 = arith.constant 832 : index
          %get3A_1565 = tpu.vector_load %arg12[%get3A_1564] {strides = array<i32>} : memref<6272xf32, #tpu.memory_space<vmem>>, vector<16xf32>,
          %mul3A_1566 = arith.mulf %gather3A_1563, %get3A_1565 : vector<16xf32>
          %add3A_1567 = arith.addf %add3A_1540, %mul3A_1566 : vector<16xf32>
          %get3A_1568 = arith.constant 1856 : index
          %get3A_1569 = tpu.vector_load %arg12[%get3A_1568] {strides = array<i32>} : memref<6272xf32, #tpu.memory_space<vmem>>, vector<16xf32>,
          %mul3A_1570 = arith.mulf %gather3A_1563, %get3A_1569 : vector<16xf32>
          %add3A_1571 = arith.addf %add3A_1544, %mul3A_1570 : vector<16xf32>
          %get3A_1572 = arith.constant 2880 : index
          %get3A_1573 = tpu.vector_load %arg12[%get3A_1572] {strides = array<i32>} : memref<6272xf32, #tpu.memory_space<vmem>>, vector<16xf32>,
          %mul3A_1574 = arith.mulf %gather3A_1563, %get3A_1573 : vector<16xf32>
          %add3A_1575 = arith.addf %add3A_1548, %mul3A_1574 : vector<16xf32>
          %get3A_1576 = arith.constant 3904 : index
          %get3A_1577 = tpu.vector_load %arg12[%get3A_1576] {strides = array<i32>} : memref<6272xf32, #tpu.memory_space<vmem>>, vector<16xf32>,
          %mul3A_1578 = arith.mulf %gather3A_1563, %get3A_1577 : vector<16xf32>
          %add3A_1579 = arith.addf %add3A_1552, %mul3A_1578 : vector<16xf32>
          %get3A_1580 = arith.constant 4928 : index
          %get3A_1581 = tpu.vector_load %arg12[%get3A_1580] {strides = array<i32>} : memref<6272xf32, #tpu.memory_space<vmem>>, vector<16xf32>,
          %mul3A_1582 = arith.mulf %gather3A_1563, %get3A_1581 : vector<16xf32>
          %add3A_1583 = arith.addf %add3A_1556, %mul3A_1582 : vector<16xf32>
          %get3A_1584 = arith.constant 5952 : index
          %get3A_1585 = tpu.vector_load %arg12[%get3A_1584] {strides = array<i32>} : memref<6272xf32, #tpu.memory_space<vmem>>, vector<16xf32>,
          %mul3A_1586 = arith.mulf %gather3A_1563, %get3A_1585 : vector<16xf32>
          %add3A_1587 = arith.addf %add3A_1560, %mul3A_1586 : vector<16xf32>
          %broadcast_in_dim3A_1588 = arith.constant 53 : i32
          %broadcast_in_dim3A_1589 = vector.broadcast %broadcast_in_dim3A_1588 : i32 to vector<16xi32>
          %gather3A_1590 = tpu.vector_load_idx %arg11[%add3A_144, %broadcast_in_dim3A_1589] : memref<64x64xf32, #tpu.memory_space<vmem>>[vector<16xi32>, vector<16xi32>], vector<16xf32>,
          %get3A_1591 = arith.constant 848 : index
          %get3A_1592 = tpu.vector_load %arg12[%get3A_1591] {strides = array<i32>} : memref<6272xf32, #tpu.memory_space<vmem>>, vector<16xf32>,
          %mul3A_1593 = arith.mulf %gather3A_1590, %get3A_1592 : vector<16xf32>
          %add3A_1594 = arith.addf %add3A_1567, %mul3A_1593 : vector<16xf32>
          %get3A_1595 = arith.constant 1872 : index
          %get3A_1596 = tpu.vector_load %arg12[%get3A_1595] {strides = array<i32>} : memref<6272xf32, #tpu.memory_space<vmem>>, vector<16xf32>,
          %mul3A_1597 = arith.mulf %gather3A_1590, %get3A_1596 : vector<16xf32>
          %add3A_1598 = arith.addf %add3A_1571, %mul3A_1597 : vector<16xf32>
          %get3A_1599 = arith.constant 2896 : index
          %get3A_1600 = tpu.vector_load %arg12[%get3A_1599] {strides = array<i32>} : memref<6272xf32, #tpu.memory_space<vmem>>, vector<16xf32>,
          %mul3A_1601 = arith.mulf %gather3A_1590, %get3A_1600 : vector<16xf32>
          %add3A_1602 = arith.addf %add3A_1575, %mul3A_1601 : vector<16xf32>
          %get3A_1603 = arith.constant 3920 : index
          %get3A_1604 = tpu.vector_load %arg12[%get3A_1603] {strides = array<i32>} : memref<6272xf32, #tpu.memory_space<vmem>>, vector<16xf32>,
          %mul3A_1605 = arith.mulf %gather3A_1590, %get3A_1604 : vector<16xf32>
          %add3A_1606 = arith.addf %add3A_1579, %mul3A_1605 : vector<16xf32>
          %get3A_1607 = arith.constant 4944 : index
          %get3A_1608 = tpu.vector_load %arg12[%get3A_1607] {strides = array<i32>} : memref<6272xf32, #tpu.memory_space<vmem>>, vector<16xf32>,
          %mul3A_1609 = arith.mulf %gather3A_1590, %get3A_1608 : vector<16xf32>
          %add3A_1610 = arith.addf %add3A_1583, %mul3A_1609 : vector<16xf32>
          %get3A_1611 = arith.constant 5968 : index
          %get3A_1612 = tpu.vector_load %arg12[%get3A_1611] {strides = array<i32>} : memref<6272xf32, #tpu.memory_space<vmem>>, vector<16xf32>,
          %mul3A_1613 = arith.mulf %gather3A_1590, %get3A_1612 : vector<16xf32>
          %add3A_1614 = arith.addf %add3A_1587, %mul3A_1613 : vector<16xf32>
          %broadcast_in_dim3A_1615 = arith.constant 54 : i32
          %broadcast_in_dim3A_1616 = vector.broadcast %broadcast_in_dim3A_1615 : i32 to vector<16xi32>
          %gather3A_1617 = tpu.vector_load_idx %arg11[%add3A_144, %broadcast_in_dim3A_1616] : memref<64x64xf32, #tpu.memory_space<vmem>>[vector<16xi32>, vector<16xi32>], vector<16xf32>,
          %get3A_1618 = arith.constant 864 : index
          %get3A_1619 = tpu.vector_load %arg12[%get3A_1618] {strides = array<i32>} : memref<6272xf32, #tpu.memory_space<vmem>>, vector<16xf32>,
          %mul3A_1620 = arith.mulf %gather3A_1617, %get3A_1619 : vector<16xf32>
          %add3A_1621 = arith.addf %add3A_1594, %mul3A_1620 : vector<16xf32>
          %get3A_1622 = arith.constant 1888 : index
          %get3A_1623 = tpu.vector_load %arg12[%get3A_1622] {strides = array<i32>} : memref<6272xf32, #tpu.memory_space<vmem>>, vector<16xf32>,
          %mul3A_1624 = arith.mulf %gather3A_1617, %get3A_1623 : vector<16xf32>
          %add3A_1625 = arith.addf %add3A_1598, %mul3A_1624 : vector<16xf32>
          %get3A_1626 = arith.constant 2912 : index
          %get3A_1627 = tpu.vector_load %arg12[%get3A_1626] {strides = array<i32>} : memref<6272xf32, #tpu.memory_space<vmem>>, vector<16xf32>,
          %mul3A_1628 = arith.mulf %gather3A_1617, %get3A_1627 : vector<16xf32>
          %add3A_1629 = arith.addf %add3A_1602, %mul3A_1628 : vector<16xf32>
          %get3A_1630 = arith.constant 3936 : index
          %get3A_1631 = tpu.vector_load %arg12[%get3A_1630] {strides = array<i32>} : memref<6272xf32, #tpu.memory_space<vmem>>, vector<16xf32>,
          %mul3A_1632 = arith.mulf %gather3A_1617, %get3A_1631 : vector<16xf32>
          %add3A_1633 = arith.addf %add3A_1606, %mul3A_1632 : vector<16xf32>
          %get3A_1634 = arith.constant 4960 : index
          %get3A_1635 = tpu.vector_load %arg12[%get3A_1634] {strides = array<i32>} : memref<6272xf32, #tpu.memory_space<vmem>>, vector<16xf32>,
          %mul3A_1636 = arith.mulf %gather3A_1617, %get3A_1635 : vector<16xf32>
          %add3A_1637 = arith.addf %add3A_1610, %mul3A_1636 : vector<16xf32>
          %get3A_1638 = arith.constant 5984 : index
          %get3A_1639 = tpu.vector_load %arg12[%get3A_1638] {strides = array<i32>} : memref<6272xf32, #tpu.memory_space<vmem>>, vector<16xf32>,
          %mul3A_1640 = arith.mulf %gather3A_1617, %get3A_1639 : vector<16xf32>
          %add3A_1641 = arith.addf %add3A_1614, %mul3A_1640 : vector<16xf32>
          %broadcast_in_dim3A_1642 = arith.constant 55 : i32
          %broadcast_in_dim3A_1643 = vector.broadcast %broadcast_in_dim3A_1642 : i32 to vector<16xi32>
          %gather3A_1644 = tpu.vector_load_idx %arg11[%add3A_144, %broadcast_in_dim3A_1643] : memref<64x64xf32, #tpu.memory_space<vmem>>[vector<16xi32>, vector<16xi32>], vector<16xf32>,
          %get3A_1645 = arith.constant 880 : index
          %get3A_1646 = tpu.vector_load %arg12[%get3A_1645] {strides = array<i32>} : memref<6272xf32, #tpu.memory_space<vmem>>, vector<16xf32>,
          %mul3A_1647 = arith.mulf %gather3A_1644, %get3A_1646 : vector<16xf32>
          %add3A_1648 = arith.addf %add3A_1621, %mul3A_1647 : vector<16xf32>
          %get3A_1649 = arith.constant 1904 : index
          %get3A_1650 = tpu.vector_load %arg12[%get3A_1649] {strides = array<i32>} : memref<6272xf32, #tpu.memory_space<vmem>>, vector<16xf32>,
          %mul3A_1651 = arith.mulf %gather3A_1644, %get3A_1650 : vector<16xf32>
          %add3A_1652 = arith.addf %add3A_1625, %mul3A_1651 : vector<16xf32>
          %get3A_1653 = arith.constant 2928 : index
          %get3A_1654 = tpu.vector_load %arg12[%get3A_1653] {strides = array<i32>} : memref<6272xf32, #tpu.memory_space<vmem>>, vector<16xf32>,
          %mul3A_1655 = arith.mulf %gather3A_1644, %get3A_1654 : vector<16xf32>
          %add3A_1656 = arith.addf %add3A_1629, %mul3A_1655 : vector<16xf32>
          %get3A_1657 = arith.constant 3952 : index
          %get3A_1658 = tpu.vector_load %arg12[%get3A_1657] {strides = array<i32>} : memref<6272xf32, #tpu.memory_space<vmem>>, vector<16xf32>,
          %mul3A_1659 = arith.mulf %gather3A_1644, %get3A_1658 : vector<16xf32>
          %add3A_1660 = arith.addf %add3A_1633, %mul3A_1659 : vector<16xf32>
          %get3A_1661 = arith.constant 4976 : index
          %get3A_1662 = tpu.vector_load %arg12[%get3A_1661] {strides = array<i32>} : memref<6272xf32, #tpu.memory_space<vmem>>, vector<16xf32>,
          %mul3A_1663 = arith.mulf %gather3A_1644, %get3A_1662 : vector<16xf32>
          %add3A_1664 = arith.addf %add3A_1637, %mul3A_1663 : vector<16xf32>
          %get3A_1665 = arith.constant 6000 : index
          %get3A_1666 = tpu.vector_load %arg12[%get3A_1665] {strides = array<i32>} : memref<6272xf32, #tpu.memory_space<vmem>>, vector<16xf32>,
          %mul3A_1667 = arith.mulf %gather3A_1644, %get3A_1666 : vector<16xf32>
          %add3A_1668 = arith.addf %add3A_1641, %mul3A_1667 : vector<16xf32>
          %broadcast_in_dim3A_1669 = arith.constant 56 : i32
          %broadcast_in_dim3A_1670 = vector.broadcast %broadcast_in_dim3A_1669 : i32 to vector<16xi32>
          %gather3A_1671 = tpu.vector_load_idx %arg11[%add3A_144, %broadcast_in_dim3A_1670] : memref<64x64xf32, #tpu.memory_space<vmem>>[vector<16xi32>, vector<16xi32>], vector<16xf32>,
          %get3A_1672 = arith.constant 896 : index
          %get3A_1673 = tpu.vector_load %arg12[%get3A_1672] {strides = array<i32>} : memref<6272xf32, #tpu.memory_space<vmem>>, vector<16xf32>,
          %mul3A_1674 = arith.mulf %gather3A_1671, %get3A_1673 : vector<16xf32>
          %add3A_1675 = arith.addf %add3A_1648, %mul3A_1674 : vector<16xf32>
          %get3A_1676 = arith.constant 1920 : index
          %get3A_1677 = tpu.vector_load %arg12[%get3A_1676] {strides = array<i32>} : memref<6272xf32, #tpu.memory_space<vmem>>, vector<16xf32>,
          %mul3A_1678 = arith.mulf %gather3A_1671, %get3A_1677 : vector<16xf32>
          %add3A_1679 = arith.addf %add3A_1652, %mul3A_1678 : vector<16xf32>
          %get3A_1680 = arith.constant 2944 : index
          %get3A_1681 = tpu.vector_load %arg12[%get3A_1680] {strides = array<i32>} : memref<6272xf32, #tpu.memory_space<vmem>>, vector<16xf32>,
          %mul3A_1682 = arith.mulf %gather3A_1671, %get3A_1681 : vector<16xf32>
          %add3A_1683 = arith.addf %add3A_1656, %mul3A_1682 : vector<16xf32>
          %get3A_1684 = arith.constant 3968 : index
          %get3A_1685 = tpu.vector_load %arg12[%get3A_1684] {strides = array<i32>} : memref<6272xf32, #tpu.memory_space<vmem>>, vector<16xf32>,
          %mul3A_1686 = arith.mulf %gather3A_1671, %get3A_1685 : vector<16xf32>
          %add3A_1687 = arith.addf %add3A_1660, %mul3A_1686 : vector<16xf32>
          %get3A_1688 = arith.constant 4992 : index
          %get3A_1689 = tpu.vector_load %arg12[%get3A_1688] {strides = array<i32>} : memref<6272xf32, #tpu.memory_space<vmem>>, vector<16xf32>,
          %mul3A_1690 = arith.mulf %gather3A_1671, %get3A_1689 : vector<16xf32>
          %add3A_1691 = arith.addf %add3A_1664, %mul3A_1690 : vector<16xf32>
          %get3A_1692 = arith.constant 6016 : index
          %get3A_1693 = tpu.vector_load %arg12[%get3A_1692] {strides = array<i32>} : memref<6272xf32, #tpu.memory_space<vmem>>, vector<16xf32>,
          %mul3A_1694 = arith.mulf %gather3A_1671, %get3A_1693 : vector<16xf32>
          %add3A_1695 = arith.addf %add3A_1668, %mul3A_1694 : vector<16xf32>
          %broadcast_in_dim3A_1696 = arith.constant 57 : i32
          %broadcast_in_dim3A_1697 = vector.broadcast %broadcast_in_dim3A_1696 : i32 to vector<16xi32>
          %gather3A_1698 = tpu.vector_load_idx %arg11[%add3A_144, %broadcast_in_dim3A_1697] : memref<64x64xf32, #tpu.memory_space<vmem>>[vector<16xi32>, vector<16xi32>], vector<16xf32>,
          %get3A_1699 = arith.constant 912 : index
          %get3A_1700 = tpu.vector_load %arg12[%get3A_1699] {strides = array<i32>} : memref<6272xf32, #tpu.memory_space<vmem>>, vector<16xf32>,
          %mul3A_1701 = arith.mulf %gather3A_1698, %get3A_1700 : vector<16xf32>
          %add3A_1702 = arith.addf %add3A_1675, %mul3A_1701 : vector<16xf32>
          %get3A_1703 = arith.constant 1936 : index
          %get3A_1704 = tpu.vector_load %arg12[%get3A_1703] {strides = array<i32>} : memref<6272xf32, #tpu.memory_space<vmem>>, vector<16xf32>,
          %mul3A_1705 = arith.mulf %gather3A_1698, %get3A_1704 : vector<16xf32>
          %add3A_1706 = arith.addf %add3A_1679, %mul3A_1705 : vector<16xf32>
          %get3A_1707 = arith.constant 2960 : index
          %get3A_1708 = tpu.vector_load %arg12[%get3A_1707] {strides = array<i32>} : memref<6272xf32, #tpu.memory_space<vmem>>, vector<16xf32>,
          %mul3A_1709 = arith.mulf %gather3A_1698, %get3A_1708 : vector<16xf32>
          %add3A_1710 = arith.addf %add3A_1683, %mul3A_1709 : vector<16xf32>
          %get3A_1711 = arith.constant 3984 : index
          %get3A_1712 = tpu.vector_load %arg12[%get3A_1711] {strides = array<i32>} : memref<6272xf32, #tpu.memory_space<vmem>>, vector<16xf32>,
          %mul3A_1713 = arith.mulf %gather3A_1698, %get3A_1712 : vector<16xf32>
          %add3A_1714 = arith.addf %add3A_1687, %mul3A_1713 : vector<16xf32>
          %get3A_1715 = arith.constant 5008 : index
          %get3A_1716 = tpu.vector_load %arg12[%get3A_1715] {strides = array<i32>} : memref<6272xf32, #tpu.memory_space<vmem>>, vector<16xf32>,
          %mul3A_1717 = arith.mulf %gather3A_1698, %get3A_1716 : vector<16xf32>
          %add3A_1718 = arith.addf %add3A_1691, %mul3A_1717 : vector<16xf32>
          %get3A_1719 = arith.constant 6032 : index
          %get3A_1720 = tpu.vector_load %arg12[%get3A_1719] {strides = array<i32>} : memref<6272xf32, #tpu.memory_space<vmem>>, vector<16xf32>,
          %mul3A_1721 = arith.mulf %gather3A_1698, %get3A_1720 : vector<16xf32>
          %add3A_1722 = arith.addf %add3A_1695, %mul3A_1721 : vector<16xf32>
          %broadcast_in_dim3A_1723 = arith.constant 58 : i32
          %broadcast_in_dim3A_1724 = vector.broadcast %broadcast_in_dim3A_1723 : i32 to vector<16xi32>
          %gather3A_1725 = tpu.vector_load_idx %arg11[%add3A_144, %broadcast_in_dim3A_1724] : memref<64x64xf32, #tpu.memory_space<vmem>>[vector<16xi32>, vector<16xi32>], vector<16xf32>,
          %get3A_1726 = arith.constant 928 : index
          %get3A_1727 = tpu.vector_load %arg12[%get3A_1726] {strides = array<i32>} : memref<6272xf32, #tpu.memory_space<vmem>>, vector<16xf32>,
          %mul3A_1728 = arith.mulf %gather3A_1725, %get3A_1727 : vector<16xf32>
          %add3A_1729 = arith.addf %add3A_1702, %mul3A_1728 : vector<16xf32>
          %get3A_1730 = arith.constant 1952 : index
          %get3A_1731 = tpu.vector_load %arg12[%get3A_1730] {strides = array<i32>} : memref<6272xf32, #tpu.memory_space<vmem>>, vector<16xf32>,
          %mul3A_1732 = arith.mulf %gather3A_1725, %get3A_1731 : vector<16xf32>
          %add3A_1733 = arith.addf %add3A_1706, %mul3A_1732 : vector<16xf32>
          %get3A_1734 = arith.constant 2976 : index
          %get3A_1735 = tpu.vector_load %arg12[%get3A_1734] {strides = array<i32>} : memref<6272xf32, #tpu.memory_space<vmem>>, vector<16xf32>,
          %mul3A_1736 = arith.mulf %gather3A_1725, %get3A_1735 : vector<16xf32>
          %add3A_1737 = arith.addf %add3A_1710, %mul3A_1736 : vector<16xf32>
          %get3A_1738 = arith.constant 4000 : index
          %get3A_1739 = tpu.vector_load %arg12[%get3A_1738] {strides = array<i32>} : memref<6272xf32, #tpu.memory_space<vmem>>, vector<16xf32>,
          %mul3A_1740 = arith.mulf %gather3A_1725, %get3A_1739 : vector<16xf32>
          %add3A_1741 = arith.addf %add3A_1714, %mul3A_1740 : vector<16xf32>
          %get3A_1742 = arith.constant 5024 : index
          %get3A_1743 = tpu.vector_load %arg12[%get3A_1742] {strides = array<i32>} : memref<6272xf32, #tpu.memory_space<vmem>>, vector<16xf32>,
          %mul3A_1744 = arith.mulf %gather3A_1725, %get3A_1743 : vector<16xf32>
          %add3A_1745 = arith.addf %add3A_1718, %mul3A_1744 : vector<16xf32>
          %get3A_1746 = arith.constant 6048 : index
          %get3A_1747 = tpu.vector_load %arg12[%get3A_1746] {strides = array<i32>} : memref<6272xf32, #tpu.memory_space<vmem>>, vector<16xf32>,
          %mul3A_1748 = arith.mulf %gather3A_1725, %get3A_1747 : vector<16xf32>
          %add3A_1749 = arith.addf %add3A_1722, %mul3A_1748 : vector<16xf32>
          %broadcast_in_dim3A_1750 = arith.constant 59 : i32
          %broadcast_in_dim3A_1751 = vector.broadcast %broadcast_in_dim3A_1750 : i32 to vector<16xi32>
          %gather3A_1752 = tpu.vector_load_idx %arg11[%add3A_144, %broadcast_in_dim3A_1751] : memref<64x64xf32, #tpu.memory_space<vmem>>[vector<16xi32>, vector<16xi32>], vector<16xf32>,
          %get3A_1753 = arith.constant 944 : index
          %get3A_1754 = tpu.vector_load %arg12[%get3A_1753] {strides = array<i32>} : memref<6272xf32, #tpu.memory_space<vmem>>, vector<16xf32>,
          %mul3A_1755 = arith.mulf %gather3A_1752, %get3A_1754 : vector<16xf32>
          %add3A_1756 = arith.addf %add3A_1729, %mul3A_1755 : vector<16xf32>
          %get3A_1757 = arith.constant 1968 : index
          %get3A_1758 = tpu.vector_load %arg12[%get3A_1757] {strides = array<i32>} : memref<6272xf32, #tpu.memory_space<vmem>>, vector<16xf32>,
          %mul3A_1759 = arith.mulf %gather3A_1752, %get3A_1758 : vector<16xf32>
          %add3A_1760 = arith.addf %add3A_1733, %mul3A_1759 : vector<16xf32>
          %get3A_1761 = arith.constant 2992 : index
          %get3A_1762 = tpu.vector_load %arg12[%get3A_1761] {strides = array<i32>} : memref<6272xf32, #tpu.memory_space<vmem>>, vector<16xf32>,
          %mul3A_1763 = arith.mulf %gather3A_1752, %get3A_1762 : vector<16xf32>
          %add3A_1764 = arith.addf %add3A_1737, %mul3A_1763 : vector<16xf32>
          %get3A_1765 = arith.constant 4016 : index
          %get3A_1766 = tpu.vector_load %arg12[%get3A_1765] {strides = array<i32>} : memref<6272xf32, #tpu.memory_space<vmem>>, vector<16xf32>,
          %mul3A_1767 = arith.mulf %gather3A_1752, %get3A_1766 : vector<16xf32>
          %add3A_1768 = arith.addf %add3A_1741, %mul3A_1767 : vector<16xf32>
          %get3A_1769 = arith.constant 5040 : index
          %get3A_1770 = tpu.vector_load %arg12[%get3A_1769] {strides = array<i32>} : memref<6272xf32, #tpu.memory_space<vmem>>, vector<16xf32>,
          %mul3A_1771 = arith.mulf %gather3A_1752, %get3A_1770 : vector<16xf32>
          %add3A_1772 = arith.addf %add3A_1745, %mul3A_1771 : vector<16xf32>
          %get3A_1773 = arith.constant 6064 : index
          %get3A_1774 = tpu.vector_load %arg12[%get3A_1773] {strides = array<i32>} : memref<6272xf32, #tpu.memory_space<vmem>>, vector<16xf32>,
          %mul3A_1775 = arith.mulf %gather3A_1752, %get3A_1774 : vector<16xf32>
          %add3A_1776 = arith.addf %add3A_1749, %mul3A_1775 : vector<16xf32>
          %broadcast_in_dim3A_1777 = arith.constant 60 : i32
          %broadcast_in_dim3A_1778 = vector.broadcast %broadcast_in_dim3A_1777 : i32 to vector<16xi32>
          %gather3A_1779 = tpu.vector_load_idx %arg11[%add3A_144, %broadcast_in_dim3A_1778] : memref<64x64xf32, #tpu.memory_space<vmem>>[vector<16xi32>, vector<16xi32>], vector<16xf32>,
          %get3A_1780 = arith.constant 960 : index
          %get3A_1781 = tpu.vector_load %arg12[%get3A_1780] {strides = array<i32>} : memref<6272xf32, #tpu.memory_space<vmem>>, vector<16xf32>,
          %mul3A_1782 = arith.mulf %gather3A_1779, %get3A_1781 : vector<16xf32>
          %add3A_1783 = arith.addf %add3A_1756, %mul3A_1782 : vector<16xf32>
          %get3A_1784 = arith.constant 1984 : index
          %get3A_1785 = tpu.vector_load %arg12[%get3A_1784] {strides = array<i32>} : memref<6272xf32, #tpu.memory_space<vmem>>, vector<16xf32>,
          %mul3A_1786 = arith.mulf %gather3A_1779, %get3A_1785 : vector<16xf32>
          %add3A_1787 = arith.addf %add3A_1760, %mul3A_1786 : vector<16xf32>
          %get3A_1788 = arith.constant 3008 : index
          %get3A_1789 = tpu.vector_load %arg12[%get3A_1788] {strides = array<i32>} : memref<6272xf32, #tpu.memory_space<vmem>>, vector<16xf32>,
          %mul3A_1790 = arith.mulf %gather3A_1779, %get3A_1789 : vector<16xf32>
          %add3A_1791 = arith.addf %add3A_1764, %mul3A_1790 : vector<16xf32>
          %get3A_1792 = arith.constant 4032 : index
          %get3A_1793 = tpu.vector_load %arg12[%get3A_1792] {strides = array<i32>} : memref<6272xf32, #tpu.memory_space<vmem>>, vector<16xf32>,
          %mul3A_1794 = arith.mulf %gather3A_1779, %get3A_1793 : vector<16xf32>
          %add3A_1795 = arith.addf %add3A_1768, %mul3A_1794 : vector<16xf32>
          %get3A_1796 = arith.constant 5056 : index
          %get3A_1797 = tpu.vector_load %arg12[%get3A_1796] {strides = array<i32>} : memref<6272xf32, #tpu.memory_space<vmem>>, vector<16xf32>,
          %mul3A_1798 = arith.mulf %gather3A_1779, %get3A_1797 : vector<16xf32>
          %add3A_1799 = arith.addf %add3A_1772, %mul3A_1798 : vector<16xf32>
          %get3A_1800 = arith.constant 6080 : index
          %get3A_1801 = tpu.vector_load %arg12[%get3A_1800] {strides = array<i32>} : memref<6272xf32, #tpu.memory_space<vmem>>, vector<16xf32>,
          %mul3A_1802 = arith.mulf %gather3A_1779, %get3A_1801 : vector<16xf32>
          %add3A_1803 = arith.addf %add3A_1776, %mul3A_1802 : vector<16xf32>
          %broadcast_in_dim3A_1804 = arith.constant 61 : i32
          %broadcast_in_dim3A_1805 = vector.broadcast %broadcast_in_dim3A_1804 : i32 to vector<16xi32>
          %gather3A_1806 = tpu.vector_load_idx %arg11[%add3A_144, %broadcast_in_dim3A_1805] : memref<64x64xf32, #tpu.memory_space<vmem>>[vector<16xi32>, vector<16xi32>], vector<16xf32>,
          %get3A_1807 = arith.constant 976 : index
          %get3A_1808 = tpu.vector_load %arg12[%get3A_1807] {strides = array<i32>} : memref<6272xf32, #tpu.memory_space<vmem>>, vector<16xf32>,
          %mul3A_1809 = arith.mulf %gather3A_1806, %get3A_1808 : vector<16xf32>
          %add3A_1810 = arith.addf %add3A_1783, %mul3A_1809 : vector<16xf32>
          %get3A_1811 = arith.constant 2000 : index
          %get3A_1812 = tpu.vector_load %arg12[%get3A_1811] {strides = array<i32>} : memref<6272xf32, #tpu.memory_space<vmem>>, vector<16xf32>,
          %mul3A_1813 = arith.mulf %gather3A_1806, %get3A_1812 : vector<16xf32>
          %add3A_1814 = arith.addf %add3A_1787, %mul3A_1813 : vector<16xf32>
          %get3A_1815 = arith.constant 3024 : index
          %get3A_1816 = tpu.vector_load %arg12[%get3A_1815] {strides = array<i32>} : memref<6272xf32, #tpu.memory_space<vmem>>, vector<16xf32>,
          %mul3A_1817 = arith.mulf %gather3A_1806, %get3A_1816 : vector<16xf32>
          %add3A_1818 = arith.addf %add3A_1791, %mul3A_1817 : vector<16xf32>
          %get3A_1819 = arith.constant 4048 : index
          %get3A_1820 = tpu.vector_load %arg12[%get3A_1819] {strides = array<i32>} : memref<6272xf32, #tpu.memory_space<vmem>>, vector<16xf32>,
          %mul3A_1821 = arith.mulf %gather3A_1806, %get3A_1820 : vector<16xf32>
          %add3A_1822 = arith.addf %add3A_1795, %mul3A_1821 : vector<16xf32>
          %get3A_1823 = arith.constant 5072 : index
          %get3A_1824 = tpu.vector_load %arg12[%get3A_1823] {strides = array<i32>} : memref<6272xf32, #tpu.memory_space<vmem>>, vector<16xf32>,
          %mul3A_1825 = arith.mulf %gather3A_1806, %get3A_1824 : vector<16xf32>
          %add3A_1826 = arith.addf %add3A_1799, %mul3A_1825 : vector<16xf32>
          %get3A_1827 = arith.constant 6096 : index
          %get3A_1828 = tpu.vector_load %arg12[%get3A_1827] {strides = array<i32>} : memref<6272xf32, #tpu.memory_space<vmem>>, vector<16xf32>,
          %mul3A_1829 = arith.mulf %gather3A_1806, %get3A_1828 : vector<16xf32>
          %add3A_1830 = arith.addf %add3A_1803, %mul3A_1829 : vector<16xf32>
          %broadcast_in_dim3A_1831 = arith.constant 62 : i32
          %broadcast_in_dim3A_1832 = vector.broadcast %broadcast_in_dim3A_1831 : i32 to vector<16xi32>
          %gather3A_1833 = tpu.vector_load_idx %arg11[%add3A_144, %broadcast_in_dim3A_1832] : memref<64x64xf32, #tpu.memory_space<vmem>>[vector<16xi32>, vector<16xi32>], vector<16xf32>,
          %get3A_1834 = arith.constant 992 : index
          %get3A_1835 = tpu.vector_load %arg12[%get3A_1834] {strides = array<i32>} : memref<6272xf32, #tpu.memory_space<vmem>>, vector<16xf32>,
          %mul3A_1836 = arith.mulf %gather3A_1833, %get3A_1835 : vector<16xf32>
          %add3A_1837 = arith.addf %add3A_1810, %mul3A_1836 : vector<16xf32>
          %get3A_1838 = arith.constant 2016 : index
          %get3A_1839 = tpu.vector_load %arg12[%get3A_1838] {strides = array<i32>} : memref<6272xf32, #tpu.memory_space<vmem>>, vector<16xf32>,
          %mul3A_1840 = arith.mulf %gather3A_1833, %get3A_1839 : vector<16xf32>
          %add3A_1841 = arith.addf %add3A_1814, %mul3A_1840 : vector<16xf32>
          %get3A_1842 = arith.constant 3040 : index
          %get3A_1843 = tpu.vector_load %arg12[%get3A_1842] {strides = array<i32>} : memref<6272xf32, #tpu.memory_space<vmem>>, vector<16xf32>,
          %mul3A_1844 = arith.mulf %gather3A_1833, %get3A_1843 : vector<16xf32>
          %add3A_1845 = arith.addf %add3A_1818, %mul3A_1844 : vector<16xf32>
          %get3A_1846 = arith.constant 4064 : index
          %get3A_1847 = tpu.vector_load %arg12[%get3A_1846] {strides = array<i32>} : memref<6272xf32, #tpu.memory_space<vmem>>, vector<16xf32>,
          %mul3A_1848 = arith.mulf %gather3A_1833, %get3A_1847 : vector<16xf32>
          %add3A_1849 = arith.addf %add3A_1822, %mul3A_1848 : vector<16xf32>
          %get3A_1850 = arith.constant 5088 : index
          %get3A_1851 = tpu.vector_load %arg12[%get3A_1850] {strides = array<i32>} : memref<6272xf32, #tpu.memory_space<vmem>>, vector<16xf32>,
          %mul3A_1852 = arith.mulf %gather3A_1833, %get3A_1851 : vector<16xf32>
          %add3A_1853 = arith.addf %add3A_1826, %mul3A_1852 : vector<16xf32>
          %get3A_1854 = arith.constant 6112 : index
          %get3A_1855 = tpu.vector_load %arg12[%get3A_1854] {strides = array<i32>} : memref<6272xf32, #tpu.memory_space<vmem>>, vector<16xf32>,
          %mul3A_1856 = arith.mulf %gather3A_1833, %get3A_1855 : vector<16xf32>
          %add3A_1857 = arith.addf %add3A_1830, %mul3A_1856 : vector<16xf32>
          %broadcast_in_dim3A_1858 = arith.constant 63 : i32
          %broadcast_in_dim3A_1859 = vector.broadcast %broadcast_in_dim3A_1858 : i32 to vector<16xi32>
          %gather3A_1860 = tpu.vector_load_idx %arg11[%add3A_144, %broadcast_in_dim3A_1859] : memref<64x64xf32, #tpu.memory_space<vmem>>[vector<16xi32>, vector<16xi32>], vector<16xf32>,
          %get3A_1861 = arith.constant 1008 : index
          %get3A_1862 = tpu.vector_load %arg12[%get3A_1861] {strides = array<i32>} : memref<6272xf32, #tpu.memory_space<vmem>>, vector<16xf32>,
          %mul3A_1863 = arith.mulf %gather3A_1860, %get3A_1862 : vector<16xf32>
          %add3A_1864 = arith.addf %add3A_1837, %mul3A_1863 : vector<16xf32>
          %get3A_1865 = arith.constant 2032 : index
          %get3A_1866 = tpu.vector_load %arg12[%get3A_1865] {strides = array<i32>} : memref<6272xf32, #tpu.memory_space<vmem>>, vector<16xf32>,
          %mul3A_1867 = arith.mulf %gather3A_1860, %get3A_1866 : vector<16xf32>
          %add3A_1868 = arith.addf %add3A_1841, %mul3A_1867 : vector<16xf32>
          %get3A_1869 = arith.constant 3056 : index
          %get3A_1870 = tpu.vector_load %arg12[%get3A_1869] {strides = array<i32>} : memref<6272xf32, #tpu.memory_space<vmem>>, vector<16xf32>,
          %mul3A_1871 = arith.mulf %gather3A_1860, %get3A_1870 : vector<16xf32>
          %add3A_1872 = arith.addf %add3A_1845, %mul3A_1871 : vector<16xf32>
          %get3A_1873 = arith.constant 4080 : index
          %get3A_1874 = tpu.vector_load %arg12[%get3A_1873] {strides = array<i32>} : memref<6272xf32, #tpu.memory_space<vmem>>, vector<16xf32>,
          %mul3A_1875 = arith.mulf %gather3A_1860, %get3A_1874 : vector<16xf32>
          %add3A_1876 = arith.addf %add3A_1849, %mul3A_1875 : vector<16xf32>
          %get3A_1877 = arith.constant 5104 : index
          %get3A_1878 = tpu.vector_load %arg12[%get3A_1877] {strides = array<i32>} : memref<6272xf32, #tpu.memory_space<vmem>>, vector<16xf32>,
          %mul3A_1879 = arith.mulf %gather3A_1860, %get3A_1878 : vector<16xf32>
          %add3A_1880 = arith.addf %add3A_1853, %mul3A_1879 : vector<16xf32>
          %get3A_1881 = arith.constant 6128 : index
          %get3A_1882 = tpu.vector_load %arg12[%get3A_1881] {strides = array<i32>} : memref<6272xf32, #tpu.memory_space<vmem>>, vector<16xf32>,
          %mul3A_1883 = arith.mulf %gather3A_1860, %get3A_1882 : vector<16xf32>
          %add3A_1884 = arith.addf %add3A_1857, %mul3A_1883 : vector<16xf32>
          %mul3A_1885 = arith.constant 64 : i32
          %mul3A_1886 = arith.muli %scan3A_83, %mul3A_1885 : i32
          %add3A_1887 = arith.addi %mul3A_1886, %scan3A_92 : i32
          %sub3A_1888 = arith.constant 15 : i32
          %sub3A_1889 = arith.subi %add3A_1887, %sub3A_1888 : i32
          %add3A_1890 = vector.broadcast %sub3A_1889 : i32 to vector<16xi32>
          %add3A_1891 = arith.addi %add3A_1890, %iota3A : vector<16xi32>
          %broadcast_in_dim3A_1892 = arith.constant 0 : i32
          %broadcast_in_dim3A_1893 = vector.broadcast %broadcast_in_dim3A_1892 : i32 to vector<16xi32>
          tpu.vector_store_idx %arg13[%add3A_1891, %broadcast_in_dim3A_1893], %add3A_1864 : memref<512x6xf32, #tpu.memory_space<vmem>>[vector<16xi32>, vector<16xi32>], vector<16xf32>,
          %broadcast_in_dim3A_1894 = arith.constant 1 : i32
          %broadcast_in_dim3A_1895 = vector.broadcast %broadcast_in_dim3A_1894 : i32 to vector<16xi32>
          tpu.vector_store_idx %arg13[%add3A_1891, %broadcast_in_dim3A_1895], %add3A_1868 : memref<512x6xf32, #tpu.memory_space<vmem>>[vector<16xi32>, vector<16xi32>], vector<16xf32>,
          %broadcast_in_dim3A_1896 = arith.constant 2 : i32
          %broadcast_in_dim3A_1897 = vector.broadcast %broadcast_in_dim3A_1896 : i32 to vector<16xi32>
          tpu.vector_store_idx %arg13[%add3A_1891, %broadcast_in_dim3A_1897], %add3A_1872 : memref<512x6xf32, #tpu.memory_space<vmem>>[vector<16xi32>, vector<16xi32>], vector<16xf32>,
          %broadcast_in_dim3A_1898 = arith.constant 3 : i32
          %broadcast_in_dim3A_1899 = vector.broadcast %broadcast_in_dim3A_1898 : i32 to vector<16xi32>
          tpu.vector_store_idx %arg13[%add3A_1891, %broadcast_in_dim3A_1899], %add3A_1876 : memref<512x6xf32, #tpu.memory_space<vmem>>[vector<16xi32>, vector<16xi32>], vector<16xf32>,
          %broadcast_in_dim3A_1900 = arith.constant 4 : i32
          %broadcast_in_dim3A_1901 = vector.broadcast %broadcast_in_dim3A_1900 : i32 to vector<16xi32>
          tpu.vector_store_idx %arg13[%add3A_1891, %broadcast_in_dim3A_1901], %add3A_1880 : memref<512x6xf32, #tpu.memory_space<vmem>>[vector<16xi32>, vector<16xi32>], vector<16xf32>,
          %broadcast_in_dim3A_1902 = arith.constant 5 : i32
          %broadcast_in_dim3A_1903 = vector.broadcast %broadcast_in_dim3A_1902 : i32 to vector<16xi32>
          tpu.vector_store_idx %arg13[%add3A_1891, %broadcast_in_dim3A_1903], %add3A_1884 : memref<512x6xf32, #tpu.memory_space<vmem>>[vector<16xi32>, vector<16xi32>], vector<16xf32>,
          %get3A_1904 = arith.index_cast %sub3A_1889 : i32 to index
          %get3A_1905 = tpu.vector_load %arg8[%get3A_1904] {strides = array<i32>} : memref<528xi32, #tpu.memory_space<vmem>>, vector<16xi32>,
          %scan3A_1906 = arith.constant 0 : i32
          %scan3A_1907 = arith.constant 0 : i32
          %scan3A_1908 = arith.constant 16 : i32
          %scan3A_1909 = arith.addi %scan3A_1907, %scan3A_1908 : i32
          %scan3A_1910 = arith.constant 1 : i32
          scf.for %scan3A_1912 = %scan3A_1907 to %scan3A_1909 step %scan3A_1910  : i32 {
            %broadcast_in_dim3A_1913 = vector.broadcast %scan3A_1912 : i32 to vector<16xi32>
            %broadcast_in_dim3A_1914 = vector.shape_cast %broadcast_in_dim3A_1913 : vector<16xi32> to vector<16x1xi32>
            %gather3A_1915 = vector.shape_cast %broadcast_in_dim3A_1914 : vector<16x1xi32> to vector<16xi32>
            %gather3A_1916 = tpu.dynamic_gather %get3A_1905[%gather3A_1915] in [0] : vector<16xi32>, vector<16xi32> -> vector<16xi32>
            %slice3A_1917 = vector.extract_strided_slice %gather3A_1916 {offsets = [0], sizes = [1], strides = [1]} : vector<16xi32> to vector<1xi32>
            %squeeze3A_1918 = vector.extract %slice3A_1917[0] : i32 from vector<1xi32>
            %add3A_1919 = arith.addi %sub3A_1889, %scan3A_1912 : i32
            %dma_start3A = arith.constant 0 : i32
            %dma_start3A_1920 = tpu.memref_slice %arg13[%add3A_1919, %dma_start3A] : memref<512x6xf32, #tpu.memory_space<vmem>> -> memref<1x6xf32, #tpu.memory_space<vmem>>
            %dma_start3A_1921 = tpu.memref_squeeze %dma_start3A_1920 : memref<1x6xf32, #tpu.memory_space<vmem>> -> memref<6xf32, #tpu.memory_space<vmem>>
            %dma_start3A_1922 = arith.constant 0 : i32
            %dma_start3A_1923 = tpu.memref_slice %arg6[%squeeze3A_1918, %dma_start3A_1922] : memref<16384x6xf32, #tpu.memory_space<hbm>> -> memref<1x6xf32, #tpu.memory_space<hbm>>
            %dma_start3A_1924 = tpu.memref_squeeze %dma_start3A_1923 : memref<1x6xf32, #tpu.memory_space<hbm>> -> memref<6xf32, #tpu.memory_space<hbm>>
            %dma_start3A_1925 = arith.constant 0 : i32
            %dma_start3A_1926 = tpu.memref_slice %arg6[%squeeze3A_1918, %dma_start3A_1925] : memref<16384x6xf32, #tpu.memory_space<hbm>> -> memref<1x6xf32, #tpu.memory_space<hbm>>
            %dma_start3A_1927 = tpu.memref_squeeze %dma_start3A_1926 : memref<1x6xf32, #tpu.memory_space<hbm>> -> memref<6xf32, #tpu.memory_space<hbm>>
            %dma_start3A_1928 = arith.constant 0 : i32
            %dma_start3A_1929 = tpu.memref_slice %arg13[%add3A_1919, %dma_start3A_1928] : memref<512x6xf32, #tpu.memory_space<vmem>> -> memref<1x6xf32, #tpu.memory_space<vmem>>
            %dma_start3A_1930 = tpu.memref_squeeze %dma_start3A_1929 : memref<1x6xf32, #tpu.memory_space<vmem>> -> memref<6xf32, #tpu.memory_space<vmem>>
            tpu.enqueue_dma source(%dma_start3A_1930 : memref<6xf32, #tpu.memory_space<vmem>>) target(%dma_start3A_1927 : memref<6xf32, #tpu.memory_space<hbm>>) target_semaphore(%arg15 : memref<!tpu.dma_semaphore, #tpu.memory_space<semaphore_mem>>)
          }
          %scan3A_1911 = arith.constant 16 : i32
        } else {
        }
        scf.yield %shift_right_logical3A_107, %select_n3A_111 : i32, i32
      }
      %scan3A_91 = arith.constant 64 : i32
      scf.yield %scan3A_90#0, %scan3A_90#1 : i32, i32
    }
    %scan3A_77 = arith.constant 8 : i32
    %dma_wait3A = arith.constant 0 : i32
    %dma_wait3A_78 = arith.constant 0 : i32
    %dma_wait3A_79 = tpu.memref_slice %arg6[%dma_wait3A, %dma_wait3A_78] : memref<16384x6xf32, #tpu.memory_space<hbm>> -> memref<512x6xf32, #tpu.memory_space<hbm>>
    %dma_wait3A_80 = arith.constant 0 : i32
    %dma_wait3A_81 = arith.constant 0 : i32
    %dma_wait3A_82 = tpu.memref_slice %arg6[%dma_wait3A_80, %dma_wait3A_81] : memref<16384x6xf32, #tpu.memory_space<hbm>> -> memref<512x6xf32, #tpu.memory_space<hbm>>
    tpu.wait_dma2 semaphore(%arg15 : memref<!tpu.dma_semaphore, #tpu.memory_space<semaphore_mem>>) src(%arg13 : memref<512x6xf32, #tpu.memory_space<vmem>>) dst(%dma_wait3A_82 : memref<512x6xf32, #tpu.memory_space<hbm>>)
    return
  }
}

</mosaic_0001>

<sc_bundles>
// kernel: kernel.3.cloned.1.call-start
scs
__scs_entry_jumppad:
0x0: {  	(pc) =	sbr.rel $0x88, $3  }
0x1: {  	(tag) =	ssettag $0x0;
	lr =	simm.s32 $0x1  }
0x2: {  	[smem:$0x3F9D] =	sst lr;
	_ =	strace $0xD0000000  }
0x3: {  	_ = 	snop  }
0x4: {  	_ = 	snop  }
0x5: {  	_ = 	snop  }
0x6: {  	_ = 	snop  }
0x7: {  	_ = 	snop  }
__scs_overlays_trampoline_lowered:
0x8: {  	[smem:$0x3FAC] =	sst s0  }
0x9: {  	[smem:$0x3FAD] =	sst s1  }
0xa: {  	[smem:$0x3FAE] =	sst s2  }
0xb: {  	[smem:$0x3FAF] =	sst s3  }
0xc: {  	[smem:$0x3FB0] =	sst s4  }
0xd: {  	[smem:$0x3FB1] =	sst s5  }
0xe: {  	[smem:$0x3FB2] =	sst s6  }
0xf: {  	[smem:$0x3FB3] =	sst s7  }
0x10: {  	[smem:$0x3FB4] =	sst s8  }
0x11: {  	[smem:$0x3FB5] =	sst s9;
	s0 =	simm.s32 @!p0 $0x0  }
0x12: {  	s1 =	sld [smem:$0x3F9B];
	s0 =	simm.s32 @p0 $0x1  }
0x13: {  	[smem:$0x3FB6] =	sst s0;
	s0 =	simm.s32 @!p1 $0x0  }
0x14: {  	s2 =	sld [smem:$0x3F9A];
	s0 =	simm.s32 @p1 $0x1  }
0x15: {  	[smem:$0x3FB7] =	sst s0;
	s0 =	simm.s32 @!p2 $0x0  }
0x16: {  	s3 =	sld [smem:$0x3FDB];
	s0 =	simm.s32 @p2 $0x1  }
0x17: {  	s4 =	simm.s32 $0x1BF5;
	[smem:$0x3FB9] =	sst s0  }
0x18: {  	s0 =	sld [smem:$0x3F9C];
	_ =	swait.ge [sflag:s4], $0x0  }
0x19: {  	s7 =	sld [smem:$0x3F9D]  }
0x1a: {  	s8 =	sadd.s32 $0xFFFFE003, lr  }
0x1b: {  	s9 =	sadd.s32 $0xFFFFFEF7, lr;
	s5 =	simm.s32 $0xFFFFFFFF;
	p2 =	slt.u32 s8, $0xFFFFF086  }
0x1c: {  	p1 =	slt.u32 s9, $0xF7A;
	s5 =	simm.s32 @!p2 $0x0  }
0x1d: {  	s5 =	simm.s32 @p1 $0x1;
	p0 =	seq.s32 s7, s2  }
0x1e: {  	s7 =	smul.u32 @!p0 $0xF7A, s2;
	p2 =	seq.s32 @!p0 s5, $0x0  }
0x1f: {  	s9 =	smul.u32 $0xF7A, s1;
	s8 =	simm.s32 @!p0 $0x1BF5;
	p2 =	por !p2, p0  }
0x20: {  	[sflag:s8] =	ssyncset.s32 @!p0 $0xFFFFF086;
	s6 =	sadd.s32 @!p0 s3, s7;
	s7 =	simm.s32 @!p0 $0x108  }
0x21: {  	s3 =	sadd.s32 s3, s9;
	s6 =	sadd.s32 @!p0 $0x88, s6;
	s7 =	simm.s32 @p2 $0x1082  }
0x22: {  	[simem:s7], [sflag:s8] =	dma.local @!p0 [hbm:s6], $0xF7A  }
0x23: {  	s9 =	sor.u32 $0xD0000000, s2;
	s6 =	simm.s32 $0x108;
	_ =	swait.ge @!p0 [sflag:s8], $0x0  }
0x24: {  	s3 =	sadd.s32 $0x88, s3;
	s6 =	simm.s32 @!p1 $0x1082;
	[sflag:s4] =	ssyncset.s32 $0xFFFFF086  }
0x25: {  	[simem:s6], [sflag:s4] =	dma.local [hbm:s3], $0xF7A  }
0x26: {  	[smem:$0x3F9D] =	sst s1;
	(tag) =	ssettag s2;
	_ =	strace s9  }
0x27: {  	s1 =	sld [smem:$0x3FAD]  }
0x28: {  	s2 =	sld [smem:$0x3FAE]  }
0x29: {  	s4 =	sld [smem:$0x3FB0]  }
0x2a: {  	p0 =	seq.s32 s5, $0x0;
	s5 =	sld [smem:$0x3FB1]  }
0x2b: {  	s6 =	sld [smem:$0x3FB2]  }
0x2c: {  	s7 =	sld [smem:$0x3FB3]  }
0x2d: {  	s3 =	simm.s32 $0x108;
	s8 =	sld [smem:$0x3FB4]  }
0x2e: {  	s3 =	simm.s32 @!p0 $0x1082;
	s9 =	sld [smem:$0x3FB5]  }
0x2f: {  	lr =	sadd.s32 s0, s3;
	s0 =	sld [smem:$0x3FAC]  }
0x30: {  	s3 =	sld [smem:$0x3FAF]  }
0x31: {  	[smem:$0x3FB8] =	sst s10  }
0x32: {  	s10 =	sld [smem:$0x3FB6];
	_ =	sdelay $0x3  }
0x33: {  	p0 =	seq.s32 s10, $0x1;
	s10 =	sld [smem:$0x3FB8];
	_ =	sdelay $0x3  }
0x34: {  	[smem:$0x3FB8] =	sst s10  }
0x35: {  	s10 =	sld [smem:$0x3FB7];
	_ =	sdelay $0x3  }
0x36: {  	p1 =	seq.s32 s10, $0x1;
	s10 =	sld [smem:$0x3FB8];
	_ =	sdelay $0x3  }
0x37: {  	[smem:$0x3FB8] =	sst s10  }
0x38: {  	s10 =	sld [smem:$0x3FB9]  }
0x39: {  	_ = 	snop;
	(pc) =	sbr.ind lr, $3  }
0x3a: {  	_ = 	snop  }
0x3b: {  	_ = 	snop  }
0x3c: {  	p2 =	seq.s32 s10, $0x1;
	s10 =	sld [smem:$0x3FB8]  }
0x3d: {  	_ =	shalt  }
0x3e: {  	_ =	shalt  }
0x3f: {  	_ =	shalt  }
0x40: {  	_ =	shalt  }
0x41: {  	_ =	shalt  }
0x42: {  	_ =	shalt  }
0x43: {  	_ =	shalt  }
0x44: {  	_ =	shalt  }
0x45: {  	_ =	shalt  }
0x46: {  	_ =	shalt  }
0x47: {  	_ =	shalt  }
0x48: {  	_ =	shalt  }
0x49: {  	_ =	shalt  }
0x4a: {  	_ =	shalt  }
0x4b: {  	_ =	shalt  }
0x4c: {  	_ =	shalt  }
0x4d: {  	_ =	shalt  }
0x4e: {  	_ =	shalt  }
0x4f: {  	_ =	shalt  }
0x50: {  	_ =	shalt  }
0x51: {  	_ =	shalt  }
0x52: {  	_ =	shalt  }
0x53: {  	_ =	shalt  }
0x54: {  	_ =	shalt  }
0x55: {  	_ =	shalt  }
0x56: {  	_ =	shalt  }
0x57: {  	_ =	shalt  }
0x58: {  	_ =	shalt  }
0x59: {  	_ =	shalt  }
0x5a: {  	_ =	shalt  }
0x5b: {  	_ =	shalt  }
0x5c: {  	_ =	shalt  }
0x5d: {  	_ =	shalt  }
0x5e: {  	_ =	shalt  }
0x5f: {  	_ =	shalt  }
0x60: {  	_ =	shalt  }
0x61: {  	_ =	shalt  }
0x62: {  	_ =	shalt  }
0x63: {  	_ =	shalt  }
0x64: {  	_ =	shalt  }
0x65: {  	_ =	shalt  }
0x66: {  	_ =	shalt  }
0x67: {  	_ =	shalt  }
0x68: {  	_ =	shalt  }
0x69: {  	_ =	shalt  }
0x6a: {  	_ =	shalt  }
0x6b: {  	_ =	shalt  }
0x6c: {  	_ =	shalt  }
0x6d: {  	_ =	shalt  }
0x6e: {  	_ =	shalt  }
0x6f: {  	_ =	shalt  }
0x70: {  	_ =	shalt  }
0x71: {  	_ =	shalt  }
0x72: {  	_ =	shalt  }
0x73: {  	_ =	shalt  }
0x74: {  	_ =	shalt  }
0x75: {  	_ =	shalt  }
0x76: {  	_ =	shalt  }
0x77: {  	_ =	shalt  }
0x78: {  	_ =	shalt  }
0x79: {  	_ =	shalt  }
0x7a: {  	_ =	shalt  }
0x7b: {  	_ =	shalt  }
0x7c: {  	_ =	shalt  }
0x7d: {  	_ =	shalt  }
0x7e: {  	_ =	shalt  }
0x7f: {  	_ =	shalt  }
0x80: {  	_ =	shalt  }
0x81: {  	_ =	shalt  }
0x82: {  	_ =	shalt  }
0x83: {  	_ =	shalt  }
0x84: {  	_ =	shalt  }
0x85: {  	_ =	shalt  }
0x86: {  	_ =	shalt  }
0x87: {  	_ =	shalt  }
.Lfunc_end0:
.L_simem_size_0:
called_computation_lowered:
.L_overlay_start_0:
0x88: {  	s2 =	sld [smem:$0x3FD9]  }
0x89: {  	s3 =	sld [smem:$0x3FFE];
	_ =	sdelay $0x1  }
0x8a: {  	s1 =	srdreg.scid  }
0x8b: {  	s0 =	sand.u32 $0x1, s1  }
0x8c: {  	s17 =	sshll.u32 s0, $0xA;
	s2 =	sadd.s32 s3, s2  }
0x8d: {  	s2 =	sadd.s32 s2, s17  }
0x8e: {  	[smem:$0x3FC4] =	sst s2  }
0x8f: {  	_ = 	snop  }
0x90: {  	s2 =	sld [smem:$0x3FC8]  }
0x91: {  	s18 =	sld [smem:$0x3FD0];
	(tm) =	ssettm $0x1  }
0x92: {  	s4 =	sld [smem:$0x3FFB];
	_ =	sdelay $0x3  }
0x93: {  	_ =	strace s4  }
0x94: {  	s4 =	sld [smem:$0x3FFC];
	_ =	sdelay $0x3  }
0x95: {  	_ =	strace s4  }
0x96: {  	s4 =	sld [smem:$0x3FFD];
	_ =	sdelay $0x3  }
0x97: {  	_ =	strace s4  }
0x98: {  	_ =	strace $0x8FFFFFFF  }
0x99: {  	s19 =	sld [smem:$0x3FDB];
	_ =	sdelay $0x1  }
0x9a: {  	s5 =	simm.s32 $_scs_section_size  }
0x9b: {  	s6 =	simm.s32 $_size__tile_overlayer_lowered;
	s7 =	simm.s32 $_tile_overlayer_lowered  }
0x9c: {  	s22 =	simm.s32 $0x1BFF;
	s21 =	sshll.u32 s7, $0x1;
	s4 =	sadd.s32 s5, s19  }
0x9d: {  	s8 =	simm.s32 $0x0;
	s20 =	sshll.u32 s6, $0x1;
	s6 =	sadd.s32 s21, s4  }
0x9e: {  	[timem:s8], [sflag:s22] =	dma.local [hbm:s6], s20  }
0x9f: {  	_ =	swait.ge [sflag:s22], s20  }
0xa0: {  	s5 =	ssub.s32 $0x0, s20;
	[sflag:s22] =	ssyncset.done $0x0  }
0xa1: {  	[sflag:s22] =	ssyncadd.s32 s5;
	_ =	sdelay $0x1  }
0xa2: {  	s23 =	simm.s32 $0x1B8B  }
0xa3: {  	_ =	swait.ge [sflag:s23], $0x1  }
0xa4: {  	[sflag:s23] =	ssyncset.done $0x0  }
0xa5: {  	s25 =	simm.s32 $0x1B8E;
	s24 =	sld [smem:$0x3FFE];
	[sflag:s23] =	ssyncadd.s32 $0xFFFFFFFF  }
0xa6: {  	s26 =	simm.s32 $execute0_lowered;
	[smem:$0x3FD2] =	sst s25  }
0xa7: {  	s6 =	sshll.u32 s26, $0x1;
	_ =	strace $0x80000046;
	[dreg:$0x1] =	wrdreg $0xFFFFFFFF  }
0xa8: {  	s28 =	simm.s32 $_size_execute0_lowered;
	s4 =	sadd.s32 s4, s6;
	[dreg:$0x0] =	wrdreg $0x0  }
0xa9: {  	s6 =	sshll.u32 s28, $0x1;
	[dreg:$0x2] =	wrdreg s4  }
0xaa: {  	[dreg:$0x3] =	wrdreg s6  }
0xab: {  	[dreg:$0x4] =	wrdreg $0xC0  }
0xac: {  	_ =	task [dreg:s8], $0x5FFFF  }
0xad: {  	[dreg:$0x1] =	wrdreg $0xFFFFFFFF  }
0xae: {  	[dreg:$0x0] =	wrdreg $0x60  }
0xaf: {  	[dreg:$0x2] =	wrdreg s18  }
0xb0: {  	[dreg:$0x3] =	wrdreg s24  }
0xb1: {  	[dreg:$0x4] =	wrdreg s2  }
0xb2: {  	[dreg:$0x5] =	wrdreg $0x9  }
0xb3: {  	_ =	task.clear_ibuf [dreg:s8], $0x6FFFF;
	_ =	strace $0x90000046  }
0xb4: {  	s29 =	simm.s32 $0x9;
	_ =	strace $0x80000048  }
0xb5: {  	_ =	swait.ge [sflag:s29], $0x1  }
0xb6: {  	[sflag:s29] =	ssyncadd.s32 $0xFFFFFFFF  }
0xb7: {  	_ =	strace $0x90000048  }
0xb8: {  	_ =	sfence  }
0xb9: {  	s30 =	sld [smem:$0x0];
	_ =	sdelay $0x2  }
0xba: {  	s31 =	sshll.u32 s1, $0xD;
	s1 =	sshrl.u32 s1, $0x2  }
0xbb: {  	s3 =	sand.u32 $0x4000, s31;
	s1 =	sadd.s32 s1, s30  }
0xbc: {  	s0 =	sor.u32 s3, s0;
	s1 =	sshll.u32 s1, $0x11  }
0xbd: {  	s0 =	sor.u32 s1, s0  }
0xbe: {  	s0 =	sadd.s32 $0x8F2B, s0  }
0xbf: {  	[sflag:s0] =	ssyncadd.remote.s32 $0x1  }
0xc0: {  	_ =	sfence.sel $0xFFFF  }
0xc1: {  	[dreg:$0x0] =	wrdreg $0xFFFFFFFF;
	(pc) =	sbr.abs _section_cstart, $3  }
0xc2: {  	[dreg:$0x1] =	wrdreg $0xFFFFFFFF  }
0xc3: {  	_ =	task.clear_ibuf [dreg:s8], $0x2FFFF;
	_ =	strace $0x9FFFFFFF  }
0xc4: {  	(tm) =	ssettm $0x7FFFFFFF  }
0xc5: {  	_ =	shalt  }
tec
execute0_lowered:
.L_overlay_start_1:
0x0: {  	(tag) =	ssettag $0x1  }
0x1: {  	s6 =	rddreg [dreg:$0x0]  }
0x2: {  	s7 =	rddreg [dreg:$0x1];
	s2 =	simm.s32 $0x0;
	v3 =	vlaneseq.u32  }
0x3: {  	v0 =	vimm.s32 $0xEDCBA987;
	[smem:$0x7FF] =	sst s2;
	v7 =	vor.u32 $0x10, v3  }
0x4: {  	s1 =	rddreg [dreg:$0x2];
	v1 =	vimm.s32 $0x6543210F;
	v0 =	vunpack.c.l.s4.s8 v0;
	v9 =	vor.u32 $0x20, v3;
	_ =	strace $0x80000047;
	[tilespmem:$0x1FFB0] =	vst v7  }
0x5: {  	s5 =	srdreg.scid;
	s0 =	stileid.u32;
	s12 =	simm.s32 $0x780;
	v1 =	vunpack.c.l.s4.s8 v1;
	v19 =	vmul.u32 $0x80, v3;
	v11 =	vor.u32 $0x30, v3;
	[tilespmem:$0x1FFD0] =	vst v9  }
0x6: {  	s13 =	simm.s32 $0xA780;
	s14 =	simm.s32 $0xE000;
	s15 =	simm.s32 $0x6;
	[tilespmem:$0x1FFF0] =	vst v11  }
.Ltmp0:
0x7: {  	s16 =	simm.s32 $0x0;
	s5 =	sand.u32 $0x1, s5;
	v0 =	vunpack.c.0.s8.s32 v0;
	v1 =	vunpack.c.0.s8.s32 v1;
	v6 =	vor.u32 $0x800, v19;
	[tilespmem:$0x1FF80] =	vst v19;
	(pc) =	sbr.rel .LBB2_1-.Ltmp0, $4  }
0x8: {  	s9 =	sshll.u32 s0, $0x7;
	s8 =	ssub.s32 $0x2, s5;
	s10 =	sshll.u32 s5, $0x6;
	v8 =	vor.u32 $0x1000, v19;
	[tilespmem:$0x1FFA0] =	vst v6  }
0x9: {  	s4 =	sadd.s32 $0x800, s7;
	s11 =	sshrl.u32 s8, $0x1;
	s9 =	sor.u32 s10, s9;
	v10 =	vor.u32 $0x1800, v19;
	[tilespmem:$0x1FFC0] =	vst v8;
	v4 =	vcombine.low v1, v0  }
0xa: {  	s5 =	sadd.s32 $0xC00, s7;
	s8 =	ssub.s32 s8, s11;
	s6 =	sadd.s32 s6, s9;
	[tilespmem:$0x1FFE0] =	vst v10  }
0xb: {  	v5 =	vimm.s32 $0xF;
	s7 =	sadd.s32 s7, s9;
	s9 =	simm.s32 $0x7;
	s8 =	smax.u32 s8, $0x1;
	[tilespmem:$0x1FF90] =	vst v4  }
.LBB2_17:
0xc: {  	s16 =	sadd.s32 $0x1, s16  }
0xd: {  	p0 =	sne.s32 s16, s8  }
.Ltmp1:
0xe: {  	_ = 	snop;
	(pc) =	sbr.rel @!p0 .LBB2_18-.Ltmp1, $4  }
0xf: {  	_ = 	snop  }
0x10: {  	_ =	swait.ge [sflag:s15], $0x10000  }
0x11: {  	[sflag:s15] =	ssyncset.done $0x0  }
0x12: {  	[sflag:s15] =	ssyncadd.s32 $0xFFFF0000  }
.LBB2_1:
0x13: {  	[tilespmem:s2], [sflag:$0x7] =	stream.linear.gather [hbm4b:s6+s2], $0x200, $0x38;
	[tilespmem:$0x1E000] =	vst v63  }
0x14: {  	_ =	swait.ge [sflag:s9], $0x200  }
0x15: {  	[sflag:s9] =	ssyncset.done $0x0  }
0x16: {  	s0 =	simm.s32 $0x280;
	[sflag:s9] =	ssyncadd.s32 $0xFFFFFE00  }
0x17: {  	[tilespmem:s0], [sflag:$0x7] =	stream.linear.gather [hbm4b:s7+s2], $0x200, $0x38;
	[tilespmem:$0x1E000] =	vst v63  }
0x18: {  	_ =	swait.ge [sflag:s9], $0x200  }
0x19: {  	[sflag:s9] =	ssyncset.done $0x0  }
0x1a: {  	s28 =	simm.s32 $0xC780;
	[sflag:s9] =	ssyncadd.s32 $0xFFFFFE00  }
0x1b: {  	[tilespmem:s28], [sflag:$0x7] =	stream.linear.gather [hbm4b:s4+s2], $0x1880, $0x38;
	[tilespmem:$0x1E000] =	vst v63  }
0x1c: {  	_ =	swait.ge [sflag:s9], $0x1880  }
0x1d: {  	[sflag:s9] =	ssyncset.done $0x0  }
0x1e: {  	s17 =	simm.s32 $0x0;
	[sflag:s9] =	ssyncadd.s32 $0xFFFFE780  }
0x1f: {  	v0 =	vld [tilespmem:s17+$0x0];
	_ =	sdelay $0x4  }
0x20: {  	v0 =	vshrl.u32 v0, $0x7  }
0x21: {  	v1 =	vperm.xlane v0, v4  }
0x22: {  	s29 =	simm.s32 $0xFFFFFFFF;
	vm0 =	veq.s32 v3, $0x0;
	v2 =	vperm.xlane v0, v5  }
0x23: {  	v1 =	vsel vm0, s29, v1  }
0x24: {  	(v2sf) =	vpush v2, $0x0;
	vm1 =	vne.s32 v0, v1  }
0x25: {  	v1 =	vmpcnt.ones.xlane vm1;
	_ =	sdelay $0x1  }
0x26: {  	(v2sf) =	vpush v1, $0x0;
	_ =	sdelay $0x3  }
0x27: {  	s30 =	simm.s32 $0x10;
	[tilespmem:s2+$0x500] =	vst.msk vm1, v0  }
0x28: {  	v0 =	vld [tilespmem:s30+$0x0];
	_ =	sdelay $0x4  }
0x29: {  	v0 =	vshrl.u32 v0, $0x7  }
0x2a: {  	v1 =	vperm.xlane v0, v4;
	v2 =	vperm.xlane v0, v5  }
0x2b: {  	s31 =	spop (v2sf)  }
0x2c: {  	(v2sf) =	vpush v2, $0x0;
	v1 =	vsel vm0, s31, v1  }
0x2d: {  	vm1 =	vne.s32 v0, v1  }
0x2e: {  	s18 =	simm.s32 $0x0;
	s17 =	simm.s32 $0x80;
	v1 =	vmpcnt.ones.xlane vm1;
	s19 =	spop (v2sf)  }
.LBB2_2:
0x2f: {  	p0 =	sne.s32 s17, $0x7C0  }
0x30: {  	(v2sf) =	vpush v1, $0x0;
	s18 =	sadd.s32 s18, s19;
	s19 =	smov.u32 s17;
	s17 =	sadd.s32 $0x40, s17  }
0x31: {  	[tilespmem:s18+$0x500] =	vst.msk vm1, v0;
	_ =	sdelay $0x1  }
0x32: {  	s19 =	sshra.s32 s19, $0x2  }
0x33: {  	v0 =	vld [tilespmem:s19+$0x0];
	_ =	sdelay $0x4  }
0x34: {  	v0 =	vshrl.u32 v0, $0x7  }
0x35: {  	v1 =	vperm.xlane v0, v4;
	v2 =	vperm.xlane v0, v5  }
.Ltmp2:
0x36: {  	s19 =	spop (v2sf);
	(pc) =	sbr.rel @p0 .LBB2_2-.Ltmp2, $4  }
0x37: {  	v1 =	vsel vm0, s19, v1;
	(v2sf) =	vpush v2, $0x0  }
0x38: {  	vm1 =	vne.s32 v0, v1  }
0x39: {  	v1 =	vmpcnt.ones.xlane vm1  }
0x3a: {  	s19 =	spop (v2sf)  }
0x3b: {  	(v2sf) =	vpush v1, $0x0;
	_ =	sdelay $0xd  }
0x3c: {  	s17 =	spop (v2sf)  }
0x3d: {  	s18 =	sadd.s32 s18, s19;
	s17 =	spop (v2sf)  }
0x3e: {  	s17 =	sadd.s32 s18, s17  }
0x3f: {  	p0 =	slt.s32 s17, $0x1  }
.Ltmp3:
0x40: {  	_ = 	snop;
	(pc) =	sbr.rel @p0 .LBB2_7-.Ltmp3, $2  }
0x41: {  	_ =	sdelay $0x2  }
0x42: {  	[tilespmem:s18+$0x500] =	vst.msk vm1, v0  }
0x43: {  	s18 =	simm.s32 $0x0  }
0x44: {  	s19 =	sand.u32 $0x7FFFFFF0, s18  }
0x45: {  	v0 =	vld [tilespmem:s19+$0x500];
	_ =	sdelay $0x3  }
0x46: {  	v1 =	vmov s18  }
0x47: {  	v0 =	vperm.xlane v0, v1;
	_ =	sdelay $0x1  }
0x48: {  	(v2sf) =	vpush v0, $0x0;
	_ =	sdelay $0xc  }
0x49: {  	s31 =	smin.u32 s17, $0x4;
	s20 =	simm.s32 $0x780;
	s21 =	simm.s32 $0x1B80  }
0x4a: {  	s22 =	simm.s32 $0x1380;
	s24 =	simm.s32 $0x1780;
	s25 =	simm.s32 $0xB80  }
0x4b: {  	s26 =	simm.s32 $0xF80;
	[dreg:$0x4] =	wrdreg s31;
	s23 =	spop (v2sf)  }
0x4c: {  	s18 =	simm.s32 $0x1;
	s19 =	simm.s32 $0x1;
	s23 =	sshll.u32 s23, $0xA  }
0x4d: {  	s28 =	sshrl.u32 s23, $0x3;
	s29 =	sadd.s32 $0x7A1400, s23;
	s30 =	sadd.s32 $0xF42800, s23  }
0x4e: {  	s10 =	sadd.s32 $0x16E3C00, s23;
	s11 =	sadd.s32 $0x1E85000, s23;
	s28 =	sadd.s32 s1, s28  }
0x4f: {  	s29 =	sshrl.u32 s29, $0x3;
	s0 =	sshrl.u32 s30, $0x3;
	s30 =	sshrl.u32 s10, $0x3  }
0x50: {  	[tilespmem:s20], [sflag:s19] =	stream.linear.gather [hbm4b:s28+s2], $0x400, $0x38;
	[tilespmem:$0x1E000] =	vst v63  }
0x51: {  	s31 =	sshrl.u32 s11, $0x3;
	s10 =	sadd.s32 $0x2DC7800, s23;
	s3 =	sadd.s32 s1, s29  }
0x52: {  	[tilespmem:s25], [sflag:s19] =	stream.linear.gather [hbm4b:s3+s2], $0x400, $0x38;
	[tilespmem:$0x1E000] =	vst v63  }
0x53: {  	s20 =	sadd.s32 s1, s0;
	s0 =	sadd.s32 s1, s30;
	s28 =	sshrl.u32 s10, $0x3  }
0x54: {  	[tilespmem:s26], [sflag:s19] =	stream.linear.gather [hbm4b:s20+s2], $0x400, $0x38;
	[tilespmem:$0x1E000] =	vst v63  }
0x55: {  	s30 =	sadd.s32 $0x3568C00, s23;
	s3 =	sadd.s32 $0x2626400, s23;
	s26 =	rddreg [dreg:$0x4]  }
0x56: {  	[tilespmem:s22], [sflag:s19] =	stream.linear.gather [hbm4b:s0+s2], $0x400, $0x38;
	[tilespmem:$0x1E000] =	vst v63  }
0x57: {  	s11 =	sshrl.u32 s3, $0x3;
	s20 =	sadd.s32 s1, s31;
	p0 =	sne.s32 s26, $0x1  }
0x58: {  	[tilespmem:s24], [sflag:s19] =	stream.linear.gather [hbm4b:s20+s2], $0x400, $0x38;
	[tilespmem:$0x1E000] =	vst v63  }
.Ltmp4:
0x59: {  	s23 =	sshrl.u32 s30, $0x3;
	s29 =	sadd.s32 s1, s11;
	(pc) =	sbr.rel @!p0 .LBB2_6-.Ltmp4, $4  }
0x5a: {  	[tilespmem:s21], [sflag:s19] =	stream.linear.gather [hbm4b:s29+s2], $0x400, $0x38;
	[tilespmem:$0x1E000] =	vst v63  }
0x5b: {  	s23 =	sadd.s32 s1, s23;
	s31 =	simm.s32 $0x1F80;
	s20 =	sadd.s32 s1, s28  }
0x5c: {  	[tilespmem:s31], [sflag:s19] =	stream.linear.gather [hbm4b:s20+s2], $0x400, $0x38;
	[tilespmem:$0x1E000] =	vst v63  }
0x5d: {  	s22 =	simm.s32 $0x2380;
	s21 =	simm.s32 $0x2780;
	s20 =	simm.s32 $0x2  }
.LBB2_5:
0x5e: {  	[tilespmem:s22], [sflag:s19] =	stream.linear.gather [hbm4b:s23+s2], $0x400, $0x38;
	[tilespmem:$0x1E000] =	vst v63  }
0x5f: {  	s3 =	sand.u32 $0x7FFFFFF0, s18  }
0x60: {  	v0 =	vld [tilespmem:s3+$0x500];
	_ =	sdelay $0x2  }
0x61: {  	s10 =	smov.u32 s18  }
0x62: {  	v1 =	vmov s10  }
0x63: {  	v0 =	vperm.xlane v0, v1;
	_ =	sdelay $0x1  }
0x64: {  	(v2sf) =	vpush v0, $0x0;
	_ =	sdelay $0xb  }
0x65: {  	s18 =	sadd.s32 $0x1, s18  }
0x66: {  	s19 =	smov.u32 s20;
	s22 =	smov.u32 s21;
	s20 =	sadd.s32 $0x1, s20  }
0x67: {  	s21 =	sadd.s32 $0x2000, s21;
	s24 =	rddreg [dreg:$0x4];
	s23 =	sadd.s32 $0x1400, s22  }
0x68: {  	s25 =	sadd.s32 $0xC00, s22;
	s26 =	sadd.s32 $0x1000, s22;
	s28 =	spop (v2sf)  }
0x69: {  	s29 =	sadd.s32 $0x400, s22;
	s30 =	sadd.s32 $0x800, s22;
	s28 =	sshll.u32 s28, $0xA  }
0x6a: {  	p0 =	sne.s32 s24, s18;
	s31 =	sshrl.u32 s28, $0x3;
	s0 =	sadd.s32 $0x7A1400, s28  }
0x6b: {  	s3 =	sadd.s32 $0xF42800, s28;
	s31 =	sadd.s32 s1, s31;
	s0 =	sshrl.u32 s0, $0x3  }
0x6c: {  	[tilespmem:s22], [sflag:s19] =	stream.linear.gather [hbm4b:s31+s2], $0x400, $0x38;
	[tilespmem:$0x1E000] =	vst v63  }
0x6d: {  	s11 =	sadd.s32 $0x16E3C00, s28;
	s3 =	sshrl.u32 s3, $0x3;
	s0 =	sadd.s32 s1, s0  }
0x6e: {  	[tilespmem:s29], [sflag:s19] =	stream.linear.gather [hbm4b:s0+s2], $0x400, $0x38;
	[tilespmem:$0x1E000] =	vst v63  }
0x6f: {  	s10 =	sadd.s32 $0x1E85000, s28;
	s31 =	sshrl.u32 s11, $0x3;
	s29 =	sadd.s32 s1, s3  }
0x70: {  	[tilespmem:s30], [sflag:s19] =	stream.linear.gather [hbm4b:s29+s2], $0x400, $0x38;
	[tilespmem:$0x1E000] =	vst v63  }
0x71: {  	s10 =	sshrl.u32 s10, $0x3;
	s11 =	sadd.s32 s1, s31;
	s30 =	sadd.s32 $0x2626400, s28  }
0x72: {  	[tilespmem:s25], [sflag:s19] =	stream.linear.gather [hbm4b:s11+s2], $0x400, $0x38;
	[tilespmem:$0x1E000] =	vst v63  }
0x73: {  	s31 =	sadd.s32 $0x2DC7800, s28;
	s3 =	sshrl.u32 s30, $0x3;
	s11 =	sadd.s32 s1, s10  }
0x74: {  	[tilespmem:s26], [sflag:s19] =	stream.linear.gather [hbm4b:s11+s2], $0x400, $0x38;
	[tilespmem:$0x1E000] =	vst v63  }
.Ltmp5:
0x75: {  	s30 =	sadd.s32 $0x3568C00, s28;
	s25 =	sshrl.u32 s31, $0x3;
	(pc) =	sbr.rel @p0 .LBB2_5-.Ltmp5, $4  }
0x76: {  	s29 =	sadd.s32 s1, s3;
	s31 =	sadd.s32 $0x1800, s22;
	s3 =	sshrl.u32 s30, $0x3  }
0x77: {  	[tilespmem:s23], [sflag:s19] =	stream.linear.gather [hbm4b:s29+s2], $0x400, $0x38;
	[tilespmem:$0x1E000] =	vst v63  }
0x78: {  	s22 =	sadd.s32 $0x1C00, s22;
	s10 =	sadd.s32 s1, s25;
	s23 =	sadd.s32 s1, s3  }
0x79: {  	[tilespmem:s31], [sflag:s19] =	stream.linear.gather [hbm4b:s10+s2], $0x400, $0x38;
	[tilespmem:$0x1E000] =	vst v63  }
.LBB2_6:
0x7a: {  	[tilespmem:s22], [sflag:s19] =	stream.linear.gather [hbm4b:s23+s2], $0x400, $0x38;
	[tilespmem:$0x1E000] =	vst v63  }
.LBB2_7:
.Ltmp6:
0x7b: {  	(pc) =	sbr.rel .LBB2_8-.Ltmp6, $3  }
0x7c: {  	_ =	sdelay $0x1  }
0x7d: {  	s22 =	simm.s32 $0xFFFFFFFF  }
0x7e: {  	s18 =	simm.s32 $0x0;
	s19 =	simm.s32 $0xD880;
	s20 =	simm.s32 $0x0  }
.LBB2_16:
0x7f: {  	s20 =	sadd.s32 $0x1, s20  }
0x80: {  	p0 =	sne.s32 s20, $0x8  }
.Ltmp7:
0x81: {  	_ = 	snop;
	(pc) =	sbr.rel @!p0 .LBB2_17-.Ltmp7, $2  }
0x82: {  	_ =	sdelay $0x2  }
0x83: {  	s19 =	sadd.s32 $0x2000, s19  }
.LBB2_8:
.Ltmp8:
0x84: {  	(pc) =	sbr.rel .LBB2_9-.Ltmp8, $3  }
0x85: {  	_ =	sdelay $0x1  }
0x86: {  	s21 =	sshll.u32 s20, $0x6  }
0x87: {  	s23 =	smov.u32 s19;
	s29 =	smov.u32 s22;
	s24 =	simm.s32 $0x0  }
.LBB2_14:
0x88: {  	s0 =	spop (v2sf)  }
0x89: {  	s0 =	sshll.u32 s0, $0x4  }
0x8a: {  	s0 =	sand.u32 $0x1FFFFFF0, s0  }
0x8b: {  	s3 =	sadd.s32 $0x80, s25;
	s30 =	spop (v2sf);
	s0 =	sadd.s32 s5, s0  }
0x8c: {  	[hbm4b:s0+s2] =	stream.linear.scatter [tilespmem:s3], [sflag:$0x6], $0x80, $0x38;
	[tilespmem:$0x1E000] =	vst v63  }
0x8d: {  	s0 =	sshll.u32 s30, $0x4  }
0x8e: {  	s0 =	sand.u32 $0x1FFFFFF0, s0  }
0x8f: {  	v4 =	vld [tilespmem:$0x1FF90];
	s3 =	sadd.s32 $0x80, s3;
	s0 =	sadd.s32 s5, s0  }
0x90: {  	v6 =	vld [tilespmem:$0x1FFA0];
	[hbm4b:s0+s2] =	stream.linear.scatter [tilespmem:s3], [sflag:$0x6], $0x80, $0x38  }
0x91: {  	v7 =	vld [tilespmem:$0x1FFB0];
	s31 =	spop (v2sf)  }
0x92: {  	v8 =	vld [tilespmem:$0x1FFC0];
	s0 =	sshll.u32 s31, $0x4  }
0x93: {  	v9 =	vld [tilespmem:$0x1FFD0];
	s0 =	sand.u32 $0x1FFFFFF0, s0  }
0x94: {  	v10 =	vld [tilespmem:$0x1FFE0];
	s3 =	sadd.s32 $0x80, s3;
	s0 =	sadd.s32 s5, s0  }
0x95: {  	v3 =	vlaneseq.u32;
	v5 =	vimm.s32 $0xF;
	v11 =	vld [tilespmem:$0x1FFF0];
	[hbm4b:s0+s2] =	stream.linear.scatter [tilespmem:s3], [sflag:$0x6], $0x80, $0x38  }
.LBB2_15:
0x96: {  	s24 =	sadd.s32 $0x1, s24  }
0x97: {  	p0 =	sne.s32 s24, $0x40  }
.Ltmp9:
0x98: {  	_ = 	snop;
	(pc) =	sbr.rel @!p0 .LBB2_16-.Ltmp9, $2  }
0x99: {  	_ =	sdelay $0x2  }
0x9a: {  	s23 =	sadd.s32 $0x80, s23;
	s29 =	smov.u32 s22  }
.LBB2_9:
0x9b: {  	s25 =	sadd.s32 s21, s24  }
0x9c: {  	s0 =	sand.u32 $0x1F0, s25  }
0x9d: {  	v0 =	vld [tilespmem:s0+$0x0];
	_ =	sdelay $0x2  }
0x9e: {  	s26 =	sand.u32 $0xF, s24  }
0x9f: {  	v1 =	vmov s26  }
0xa0: {  	v0 =	vperm.xlane v0, v1;
	_ =	sdelay $0x1  }
0xa1: {  	(v2sf) =	vpush v0, $0x0;
	_ =	sdelay $0xe  }
0xa2: {  	s28 =	spop (v2sf)  }
0xa3: {  	s22 =	sshrl.u32 s28, $0x7  }
0xa4: {  	p0 =	seq.s32 s22, s29  }
.Ltmp10:
0xa5: {  	_ = 	snop;
	(pc) =	sbr.rel @p0 .LBB2_11-.Ltmp10, $1  }
0xa6: {  	_ =	sdelay $0x3  }
0xa7: {  	s0 =	smulhi.u32 $0x66666667, s18;
	s3 =	sshra.s32 s18, $0x1F  }
0xa8: {  	s3 =	smul.u32 $0x66666667, s3;
	_ =	sdelay $0x1  }
0xa9: {  	s0 =	sadd.s32 s3, s0  }
0xaa: {  	s3 =	sshrl.u32 s0, $0x1F;
	s0 =	sshra.s32 s0, $0x1  }
0xab: {  	s0 =	sadd.s32 s3, s0  }
0xac: {  	s0 =	smul.u32 $0x5, s0;
	_ =	sdelay $0x1  }
0xad: {  	s0 =	ssub.s32 s18, s0  }
0xae: {  	s0 =	sadd.s32 $0x1, s0  }
0xaf: {  	s3 =	sadd.s32 $0x4, s18;
	_ =	swait.ge [sflag:s0], $0x2000  }
0xb0: {  	p0 =	sge.s32 s3, s17;
	[sflag:s0] =	ssyncset.done $0x0  }
0xb1: {  	[sflag:s0] =	ssyncadd.s32 $0xFFFFE000;
	s0 =	sand.u32 @!p0 $0xFFFFFFF0, s3  }
0xb2: {  	v0 =	vld @!p0 [tilespmem:s0+$0x500];
	_ =	sdelay $0x3  }
0xb3: {  	v1 =	vmov @!p0 s3  }
0xb4: {  	v0 =	vperm.xlane @!p0 v0, v1;
	_ =	sdelay $0x1  }
0xb5: {  	(v2sf) =	vpush @!p0 v0, $0x0;
	_ =	sdelay $0x5  }
0xb6: {  	s10 =	sshra.s32 @!p0 s3, $0x1F  }
0xb7: {  	s10 =	smul.u32 @!p0 $0x66666667, s10  }
0xb8: {  	s0 =	smulhi.u32 @!p0 $0x66666667, s3;
	_ =	sdelay $0x1  }
0xb9: {  	s0 =	sadd.s32 @!p0 s10, s0  }
0xba: {  	s10 =	sshrl.u32 @!p0 s0, $0x1F;
	s0 =	sshra.s32 @!p0 s0, $0x1  }
0xbb: {  	s0 =	sadd.s32 @!p0 s10, s0  }
0xbc: {  	s0 =	smul.u32 @!p0 $0x5, s0;
	_ =	sdelay $0x1  }
0xbd: {  	s0 =	ssub.s32 @!p0 s3, s0;
	s3 =	spop @!p0 (v2sf)  }
0xbe: {  	s10 =	sshll.u32 @!p0 s0, $0xF;
	s3 =	sshll.u32 @!p0 s3, $0xA  }
0xbf: {  	s11 =	simm.s32 @!p0 $0x0;
	s10 =	sshra.s32 @!p0 s10, $0x2;
	s31 =	sshrl.u32 @!p0 s3, $0x3  }
0xc0: {  	s0 =	sadd.s32 @!p0 $0x1, s0;
	s30 =	sor.u32 @!p0 $0x780, s10;
	s31 =	sadd.s32 @!p0 s1, s31  }
0xc1: {  	[tilespmem:s30], [sflag:s0] =	stream.linear.gather @!p0 [hbm4b:s31+s11], $0x400, $0x38;
	[tilespmem:$0x1E000] =	vst v63  }
0xc2: {  	s30 =	sadd.s32 @!p0 $0x7A1400, s3  }
0xc3: {  	s30 =	sshrl.u32 @!p0 s30, $0x3  }
0xc4: {  	s31 =	sor.u32 @!p0 $0xB80, s10;
	s30 =	sadd.s32 @!p0 s1, s30  }
0xc5: {  	[tilespmem:s31], [sflag:s0] =	stream.linear.gather @!p0 [hbm4b:s30+s11], $0x400, $0x38;
	[tilespmem:$0x1E000] =	vst v63  }
0xc6: {  	s30 =	sadd.s32 @!p0 $0xF42800, s3  }
0xc7: {  	s30 =	sshrl.u32 @!p0 s30, $0x3  }
0xc8: {  	s31 =	sor.u32 @!p0 $0xF80, s10;
	s30 =	sadd.s32 @!p0 s1, s30  }
0xc9: {  	[tilespmem:s31], [sflag:s0] =	stream.linear.gather @!p0 [hbm4b:s30+s11], $0x400, $0x38;
	[tilespmem:$0x1E000] =	vst v63  }
0xca: {  	s30 =	sadd.s32 @!p0 $0x16E3C00, s3  }
0xcb: {  	s30 =	sshrl.u32 @!p0 s30, $0x3  }
0xcc: {  	s31 =	sor.u32 @!p0 $0x1380, s10;
	s30 =	sadd.s32 @!p0 s1, s30  }
0xcd: {  	[tilespmem:s31], [sflag:s0] =	stream.linear.gather @!p0 [hbm4b:s30+s11], $0x400, $0x38;
	[tilespmem:$0x1E000] =	vst v63  }
0xce: {  	s30 =	sadd.s32 @!p0 $0x1E85000, s3  }
0xcf: {  	s30 =	sshrl.u32 @!p0 s30, $0x3  }
0xd0: {  	s31 =	sor.u32 @!p0 $0x1780, s10;
	s30 =	sadd.s32 @!p0 s1, s30  }
0xd1: {  	[tilespmem:s31], [sflag:s0] =	stream.linear.gather @!p0 [hbm4b:s30+s11], $0x400, $0x38;
	[tilespmem:$0x1E000] =	vst v63  }
0xd2: {  	s30 =	sadd.s32 @!p0 $0x2626400, s3  }
0xd3: {  	s30 =	sshrl.u32 @!p0 s30, $0x3  }
0xd4: {  	s31 =	sor.u32 @!p0 $0x1B80, s10;
	s30 =	sadd.s32 @!p0 s1, s30  }
0xd5: {  	[tilespmem:s31], [sflag:s0] =	stream.linear.gather @!p0 [hbm4b:s30+s11], $0x400, $0x38;
	[tilespmem:$0x1E000] =	vst v63  }
0xd6: {  	s30 =	sadd.s32 @!p0 $0x2DC7800, s3  }
0xd7: {  	s3 =	sadd.s32 @!p0 $0x3568C00, s3;
	s30 =	sshrl.u32 @!p0 s30, $0x3  }
0xd8: {  	s31 =	sor.u32 @!p0 $0x1F80, s10;
	s3 =	sshrl.u32 @!p0 s3, $0x3;
	s30 =	sadd.s32 @!p0 s1, s30  }
0xd9: {  	[tilespmem:s31], [sflag:s0] =	stream.linear.gather @!p0 [hbm4b:s30+s11], $0x400, $0x38;
	[tilespmem:$0x1E000] =	vst v63  }
0xda: {  	s10 =	sadd.s32 @!p0 $0x2380, s10;
	s3 =	sadd.s32 @!p0 s1, s3  }
0xdb: {  	[tilespmem:s10], [sflag:s0] =	stream.linear.gather @!p0 [hbm4b:s3+s11], $0x400, $0x38;
	[tilespmem:$0x1E000] =	vst v63  }
.LBB2_11:
0xdc: {  	p0 =	sne.s32 s22, s29;
	s0 =	simm.s32 $0x1  }
0xdd: {  	s0 =	simm.s32 @!p0 $0x0  }
0xde: {  	s18 =	sadd.s32 s0, s18  }
0xdf: {  	s0 =	sadd.s32 $0xFFFFFFFF, s18  }
0xe0: {  	s3 =	smulhi.u32 $0x66666667, s0;
	s10 =	sshra.s32 s0, $0x1F  }
0xe1: {  	s10 =	smul.u32 $0x66666667, s10;
	_ =	sdelay $0x1  }
0xe2: {  	s3 =	sadd.s32 s10, s3  }
0xe3: {  	s10 =	sshrl.u32 s3, $0x1F;
	s3 =	sshrl.u32 s3, $0x1  }
0xe4: {  	s3 =	sadd.s32 s10, s3  }
0xe5: {  	s3 =	smul.u32 $0x5, s3;
	_ =	sdelay $0x1  }
0xe6: {  	s0 =	ssub.s32 s0, s3  }
0xe7: {  	s30 =	sand.u32 $0x7F, s28;
	s0 =	sshll.u32 s0, $0xD  }
0xe8: {  	s0 =	sor.u32 s30, s0  }
0xe9: {  	v0 =	vor.u32 s0, v19;
	_ =	sdelay $0x3  }
0xea: {  	s31 =	sshll.u32 s24, $0x7  }
0xeb: {  	v1 =	vor.u32 s31, v3;
	v0 =	vld.idx.msk [tilespmem:v0+s12+$0x0], $0xffff  }
0xec: {  	v2 =	vor.u32 s0, v6;
	_ =	sdelay $0x3  }
0xed: {  	[tilespmem:v1+s13+$0x0] =	vst.idx.msk $0xffff, v0  }
0xee: {  	v1 =	vor.u32 s31, v7;
	v0 =	vld.idx.msk [tilespmem:v2+s12+$0x0], $0xffff  }
0xef: {  	v2 =	vor.u32 s0, v8;
	_ =	sdelay $0x3  }
0xf0: {  	[tilespmem:v1+s13+$0x0] =	vst.idx.msk $0xffff, v0  }
0xf1: {  	v1 =	vor.u32 s31, v9;
	v0 =	vld.idx.msk [tilespmem:v2+s12+$0x0], $0xffff  }
0xf2: {  	v2 =	vor.u32 s0, v10;
	_ =	sdelay $0x3  }
0xf3: {  	[tilespmem:v1+s13+$0x0] =	vst.idx.msk $0xffff, v0  }
0xf4: {  	p0 =	sne.s32 s26, $0xF;
	v1 =	vor.u32 s31, v11;
	v0 =	vld.idx.msk [tilespmem:v2+s12+$0x0], $0xffff  }
.Ltmp11:
0xf5: {  	_ = 	snop;
	(pc) =	sbr.rel @p0 .LBB2_15-.Ltmp11, $2  }
0xf6: {  	_ =	sdelay $0x2  }
0xf7: {  	[tilespmem:v1+s13+$0x0] =	vst.idx.msk $0xffff, v0  }
0xf8: {  	s0 =	sadd.s32 $0xFFFFFFF1, s24  }
0xf9: {  	v0 =	vmov s0  }
0xfa: {  	v0 =	vshll.u32 v0, $0x7  }
0xfb: {  	v10 =	vor.u32 v19, v0;
	v0 =	vld [tilespmem:$0xDFA0];
	_ =	sdelay $0x4  }
0xfc: {  	[tilespmem:$0x1F2E0] =	vst v0;
	v0 =	vld [tilespmem:$0xDFB0];
	_ =	sdelay $0x4  }
0xfd: {  	[tilespmem:$0x1F2F0] =	vst v0;
	v0 =	vld [tilespmem:$0xDFC0];
	_ =	sdelay $0x4  }
0xfe: {  	[tilespmem:$0x1F300] =	vst v0;
	v0 =	vld [tilespmem:$0xDFD0];
	_ =	sdelay $0x4  }
0xff: {  	[tilespmem:$0x1F310] =	vst v0;
	v0 =	vld [tilespmem:$0xC780];
	_ =	sdelay $0x4  }
0x100: {  	[tilespmem:$0x1F290] =	vst v0;
	v0 =	vld [tilespmem:$0xCB80];
	_ =	sdelay $0x4  }
0x101: {  	[tilespmem:$0x1F2A0] =	vst v0;
	v0 =	vld [tilespmem:$0xCF80];
	_ =	sdelay $0x4  }
0x102: {  	v30 =	vor.u32 $0x21, v10;
	[tilespmem:$0x1F2B0] =	vst v0;
	v0 =	vld [tilespmem:$0xD380];
	_ =	sdelay $0x2  }
0x103: {  	v46 =	vor.u32 $0xF, v10  }
0x104: {  	v55 =	vor.u32 $0x11, v10  }
0x105: {  	v31 =	vor.u32 $0x22, v10;
	[tilespmem:$0x1F2D0] =	vst v0;
	v0 =	vld.idx.msk [tilespmem:v30+s13+$0x0], $0xffff;
	_ =	sdelay $0x2  }
0x106: {  	v48 =	vld.idx.msk [tilespmem:v46+s13+$0x0], $0xffff  }
0x107: {  	v21 =	vor.u32 $0x18, v10;
	v46 =	vld.idx.msk [tilespmem:v55+s13+$0x0], $0xffff  }
0x108: {  	v55 =	vor.u32 $0x23, v10;
	[tilespmem:$0x1FBF0] =	vst v0;
	v0 =	vld.idx.msk [tilespmem:v31+s13+$0x0], $0xffff;
	_ =	sdelay $0x3  }
0x109: {  	v22 =	vor.u32 $0x19, v10;
	v39 =	vld.idx.msk [tilespmem:v21+s13+$0x0], $0xffff  }
0x10a: {  	v21 =	vor.u32 $0x24, v10;
	[tilespmem:$0x1FC60] =	vst v0;
	v0 =	vld.idx.msk [tilespmem:v55+s13+$0x0], $0xffff;
	_ =	sdelay $0x3  }
0x10b: {  	v23 =	vor.u32 $0x1A, v10;
	v38 =	vld.idx.msk [tilespmem:v22+s13+$0x0], $0xffff  }
0x10c: {  	v22 =	vor.u32 $0x25, v10;
	[tilespmem:$0x1FCD0] =	vst v0;
	v0 =	vld.idx.msk [tilespmem:v21+s13+$0x0], $0xffff;
	_ =	sdelay $0x3  }
0x10d: {  	v24 =	vor.u32 $0x1B, v10;
	v37 =	vld.idx.msk [tilespmem:v23+s13+$0x0], $0xffff  }
0x10e: {  	v23 =	vor.u32 $0x26, v10;
	[tilespmem:$0x1FD40] =	vst v0;
	v0 =	vld.idx.msk [tilespmem:v22+s13+$0x0], $0xffff;
	_ =	sdelay $0x3  }
0x10f: {  	v25 =	vor.u32 $0x1C, v10;
	v36 =	vld.idx.msk [tilespmem:v24+s13+$0x0], $0xffff  }
0x110: {  	v24 =	vor.u32 $0x27, v10;
	[tilespmem:$0x1FDB0] =	vst v0;
	v0 =	vld.idx.msk [tilespmem:v23+s13+$0x0], $0xffff;
	_ =	sdelay $0x3  }
0x111: {  	v26 =	vor.u32 $0x1D, v10;
	v35 =	vld.idx.msk [tilespmem:v25+s13+$0x0], $0xffff  }
0x112: {  	v25 =	vor.u32 $0x28, v10;
	[tilespmem:$0x1FE00] =	vst v0;
	v0 =	vld.idx.msk [tilespmem:v24+s13+$0x0], $0xffff;
	_ =	sdelay $0x3  }
0x113: {  	v27 =	vor.u32 $0x1E, v10;
	v34 =	vld.idx.msk [tilespmem:v26+s13+$0x0], $0xffff  }
0x114: {  	v26 =	vor.u32 $0x29, v10;
	[tilespmem:$0x1FE30] =	vst v0;
	v0 =	vld.idx.msk [tilespmem:v25+s13+$0x0], $0xffff;
	_ =	sdelay $0x1  }
0x115: {  	v44 =	vor.u32 $0xD, v10  }
0x116: {  	v57 =	vor.u32 $0x13, v10  }
0x117: {  	v28 =	vor.u32 $0x1F, v10;
	v33 =	vld.idx.msk [tilespmem:v27+s13+$0x0], $0xffff  }
0x118: {  	v27 =	vor.u32 $0x2A, v10;
	[tilespmem:$0x1FE60] =	vst v0;
	v0 =	vld.idx.msk [tilespmem:v26+s13+$0x0], $0xffff;
	_ =	sdelay $0x1  }
0x119: {  	v50 =	vld.idx.msk [tilespmem:v44+s13+$0x0], $0xffff  }
0x11a: {  	v60 =	vor.u32 $0x15, v10;
	v44 =	vld.idx.msk [tilespmem:v57+s13+$0x0], $0xffff  }
0x11b: {  	v29 =	vor.u32 $0x20, v10;
	v57 =	vld.idx.msk [tilespmem:v28+s13+$0x0], $0xffff  }
0x11c: {  	v28 =	vor.u32 $0x2B, v10;
	[tilespmem:$0x1FE90] =	vst v0;
	v0 =	vld.idx.msk [tilespmem:v27+s13+$0x0], $0xffff;
	_ =	sdelay $0x2  }
0x11d: {  	v42 =	vld.idx.msk [tilespmem:v60+s13+$0x0], $0xffff  }
0x11e: {  	v60 =	vld.idx.msk [tilespmem:v29+s13+$0x0], $0xffff  }
0x11f: {  	v29 =	vor.u32 $0x2C, v10;
	[tilespmem:$0x1FEC0] =	vst v0;
	v0 =	vld.idx.msk [tilespmem:v28+s13+$0x0], $0xffff;
	_ =	sdelay $0x4  }
0x120: {  	v30 =	vor.u32 $0x2D, v10;
	[tilespmem:$0x1FED0] =	vst v0;
	v0 =	vld.idx.msk [tilespmem:v29+s13+$0x0], $0xffff;
	_ =	sdelay $0x4  }
0x121: {  	v31 =	vor.u32 $0x2E, v10;
	[tilespmem:$0x1FEF0] =	vst v0;
	v0 =	vld.idx.msk [tilespmem:v30+s13+$0x0], $0xffff;
	_ =	sdelay $0x4  }
0x122: {  	v32 =	vor.u32 $0x2F, v10;
	[tilespmem:$0x1FF00] =	vst v0;
	v0 =	vld.idx.msk [tilespmem:v31+s13+$0x0], $0xffff;
	_ =	sdelay $0x2  }
0x123: {  	v45 =	vor.u32 $0xE, v10  }
0x124: {  	v56 =	vor.u32 $0x12, v10  }
0x125: {  	v55 =	vor.u32 $0x30, v10;
	[tilespmem:$0x1FF10] =	vst v0;
	v0 =	vld.idx.msk [tilespmem:v32+s13+$0x0], $0xffff;
	_ =	sdelay $0x2  }
0x126: {  	v43 =	vor.u32 $0xC, v10;
	v49 =	vld.idx.msk [tilespmem:v45+s13+$0x0], $0xffff  }
0x127: {  	v59 =	vor.u32 $0x14, v10;
	v45 =	vld.idx.msk [tilespmem:v56+s13+$0x0], $0xffff  }
0x128: {  	v56 =	vor.u32 $0x31, v10;
	[tilespmem:$0x1FF20] =	vst v0;
	v0 =	vld.idx.msk [tilespmem:v55+s13+$0x0], $0xffff;
	_ =	sdelay $0x2  }
0x129: {  	v51 =	vld.idx.msk [tilespmem:v43+s13+$0x0], $0xffff  }
0x12a: {  	v61 =	vor.u32 $0x16, v10;
	v43 =	vld.idx.msk [tilespmem:v59+s13+$0x0], $0xffff  }
0x12b: {  	v59 =	vor.u32 $0x32, v10;
	[tilespmem:$0x1FF30] =	vst v0;
	v0 =	vld.idx.msk [tilespmem:v56+s13+$0x0], $0xffff;
	_ =	sdelay $0x3  }
0x12c: {  	v63 =	vor.u32 $0x17, v10;
	v41 =	vld.idx.msk [tilespmem:v61+s13+$0x0], $0xffff  }
0x12d: {  	v61 =	vor.u32 $0x33, v10;
	[tilespmem:$0x1FF40] =	vst v0;
	v0 =	vld.idx.msk [tilespmem:v59+s13+$0x0], $0xffff;
	_ =	sdelay $0x3  }
0x12e: {  	v40 =	vld.idx.msk [tilespmem:v63+s13+$0x0], $0xffff  }
0x12f: {  	v63 =	vor.u32 $0x34, v10;
	[tilespmem:$0x1FF50] =	vst v0;
	v0 =	vld.idx.msk [tilespmem:v61+s13+$0x0], $0xffff;
	_ =	sdelay $0x4  }
0x130: {  	[tilespmem:$0x1FF60] =	vst v0;
	v0 =	vld.idx.msk [tilespmem:v63+s13+$0x0], $0xffff;
	_ =	sdelay $0x4  }
0x131: {  	[tilespmem:$0x1FF70] =	vst v0;
	v0 =	vld [tilespmem:$0xD7C0];
	_ =	sdelay $0x4  }
0x132: {  	[tilespmem:$0x1F320] =	vst v0;
	v0 =	vld [tilespmem:$0xC7D0];
	_ =	sdelay $0x4  }
0x133: {  	[tilespmem:$0x1F330] =	vst v0;
	v0 =	vld [tilespmem:$0xCBD0];
	_ =	sdelay $0x4  }
0x134: {  	[tilespmem:$0x1F340] =	vst v0;
	v0 =	vld [tilespmem:$0xCFD0];
	_ =	sdelay $0x4  }
0x135: {  	[tilespmem:$0x1F350] =	vst v0;
	v0 =	vld [tilespmem:$0xD3D0];
	_ =	sdelay $0x4  }
0x136: {  	[tilespmem:$0x1F360] =	vst v0;
	v0 =	vld [tilespmem:$0xD7D0];
	_ =	sdelay $0x4  }
0x137: {  	[tilespmem:$0x1F370] =	vst v0;
	v0 =	vld [tilespmem:$0xDBD0];
	_ =	sdelay $0x4  }
0x138: {  	[tilespmem:$0x1F380] =	vst v0;
	v0 =	vld [tilespmem:$0xC7E0];
	_ =	sdelay $0x4  }
0x139: {  	[tilespmem:$0x1F390] =	vst v0;
	v0 =	vld [tilespmem:$0xCBE0];
	_ =	sdelay $0x4  }
0x13a: {  	[tilespmem:$0x1F3A0] =	vst v0;
	v0 =	vld [tilespmem:$0xCFE0];
	_ =	sdelay $0x4  }
0x13b: {  	[tilespmem:$0x1F3B0] =	vst v0;
	v0 =	vld [tilespmem:$0xD3E0];
	_ =	sdelay $0x4  }
0x13c: {  	[tilespmem:$0x1F3C0] =	vst v0;
	v0 =	vld [tilespmem:$0xD7E0];
	_ =	sdelay $0x4  }
0x13d: {  	[tilespmem:$0x1F3D0] =	vst v0;
	v0 =	vld [tilespmem:$0xDBE0];
	_ =	sdelay $0x4  }
0x13e: {  	[tilespmem:$0x1F3E0] =	vst v0;
	v0 =	vld [tilespmem:$0xC7F0];
	_ =	sdelay $0x4  }
0x13f: {  	[tilespmem:$0x1F3F0] =	vst v0;
	v0 =	vld [tilespmem:$0xCBF0];
	_ =	sdelay $0x4  }
0x140: {  	[tilespmem:$0x1F400] =	vst v0;
	v0 =	vld [tilespmem:$0xCFF0];
	_ =	sdelay $0x4  }
0x141: {  	[tilespmem:$0x1F410] =	vst v0;
	v0 =	vld [tilespmem:$0xD3F0];
	_ =	sdelay $0x4  }
0x142: {  	[tilespmem:$0x1F420] =	vst v0;
	v0 =	vld [tilespmem:$0xD7F0];
	_ =	sdelay $0x4  }
0x143: {  	[tilespmem:$0x1F430] =	vst v0;
	v0 =	vld [tilespmem:$0xDBF0];
	_ =	sdelay $0x4  }
0x144: {  	[tilespmem:$0x1F440] =	vst v0;
	v0 =	vld [tilespmem:$0xC800];
	_ =	sdelay $0x4  }
0x145: {  	[tilespmem:$0x1F450] =	vst v0;
	v0 =	vld [tilespmem:$0xCC00];
	_ =	sdelay $0x4  }
0x146: {  	[tilespmem:$0x1F460] =	vst v0;
	v0 =	vld [tilespmem:$0xD000];
	_ =	sdelay $0x4  }
0x147: {  	[tilespmem:$0x1F470] =	vst v0;
	v0 =	vld [tilespmem:$0xD400];
	_ =	sdelay $0x4  }
0x148: {  	[tilespmem:$0x1F480] =	vst v0;
	v0 =	vld [tilespmem:$0xD800];
	_ =	sdelay $0x4  }
0x149: {  	[tilespmem:$0x1F490] =	vst v0;
	v0 =	vld [tilespmem:$0xDC00];
	_ =	sdelay $0x4  }
0x14a: {  	[tilespmem:$0x1F4A0] =	vst v0;
	v0 =	vld [tilespmem:$0xC810];
	_ =	sdelay $0x4  }
0x14b: {  	[tilespmem:$0x1F4B0] =	vst v0;
	v0 =	vld [tilespmem:$0xCC10];
	_ =	sdelay $0x4  }
0x14c: {  	[tilespmem:$0x1F4C0] =	vst v0;
	v0 =	vld [tilespmem:$0xD010];
	_ =	sdelay $0x4  }
0x14d: {  	[tilespmem:$0x1F4D0] =	vst v0;
	v0 =	vld [tilespmem:$0xD410];
	_ =	sdelay $0x4  }
0x14e: {  	[tilespmem:$0x1F4E0] =	vst v0;
	v0 =	vld [tilespmem:$0xD810];
	_ =	sdelay $0x4  }
0x14f: {  	[tilespmem:$0x1F4F0] =	vst v0;
	v0 =	vld [tilespmem:$0xDC10];
	_ =	sdelay $0x4  }
0x150: {  	[tilespmem:$0x1F500] =	vst v0;
	v0 =	vld [tilespmem:$0xC820];
	_ =	sdelay $0x4  }
0x151: {  	[tilespmem:$0x1F510] =	vst v0;
	v0 =	vld [tilespmem:$0xCC20];
	_ =	sdelay $0x4  }
0x152: {  	[tilespmem:$0x1F520] =	vst v0;
	v0 =	vld [tilespmem:$0xD020];
	_ =	sdelay $0x4  }
0x153: {  	[tilespmem:$0x1F530] =	vst v0;
	v0 =	vld [tilespmem:$0xD420];
	_ =	sdelay $0x4  }
0x154: {  	[tilespmem:$0x1F540] =	vst v0;
	v0 =	vld [tilespmem:$0xD820];
	_ =	sdelay $0x4  }
0x155: {  	[tilespmem:$0x1F550] =	vst v0;
	v0 =	vld [tilespmem:$0xDC20];
	_ =	sdelay $0x4  }
0x156: {  	[tilespmem:$0x1F560] =	vst v0;
	v0 =	vld [tilespmem:$0xC830];
	_ =	sdelay $0x4  }
0x157: {  	[tilespmem:$0x1F570] =	vst v0;
	v0 =	vld [tilespmem:$0xCC30];
	_ =	sdelay $0x4  }
0x158: {  	[tilespmem:$0x1F580] =	vst v0;
	v0 =	vld [tilespmem:$0xD030];
	_ =	sdelay $0x4  }
0x159: {  	[tilespmem:$0x1F590] =	vst v0;
	v0 =	vld [tilespmem:$0xD430];
	_ =	sdelay $0x4  }
0x15a: {  	[tilespmem:$0x1F5A0] =	vst v0;
	v0 =	vld [tilespmem:$0xD830];
	_ =	sdelay $0x4  }
0x15b: {  	[tilespmem:$0x1F5B0] =	vst v0;
	v0 =	vld [tilespmem:$0xDC30];
	_ =	sdelay $0x4  }
0x15c: {  	[tilespmem:$0x1F5C0] =	vst v0;
	v0 =	vld [tilespmem:$0xC840];
	_ =	sdelay $0x4  }
0x15d: {  	[tilespmem:$0x1F5D0] =	vst v0;
	v0 =	vld [tilespmem:$0xCC40];
	_ =	sdelay $0x4  }
0x15e: {  	[tilespmem:$0x1F5E0] =	vst v0;
	v0 =	vld [tilespmem:$0xD040];
	_ =	sdelay $0x4  }
0x15f: {  	[tilespmem:$0x1F5F0] =	vst v0;
	v0 =	vld [tilespmem:$0xD440];
	_ =	sdelay $0x4  }
0x160: {  	[tilespmem:$0x1F600] =	vst v0;
	v0 =	vld [tilespmem:$0xD840];
	_ =	sdelay $0x4  }
0x161: {  	[tilespmem:$0x1F610] =	vst v0;
	v0 =	vld [tilespmem:$0xDC40];
	_ =	sdelay $0x4  }
0x162: {  	[tilespmem:$0x1F620] =	vst v0;
	v0 =	vld [tilespmem:$0xC850];
	_ =	sdelay $0x4  }
0x163: {  	[tilespmem:$0x1F630] =	vst v0;
	v0 =	vld [tilespmem:$0xCC50];
	_ =	sdelay $0x4  }
0x164: {  	[tilespmem:$0x1F640] =	vst v0;
	v0 =	vld [tilespmem:$0xD050];
	_ =	sdelay $0x4  }
0x165: {  	[tilespmem:$0x1F650] =	vst v0;
	v0 =	vld [tilespmem:$0xD450];
	_ =	sdelay $0x4  }
0x166: {  	[tilespmem:$0x1F660] =	vst v0;
	v0 =	vld [tilespmem:$0xD850];
	_ =	sdelay $0x4  }
0x167: {  	[tilespmem:$0x1F670] =	vst v0;
	v0 =	vld [tilespmem:$0xDC50];
	_ =	sdelay $0x4  }
0x168: {  	[tilespmem:$0x1F680] =	vst v0;
	v0 =	vld [tilespmem:$0xC860];
	_ =	sdelay $0x4  }
0x169: {  	[tilespmem:$0x1F690] =	vst v0;
	v0 =	vld [tilespmem:$0xCC60];
	_ =	sdelay $0x4  }
0x16a: {  	[tilespmem:$0x1F6A0] =	vst v0;
	v0 =	vld [tilespmem:$0xD060];
	_ =	sdelay $0x4  }
0x16b: {  	[tilespmem:$0x1F6B0] =	vst v0;
	v0 =	vld [tilespmem:$0xD460];
	_ =	sdelay $0x4  }
0x16c: {  	[tilespmem:$0x1F6C0] =	vst v0;
	v0 =	vld [tilespmem:$0xD860];
	_ =	sdelay $0x4  }
0x16d: {  	[tilespmem:$0x1F6D0] =	vst v0;
	v0 =	vld [tilespmem:$0xDC60];
	_ =	sdelay $0x4  }
0x16e: {  	[tilespmem:$0x1F6E0] =	vst v0;
	v0 =	vld [tilespmem:$0xC870];
	_ =	sdelay $0x4  }
0x16f: {  	[tilespmem:$0x1F6F0] =	vst v0;
	v0 =	vld [tilespmem:$0xCC70];
	_ =	sdelay $0x4  }
0x170: {  	[tilespmem:$0x1F700] =	vst v0;
	v0 =	vld [tilespmem:$0xD070];
	_ =	sdelay $0x4  }
0x171: {  	[tilespmem:$0x1F710] =	vst v0;
	v0 =	vld [tilespmem:$0xD470];
	_ =	sdelay $0x4  }
0x172: {  	[tilespmem:$0x1F720] =	vst v0;
	v0 =	vld [tilespmem:$0xD870];
	_ =	sdelay $0x4  }
0x173: {  	[tilespmem:$0x1F730] =	vst v0;
	v0 =	vld [tilespmem:$0xDC70];
	_ =	sdelay $0x4  }
0x174: {  	[tilespmem:$0x1F740] =	vst v0;
	v0 =	vld [tilespmem:$0xC880];
	_ =	sdelay $0x4  }
0x175: {  	[tilespmem:$0x1F750] =	vst v0;
	v0 =	vld [tilespmem:$0xCC80];
	_ =	sdelay $0x4  }
0x176: {  	[tilespmem:$0x1F760] =	vst v0;
	v0 =	vld [tilespmem:$0xD080];
	_ =	sdelay $0x4  }
0x177: {  	[tilespmem:$0x1F770] =	vst v0;
	v0 =	vld [tilespmem:$0xD480];
	_ =	sdelay $0x4  }
0x178: {  	[tilespmem:$0x1F780] =	vst v0;
	v0 =	vld [tilespmem:$0xD880];
	_ =	sdelay $0x4  }
0x179: {  	[tilespmem:$0x1F790] =	vst v0;
	v0 =	vld [tilespmem:$0xDC80];
	_ =	sdelay $0x4  }
0x17a: {  	[tilespmem:$0x1F7A0] =	vst v0;
	v0 =	vld [tilespmem:$0xC890];
	_ =	sdelay $0x4  }
0x17b: {  	[tilespmem:$0x1F7B0] =	vst v0;
	v0 =	vld [tilespmem:$0xCC90];
	_ =	sdelay $0x4  }
0x17c: {  	[tilespmem:$0x1F7C0] =	vst v0;
	v0 =	vld [tilespmem:$0xD090];
	_ =	sdelay $0x4  }
0x17d: {  	[tilespmem:$0x1F7D0] =	vst v0;
	v0 =	vld [tilespmem:$0xD490];
	_ =	sdelay $0x4  }
0x17e: {  	[tilespmem:$0x1F7E0] =	vst v0;
	v0 =	vld [tilespmem:$0xD890];
	_ =	sdelay $0x4  }
0x17f: {  	[tilespmem:$0x1F7F0] =	vst v0;
	v0 =	vld [tilespmem:$0xDC90];
	_ =	sdelay $0x4  }
0x180: {  	[tilespmem:$0x1F800] =	vst v0;
	v0 =	vld [tilespmem:$0xC8A0];
	_ =	sdelay $0x4  }
0x181: {  	[tilespmem:$0x1F810] =	vst v0;
	v0 =	vld [tilespmem:$0xCCA0];
	_ =	sdelay $0x4  }
0x182: {  	[tilespmem:$0x1F820] =	vst v0;
	v0 =	vld [tilespmem:$0xD0A0];
	_ =	sdelay $0x4  }
0x183: {  	[tilespmem:$0x1F830] =	vst v0;
	v0 =	vld [tilespmem:$0xD4A0];
	_ =	sdelay $0x4  }
0x184: {  	[tilespmem:$0x1F840] =	vst v0;
	v0 =	vld [tilespmem:$0xD8A0];
	_ =	sdelay $0x4  }
0x185: {  	[tilespmem:$0x1F850] =	vst v0;
	v0 =	vld [tilespmem:$0xDCA0];
	_ =	sdelay $0x4  }
0x186: {  	[tilespmem:$0x1F860] =	vst v0;
	v0 =	vld [tilespmem:$0xC8B0];
	_ =	sdelay $0x4  }
0x187: {  	[tilespmem:$0x1F870] =	vst v0;
	v0 =	vld [tilespmem:$0xCCB0];
	_ =	sdelay $0x4  }
0x188: {  	[tilespmem:$0x1F880] =	vst v0;
	v0 =	vld [tilespmem:$0xD0B0];
	_ =	sdelay $0x4  }
0x189: {  	[tilespmem:$0x1F890] =	vst v0;
	v0 =	vld [tilespmem:$0xD4B0];
	_ =	sdelay $0x4  }
0x18a: {  	[tilespmem:$0x1F8A0] =	vst v0;
	v0 =	vld [tilespmem:$0xD8B0];
	_ =	sdelay $0x4  }
0x18b: {  	[tilespmem:$0x1F8B0] =	vst v0;
	v0 =	vld [tilespmem:$0xDCB0];
	_ =	sdelay $0x4  }
0x18c: {  	[tilespmem:$0x1F8C0] =	vst v0;
	v0 =	vld [tilespmem:$0xC8C0];
	_ =	sdelay $0x4  }
0x18d: {  	[tilespmem:$0x1F8D0] =	vst v0;
	v0 =	vld [tilespmem:$0xCCC0];
	_ =	sdelay $0x4  }
0x18e: {  	[tilespmem:$0x1F8E0] =	vst v0;
	v0 =	vld [tilespmem:$0xD0C0];
	_ =	sdelay $0x4  }
0x18f: {  	[tilespmem:$0x1F8F0] =	vst v0;
	v0 =	vld [tilespmem:$0xD4C0];
	_ =	sdelay $0x4  }
0x190: {  	[tilespmem:$0x1F900] =	vst v0;
	v0 =	vld [tilespmem:$0xD8C0];
	_ =	sdelay $0x4  }
0x191: {  	[tilespmem:$0x1F910] =	vst v0;
	v0 =	vld [tilespmem:$0xDCC0];
	_ =	sdelay $0x4  }
0x192: {  	[tilespmem:$0x1F920] =	vst v0;
	v0 =	vld [tilespmem:$0xC8D0];
	_ =	sdelay $0x4  }
0x193: {  	[tilespmem:$0x1F930] =	vst v0;
	v0 =	vld [tilespmem:$0xCCD0];
	_ =	sdelay $0x4  }
0x194: {  	[tilespmem:$0x1F940] =	vst v0;
	v0 =	vld [tilespmem:$0xD0D0];
	_ =	sdelay $0x4  }
0x195: {  	[tilespmem:$0x1F950] =	vst v0;
	v0 =	vld [tilespmem:$0xD4D0];
	_ =	sdelay $0x4  }
0x196: {  	[tilespmem:$0x1F960] =	vst v0;
	v0 =	vld [tilespmem:$0xD8D0];
	_ =	sdelay $0x1  }
0x197: {  	v62 =	vld [tilespmem:$0xDF80]  }
0x198: {  	v1 =	vld [tilespmem:$0xDF90]  }
0x199: {  	v18 =	vld [tilespmem:$0xD390];
	v2 =	vor.u32 $0x2, v10  }
0x19a: {  	[tilespmem:$0x1F970] =	vst v0;
	v0 =	vld [tilespmem:$0xDCD0]  }
0x19b: {  	v20 =	vld [tilespmem:$0xDB90];
	v3 =	vor.u32 $0x3, v10  }
0x19c: {  	v19 =	vld [tilespmem:$0xD790];
	v4 =	vor.u32 $0x4, v10  }
0x19d: {  	v5 =	vor.u32 $0x5, v10;
	v9 =	vld.idx.msk [tilespmem:v10+s13+$0x0], $0xffff  }
0x19e: {  	v6 =	vor.u32 $0x6, v10;
	v15 =	vld.idx.msk [tilespmem:v2+s13+$0x0], $0xffff  }
0x19f: {  	[tilespmem:$0x1F980] =	vst v0;
	v0 =	vld [tilespmem:$0xC8E0]  }
0x1a0: {  	v7 =	vor.u32 $0x7, v10;
	v58 =	vld.idx.msk [tilespmem:v3+s13+$0x0], $0xffff  }
0x1a1: {  	v8 =	vor.u32 $0x8, v10;
	v4 =	vld.idx.msk [tilespmem:v4+s13+$0x0], $0xffff  }
0x1a2: {  	v11 =	vor.u32 $0x9, v10;
	v5 =	vld.idx.msk [tilespmem:v5+s13+$0x0], $0xffff  }
0x1a3: {  	v12 =	vor.u32 $0xA, v10;
	v6 =	vld.idx.msk [tilespmem:v6+s13+$0x0], $0xffff  }
0x1a4: {  	[tilespmem:$0x1F990] =	vst v0;
	v0 =	vld [tilespmem:$0xCCE0]  }
0x1a5: {  	v13 =	vor.u32 $0xB, v10;
	v16 =	vld.idx.msk [tilespmem:v7+s13+$0x0], $0xffff  }
0x1a6: {  	v47 =	vor.u32 $0x10, v10;
	v17 =	vld.idx.msk [tilespmem:v8+s13+$0x0], $0xffff  }
0x1a7: {  	v54 =	vld.idx.msk [tilespmem:v11+s13+$0x0], $0xffff  }
0x1a8: {  	v53 =	vld.idx.msk [tilespmem:v12+s13+$0x0], $0xffff  }
0x1a9: {  	[tilespmem:$0x1F9A0] =	vst v0;
	v0 =	vld [tilespmem:$0xD0E0]  }
0x1aa: {  	v52 =	vld.idx.msk [tilespmem:v13+s13+$0x0], $0xffff  }
0x1ab: {  	v47 =	vld.idx.msk [tilespmem:v47+s13+$0x0], $0xffff  }
0x1ac: {  	v7 =	vld [tilespmem:$0xD780]  }
0x1ad: {  	v8 =	vld [tilespmem:$0xDB80]  }
0x1ae: {  	[tilespmem:$0x1F9B0] =	vst v0;
	v0 =	vld [tilespmem:$0xD4E0]  }
0x1af: {  	v11 =	vld [tilespmem:$0xC790]  }
0x1b0: {  	[tilespmem:$0x1F2C0] =	vst v1;
	v1 =	vor.u32 $0x1, v10;
	v12 =	vld [tilespmem:$0xCB90]  }
0x1b1: {  	v13 =	vld [tilespmem:$0xCF90]  }
0x1b2: {  	v2 =	vld [tilespmem:$0xDCE0]  }
0x1b3: {  	[tilespmem:$0x1F9C0] =	vst v0;
	v0 =	vld [tilespmem:$0xD8E0]  }
0x1b4: {  	v3 =	vld [tilespmem:$0xC8F0]  }
0x1b5: {  	v14 =	vld.idx.msk [tilespmem:v1+s13+$0x0], $0xffff  }
0x1b6: {  	v1 =	vld [tilespmem:$0x1F2A0]  }
0x1b7: {  	[tilespmem:$0x1F9E0] =	vst v2;
	v2 =	vld [tilespmem:$0x1F2B0]  }
0x1b8: {  	[tilespmem:$0x1F9D0] =	vst v0;
	v0 =	vld [tilespmem:$0x1F290]  }
0x1b9: {  	v21 =	vld [tilespmem:$0xC7A0]  }
0x1ba: {  	v22 =	vld [tilespmem:$0xCBA0]  }
0x1bb: {  	v23 =	vld [tilespmem:$0xCFA0]  }
0x1bc: {  	v24 =	vld [tilespmem:$0xD3A0]  }
0x1bd: {  	v25 =	vld [tilespmem:$0xD7A0];
	v0 =	vmul.f32 v0, v9  }
0x1be: {  	v26 =	vld [tilespmem:$0xDBA0]  }
0x1bf: {  	[tilespmem:$0x1F9F0] =	vst v3;
	v3 =	vadd.f32 v0, v62;
	v0 =	vld [tilespmem:$0x1F2C0]  }
0x1c0: {  	v27 =	vld [tilespmem:$0xC7B0]  }
0x1c1: {  	v28 =	vld [tilespmem:$0xCBB0]  }
0x1c2: {  	v1 =	vmul.f32 v1, v9;
	v29 =	vld [tilespmem:$0xCFB0]  }
0x1c3: {  	v30 =	vld [tilespmem:$0xD3B0]  }
0x1c4: {  	v1 =	vadd.f32 v1, v0;
	v0 =	vld [tilespmem:$0x1F2D0]  }
0x1c5: {  	v31 =	vld [tilespmem:$0xD7B0]  }
0x1c6: {  	v32 =	vld [tilespmem:$0xDBB0]  }
0x1c7: {  	v62 =	vld [tilespmem:$0xCCF0]  }
0x1c8: {  	v7 =	vmul.f32 v7, v9;
	v8 =	vmul.f32 v8, v9;
	v55 =	vld [tilespmem:$0xC7C0]  }
0x1c9: {  	v2 =	vmul.f32 v2, v9;
	v0 =	vmul.f32 v0, v9;
	v9 =	vld [tilespmem:$0x1F2F0]  }
0x1ca: {  	v56 =	vld [tilespmem:$0xCBC0]  }
0x1cb: {  	v59 =	vld [tilespmem:$0xCFC0]  }
0x1cc: {  	v27 =	vmul.f32 v27, v58;
	[tilespmem:$0x1FA00] =	vst v62;
	v62 =	vld [tilespmem:$0x1F2E0]  }
0x1cd: {  	v28 =	vmul.f32 v28, v58;
	v29 =	vmul.f32 v29, v58;
	v61 =	vld [tilespmem:$0xD3C0]  }
0x1ce: {  	v0 =	vadd.f32 v0, v9;
	v9 =	vmul.f32 v11, v14;
	v11 =	vmul.f32 v12, v14;
	v12 =	vld [tilespmem:$0xD4F0]  }
0x1cf: {  	v30 =	vmul.f32 v30, v58;
	v31 =	vmul.f32 v31, v58;
	v63 =	vld [tilespmem:$0xDBC0]  }
0x1d0: {  	v32 =	vmul.f32 v32, v58;
	v58 =	vmul.f32 v56, v4;
	v56 =	vld [tilespmem:$0x1F380]  }
0x1d1: {  	v2 =	vadd.f32 v2, v62;
	v62 =	vld [tilespmem:$0xD0F0];
	v3 =	vadd.f32 v9, v3;
	v9 =	vmul.f32 v18, v14  }
0x1d2: {  	v18 =	vld [tilespmem:$0xDCF0]  }
0x1d3: {  	v0 =	vadd.f32 v9, v0;
	v9 =	vmul.f32 v21, v15;
	[tilespmem:$0x1FA10] =	vst v12;
	v12 =	vld [tilespmem:$0x1F300]  }
0x1d4: {  	v24 =	vmul.f32 v24, v15;
	v1 =	vadd.f32 v11, v1;
	v11 =	vmul.f32 v19, v14;
	v19 =	vld [tilespmem:$0xCD00]  }
0x1d5: {  	v21 =	vld [tilespmem:$0xD500];
	v3 =	vadd.f32 v9, v3  }
0x1d6: {  	v0 =	vadd.f32 v24, v0;
	v24 =	vld [tilespmem:$0xCD10]  }
0x1d7: {  	v3 =	vadd.f32 v27, v3;
	v27 =	vld [tilespmem:$0xD910]  }
0x1d8: {  	v55 =	vmul.f32 v55, v4;
	v7 =	vadd.f32 v7, v12;
	v12 =	vld [tilespmem:$0x1F310]  }
0x1d9: {  	v61 =	vmul.f32 v61, v4;
	v0 =	vadd.f32 v30, v0;
	v30 =	vld [tilespmem:$0x1F340]  }
0x1da: {  	v25 =	vmul.f32 v25, v15;
	v3 =	vadd.f32 v55, v3;
	v55 =	vld [tilespmem:$0x1F370];
	v7 =	vadd.f32 v11, v7  }
0x1db: {  	v0 =	vadd.f32 v61, v0;
	v61 =	vld [tilespmem:$0x1F3B0]  }
0x1dc: {  	v7 =	vadd.f32 v25, v7;
	v25 =	vld [tilespmem:$0xD110]  }
0x1dd: {  	v8 =	vadd.f32 v8, v12;
	v12 =	vmul.f32 v13, v14;
	v13 =	vld [tilespmem:$0xD8F0]  }
0x1de: {  	v7 =	vadd.f32 v31, v7;
	v31 =	vld [tilespmem:$0x1F350]  }
0x1df: {  	v2 =	vadd.f32 v12, v2;
	v12 =	vmul.f32 v20, v14;
	v14 =	vld [tilespmem:$0xC900]  }
0x1e0: {  	v20 =	vld [tilespmem:$0xD100]  }
0x1e1: {  	v8 =	vadd.f32 v12, v8;
	v12 =	vmul.f32 v23, v15;
	v23 =	vld [tilespmem:$0xC910]  }
0x1e2: {  	v26 =	vmul.f32 v26, v15;
	[tilespmem:$0x1FA20] =	vst v13;
	v13 =	vmul.f32 v22, v15;
	v15 =	vld [tilespmem:$0xD900]  }
0x1e3: {  	v22 =	vld [tilespmem:$0xDD00]  }
0x1e4: {  	v8 =	vadd.f32 v26, v8;
	v26 =	vld [tilespmem:$0xD510]  }
0x1e5: {  	v2 =	vadd.f32 v12, v2;
	v12 =	vmul.f32 v30, v5;
	v30 =	vld [tilespmem:$0xD120]  }
0x1e6: {  	v1 =	vadd.f32 v13, v1;
	v13 =	vld [tilespmem:$0xDD10]  }
0x1e7: {  	v2 =	vadd.f32 v29, v2;
	v29 =	vld [tilespmem:$0x1F330]  }
0x1e8: {  	v59 =	vmul.f32 v59, v4;
	v1 =	vadd.f32 v28, v1;
	v28 =	vld [tilespmem:$0x1F320]  }
0x1e9: {  	v8 =	vadd.f32 v32, v8;
	v32 =	vld [tilespmem:$0x1F360]  }
0x1ea: {  	v2 =	vadd.f32 v59, v2;
	v59 =	vld [tilespmem:$0x1F3A0]  }
0x1eb: {  	v1 =	vadd.f32 v58, v1;
	v58 =	vld [tilespmem:$0x1F390]  }
0x1ec: {  	v9 =	vmul.f32 v29, v5;
	v29 =	vld [tilespmem:$0xCD20]  }
0x1ed: {  	v1 =	vadd.f32 v12, v1;
	v12 =	vld [tilespmem:$0xD520];
	v11 =	vmul.f32 v28, v4;
	v4 =	vmul.f32 v63, v4  }
0x1ee: {  	v28 =	vld [tilespmem:$0xC920];
	v3 =	vadd.f32 v9, v3  }
0x1ef: {  	v9 =	vmul.f32 v32, v5;
	v32 =	vld [tilespmem:$0xDD20];
	v4 =	vadd.f32 v4, v8;
	v8 =	vmul.f32 v31, v5  }
0x1f0: {  	v31 =	vld [tilespmem:$0xD920]  }
0x1f1: {  	v2 =	vadd.f32 v8, v2;
	v8 =	vmul.f32 v55, v5;
	v55 =	vld [tilespmem:$0xC930]  }
0x1f2: {  	v0 =	vadd.f32 v9, v0;
	v9 =	vmul.f32 v58, v6;
	v63 =	vld [tilespmem:$0x1F3C0]  }
0x1f3: {  	v7 =	vadd.f32 v11, v7;
	v11 =	vmul.f32 v59, v6;
	v59 =	vld [tilespmem:$0x1F400]  }
0x1f4: {  	v3 =	vadd.f32 v9, v3;
	v9 =	vld [tilespmem:$0x1F3D0]  }
0x1f5: {  	v5 =	vmul.f32 v56, v5;
	v58 =	vld [tilespmem:$0x1F3F0];
	_ =	sdelay $0x1  }
0x1f6: {  	v56 =	vld [tilespmem:$0x1F3E0];
	v4 =	vadd.f32 v5, v4;
	v5 =	vmul.f32 v61, v6  }
0x1f7: {  	v1 =	vadd.f32 v11, v1;
	v7 =	vadd.f32 v8, v7;
	v8 =	vmul.f32 v63, v6  }
0x1f8: {  	v61 =	vld [tilespmem:$0x1F410];
	v2 =	vadd.f32 v5, v2;
	v5 =	vmul.f32 v9, v6;
	v9 =	vmul.f32 v59, v16  }
0x1f9: {  	v0 =	vadd.f32 v8, v0;
	v8 =	vmul.f32 v58, v16;
	v58 =	vld [tilespmem:$0x1F440]  }
0x1fa: {  	v1 =	vadd.f32 v9, v1;
	v9 =	vld [tilespmem:$0x1F430]  }
0x1fb: {  	v6 =	vmul.f32 v56, v6;
	_ =	sdelay $0x1  }
0x1fc: {  	v63 =	vld [tilespmem:$0x1F420];
	v4 =	vadd.f32 v6, v4;
	v6 =	vmul.f32 v61, v16  }
0x1fd: {  	v3 =	vadd.f32 v8, v3;
	v8 =	vmul.f32 v58, v16;
	v58 =	vld [tilespmem:$0x1F460]  }
0x1fe: {  	v2 =	vadd.f32 v6, v2;
	v6 =	vmul.f32 v9, v16;
	v9 =	vld [tilespmem:$0x1F450];
	_ =	sdelay $0x2  }
0x1ff: {  	v5 =	vadd.f32 v5, v7;
	v7 =	vmul.f32 v63, v16;
	_ =	sdelay $0x1  }
0x200: {  	v0 =	vadd.f32 v7, v0;
	v7 =	vmul.f32 v9, v17;
	v9 =	vmul.f32 v58, v17;
	v58 =	vld [tilespmem:$0xCD40];
	_ =	sdelay $0x4  }
0x201: {  	[tilespmem:$0x1FA30] =	vst v58;
	v58 =	vld [tilespmem:$0x1F470];
	_ =	sdelay $0x4  }
0x202: {  	v5 =	vadd.f32 v6, v5;
	v6 =	vmul.f32 v58, v17;
	v58 =	vld [tilespmem:$0xD140];
	_ =	sdelay $0x3  }
0x203: {  	v1 =	vadd.f32 v9, v1;
	v9 =	vld [tilespmem:$0x1F480]  }
0x204: {  	[tilespmem:$0x1FA40] =	vst v58;
	v58 =	vld [tilespmem:$0xD540];
	_ =	sdelay $0x3  }
0x205: {  	v3 =	vadd.f32 v7, v3;
	v7 =	vmul.f32 v9, v17;
	v9 =	vld [tilespmem:$0x1F490]  }
0x206: {  	[tilespmem:$0x1FA50] =	vst v58;
	v58 =	vld [tilespmem:$0x1F4A0];
	_ =	sdelay $0x3  }
0x207: {  	v2 =	vadd.f32 v6, v2;
	v6 =	vmul.f32 v9, v17;
	v9 =	vld [tilespmem:$0x1F4B0]  }
0x208: {  	v4 =	vadd.f32 v8, v4;
	v8 =	vmul.f32 v58, v17;
	v58 =	vld [tilespmem:$0x1F4C0];
	_ =	sdelay $0x4  }
0x209: {  	v0 =	vadd.f32 v7, v0;
	v7 =	vmul.f32 v9, v54;
	v9 =	vmul.f32 v58, v54;
	v58 =	vld [tilespmem:$0xDD40];
	_ =	sdelay $0x4  }
0x20a: {  	[tilespmem:$0x1FA60] =	vst v58;
	v58 =	vld [tilespmem:$0x1F4D0];
	_ =	sdelay $0x4  }
0x20b: {  	v5 =	vadd.f32 v6, v5;
	v6 =	vmul.f32 v58, v54;
	v58 =	vld [tilespmem:$0xC950];
	_ =	sdelay $0x4  }
0x20c: {  	[tilespmem:$0x1FA70] =	vst v58;
	v58 =	vld [tilespmem:$0xCD50]  }
0x20d: {  	v1 =	vadd.f32 v9, v1;
	v9 =	vld [tilespmem:$0x1F4E0];
	_ =	sdelay $0x3  }
0x20e: {  	[tilespmem:$0x1FA80] =	vst v58;
	v58 =	vld [tilespmem:$0x1F500]  }
0x20f: {  	v3 =	vadd.f32 v7, v3;
	v7 =	vmul.f32 v9, v54;
	v9 =	vld [tilespmem:$0x1F4F0];
	_ =	sdelay $0x3  }
0x210: {  	v4 =	vadd.f32 v8, v4;
	v8 =	vmul.f32 v58, v54;
	v58 =	vld [tilespmem:$0xD150]  }
0x211: {  	v2 =	vadd.f32 v6, v2;
	v6 =	vmul.f32 v9, v54;
	v9 =	vld [tilespmem:$0x1F510]  }
0x212: {  	v54 =	vld [tilespmem:$0x1F520];
	_ =	sdelay $0x2  }
0x213: {  	[tilespmem:$0x1FA90] =	vst v58;
	v58 =	vld [tilespmem:$0xD550];
	_ =	sdelay $0x1  }
0x214: {  	v0 =	vadd.f32 v7, v0;
	v7 =	vmul.f32 v9, v53;
	v9 =	vmul.f32 v54, v53;
	v54 =	vld [tilespmem:$0x1F530];
	_ =	sdelay $0x2  }
0x215: {  	[tilespmem:$0x1FAA0] =	vst v58;
	v58 =	vld [tilespmem:$0xD950];
	_ =	sdelay $0x1  }
0x216: {  	v5 =	vadd.f32 v6, v5;
	v6 =	vmul.f32 v54, v53;
	v54 =	vld [tilespmem:$0x1F540];
	_ =	sdelay $0x2  }
0x217: {  	[tilespmem:$0x1FAB0] =	vst v58;
	v58 =	vld [tilespmem:$0xDD50];
	_ =	sdelay $0x1  }
0x218: {  	v3 =	vadd.f32 v7, v3;
	v7 =	vmul.f32 v54, v53;
	v54 =	vld [tilespmem:$0x1F560];
	_ =	sdelay $0x2  }
0x219: {  	[tilespmem:$0x1FAC0] =	vst v58;
	v58 =	vld [tilespmem:$0xC960]  }
0x21a: {  	v1 =	vadd.f32 v9, v1;
	v9 =	vld [tilespmem:$0x1F550]  }
0x21b: {  	v4 =	vadd.f32 v8, v4;
	v8 =	vmul.f32 v54, v53;
	v54 =	vld [tilespmem:$0x1F580];
	_ =	sdelay $0x2  }
0x21c: {  	[tilespmem:$0x1FAD0] =	vst v58;
	v58 =	vld [tilespmem:$0xCD60];
	_ =	sdelay $0x1  }
0x21d: {  	v2 =	vadd.f32 v6, v2;
	v6 =	vmul.f32 v9, v53;
	v9 =	vmul.f32 v54, v52;
	v54 =	vld [tilespmem:$0x1F590]  }
0x21e: {  	v11 =	vld [tilespmem:$0xCD30]  }
0x21f: {  	v53 =	vld [tilespmem:$0x1F570]  }
0x220: {  	[tilespmem:$0x1FAE0] =	vst v58;
	v58 =	vld [tilespmem:$0xD160]  }
0x221: {  	v56 =	vld [tilespmem:$0xD130]  }
0x222: {  	v5 =	vadd.f32 v6, v5;
	v6 =	vmul.f32 v54, v52;
	v54 =	vld [tilespmem:$0x1F5B0]  }
0x223: {  	v59 =	vld [tilespmem:$0xD530]  }
0x224: {  	v0 =	vadd.f32 v7, v0;
	v7 =	vmul.f32 v53, v52;
	v53 =	vld [tilespmem:$0xD560]  }
0x225: {  	[tilespmem:$0x1FAF0] =	vst v58;
	v58 =	vld [tilespmem:$0x1F5C0]  }
0x226: {  	v1 =	vadd.f32 v9, v1;
	v9 =	vld [tilespmem:$0x1F5A0]  }
0x227: {  	v2 =	vadd.f32 v6, v2;
	v6 =	vmul.f32 v54, v52;
	v54 =	vld [tilespmem:$0x1F5E0]  }
0x228: {  	v61 =	vld [tilespmem:$0xD930]  }
0x229: {  	[tilespmem:$0x1FB00] =	vst v53;
	v53 =	vld [tilespmem:$0x1F5D0]  }
0x22a: {  	v4 =	vadd.f32 v8, v4;
	v8 =	vmul.f32 v58, v52;
	v58 =	vld [tilespmem:$0xDD60]  }
0x22b: {  	v3 =	vadd.f32 v7, v3;
	v7 =	vmul.f32 v9, v52;
	v52 =	vld [tilespmem:$0xD960]  }
0x22c: {  	v9 =	vmul.f32 v54, v51;
	v54 =	vld [tilespmem:$0x1F5F0]  }
0x22d: {  	v63 =	vld [tilespmem:$0xDD30]  }
0x22e: {  	v0 =	vadd.f32 v7, v0;
	v7 =	vmul.f32 v53, v51;
	v53 =	vld [tilespmem:$0xCD70]  }
0x22f: {  	[tilespmem:$0x1FB20] =	vst v58;
	v58 =	vld [tilespmem:$0xC970]  }
0x230: {  	[tilespmem:$0x1FB10] =	vst v52;
	v52 =	vld [tilespmem:$0x1F600]  }
0x231: {  	v5 =	vadd.f32 v6, v5;
	v6 =	vmul.f32 v54, v51;
	v54 =	vld [tilespmem:$0x1F610]  }
0x232: {  	v16 =	vld [tilespmem:$0xC940]  }
0x233: {  	[tilespmem:$0x1FB40] =	vst v53;
	v53 =	vld [tilespmem:$0x1F630]  }
0x234: {  	[tilespmem:$0x1FB30] =	vst v58;
	v58 =	vld [tilespmem:$0x1F620]  }
0x235: {  	v3 =	vadd.f32 v7, v3;
	v7 =	vmul.f32 v52, v51;
	v52 =	vld [tilespmem:$0xD170]  }
0x236: {  	v2 =	vadd.f32 v6, v2;
	v6 =	vmul.f32 v54, v51;
	v54 =	vld [tilespmem:$0x1F640]  }
0x237: {  	v17 =	vld [tilespmem:$0xD940]  }
0x238: {  	v0 =	vadd.f32 v7, v0;
	v7 =	vmul.f32 v53, v50;
	v53 =	vld [tilespmem:$0xD970]  }
0x239: {  	v4 =	vadd.f32 v8, v4;
	v8 =	vmul.f32 v58, v51;
	v58 =	vld [tilespmem:$0xD570]  }
0x23a: {  	[tilespmem:$0x1FB50] =	vst v52;
	v52 =	vld [tilespmem:$0x1F650]  }
0x23b: {  	v1 =	vadd.f32 v9, v1;
	v9 =	vmul.f32 v54, v50;
	v54 =	vld [tilespmem:$0x1F660]  }
0x23c: {  	v51 =	vld [tilespmem:$0x1F680]  }
0x23d: {  	v1 =	vadd.f32 v9, v1;
	v9 =	vld [tilespmem:$0x1F670]  }
0x23e: {  	[tilespmem:$0x1FB70] =	vst v53;
	v53 =	vld [tilespmem:$0x1F690]  }
0x23f: {  	[tilespmem:$0x1FB60] =	vst v58;
	v58 =	vld [tilespmem:$0xDD70]  }
0x240: {  	v5 =	vadd.f32 v6, v5;
	v6 =	vmul.f32 v52, v50;
	v52 =	vld [tilespmem:$0xC980]  }
0x241: {  	v3 =	vadd.f32 v7, v3;
	v7 =	vmul.f32 v54, v50;
	v54 =	vld [tilespmem:$0x1F6A0]  }
0x242: {  	v4 =	vadd.f32 v8, v4;
	v8 =	vmul.f32 v51, v50;
	v51 =	vld [tilespmem:$0x1F6E0]  }
0x243: {  	v0 =	vadd.f32 v7, v0;
	v7 =	vmul.f32 v53, v49;
	v53 =	vld [tilespmem:$0xD180]  }
0x244: {  	[tilespmem:$0x1FB80] =	vst v58;
	v58 =	vld [tilespmem:$0xCD80]  }
0x245: {  	[tilespmem:$0x1FB90] =	vst v52;
	v52 =	vld [tilespmem:$0x1F6B0]  }
0x246: {  	v2 =	vadd.f32 v6, v2;
	v6 =	vmul.f32 v9, v50;
	v9 =	vmul.f32 v54, v49;
	v54 =	vld [tilespmem:$0x1F6C0]  }
0x247: {  	v50 =	vld [tilespmem:$0x1F6D0]  }
0x248: {  	[tilespmem:$0x1FBB0] =	vst v53;
	v53 =	vld [tilespmem:$0x1F6F0]  }
0x249: {  	v4 =	vadd.f32 v8, v4;
	v8 =	vmul.f32 v51, v49;
	v51 =	vld [tilespmem:$0x1F750]  }
0x24a: {  	v5 =	vadd.f32 v6, v5;
	[tilespmem:$0x1FBA0] =	vst v58;
	v58 =	vld [tilespmem:$0xD580]  }
0x24b: {  	v3 =	vadd.f32 v7, v3;
	v6 =	vmul.f32 v52, v49;
	v7 =	vmul.f32 v54, v49;
	v52 =	vld [tilespmem:$0xD980]  }
0x24c: {  	v54 =	vld [tilespmem:$0x1F700]  }
0x24d: {  	v0 =	vadd.f32 v7, v0;
	v7 =	vmul.f32 v53, v48;
	v53 =	vld [tilespmem:$0xC990]  }
0x24e: {  	v2 =	vadd.f32 v6, v2;
	v6 =	vmul.f32 v50, v49;
	v49 =	vld [tilespmem:$0x1F740]  }
0x24f: {  	v50 =	vld [tilespmem:$0xD190]  }
0x250: {  	[tilespmem:$0x1FBC0] =	vst v58;
	v58 =	vld [tilespmem:$0xDD80]  }
0x251: {  	v1 =	vadd.f32 v9, v1;
	[tilespmem:$0x1FBD0] =	vst v52;
	v9 =	vmul.f32 v54, v48;
	v52 =	vld [tilespmem:$0x1F710]  }
0x252: {  	v54 =	vld [tilespmem:$0x1F720]  }
0x253: {  	v1 =	vadd.f32 v9, v1;
	v9 =	vld [tilespmem:$0x1F730]  }
0x254: {  	[tilespmem:$0x1FC00] =	vst v53;
	v53 =	vld [tilespmem:$0xD590]  }
0x255: {  	v4 =	vadd.f32 v8, v4;
	v8 =	vmul.f32 v49, v48;
	v49 =	vld [tilespmem:$0x1F790]  }
0x256: {  	[tilespmem:$0x1FC20] =	vst v50;
	v50 =	vld [tilespmem:$0x1F7A0]  }
0x257: {  	[tilespmem:$0x1FBE0] =	vst v58;
	v58 =	vld [tilespmem:$0xCD90]  }
0x258: {  	v5 =	vadd.f32 v6, v5;
	v6 =	vmul.f32 v52, v48;
	v52 =	vld [tilespmem:$0x1F760]  }
0x259: {  	v3 =	vadd.f32 v7, v3;
	v7 =	vmul.f32 v54, v48;
	v54 =	vld [tilespmem:$0x1F770]  }
0x25a: {  	v2 =	vadd.f32 v6, v2;
	v6 =	vmul.f32 v9, v48;
	v48 =	vld [tilespmem:$0xDD90]  }
0x25b: {  	v0 =	vadd.f32 v7, v0;
	v7 =	vmul.f32 v51, v47;
	v51 =	vld [tilespmem:$0xC9A0]  }
0x25c: {  	[tilespmem:$0x1FC30] =	vst v53;
	v53 =	vld [tilespmem:$0x1F7C0]  }
0x25d: {  	v4 =	vadd.f32 v8, v4;
	v8 =	vmul.f32 v50, v47;
	v50 =	vld [tilespmem:$0x1F7F0]  }
0x25e: {  	[tilespmem:$0x1FC10] =	vst v58;
	v58 =	vld [tilespmem:$0xD990]  }
0x25f: {  	v9 =	vmul.f32 v52, v47;
	v52 =	vld [tilespmem:$0x1F7B0]  }
0x260: {  	v5 =	vadd.f32 v6, v5;
	v6 =	vmul.f32 v54, v47;
	v54 =	vld [tilespmem:$0xCDA0]  }
0x261: {  	v1 =	vadd.f32 v9, v1;
	v9 =	vld [tilespmem:$0x1F780]  }
0x262: {  	[tilespmem:$0x1FC50] =	vst v48;
	v48 =	vld [tilespmem:$0x1F7E0]  }
0x263: {  	v2 =	vadd.f32 v6, v2;
	v6 =	vmul.f32 v49, v47;
	v49 =	vld [tilespmem:$0xD5A0]  }
0x264: {  	[tilespmem:$0x1FC70] =	vst v51;
	v51 =	vld [tilespmem:$0x1F800]  }
0x265: {  	[tilespmem:$0x1FC40] =	vst v58;
	v58 =	vld [tilespmem:$0x1F7D0]  }
0x266: {  	[tilespmem:$0x1FC80] =	vst v54;
	v54 =	vld [tilespmem:$0x1F820]  }
0x267: {  	v3 =	vadd.f32 v7, v3;
	v7 =	vmul.f32 v9, v47;
	v47 =	vld [tilespmem:$0xD1A0]  }
0x268: {  	v9 =	vmul.f32 v53, v46;
	v53 =	vld [tilespmem:$0x1F810]  }
0x269: {  	[tilespmem:$0x1FCA0] =	vst v49;
	v49 =	vld [tilespmem:$0xCDB0]  }
0x26a: {  	v4 =	vadd.f32 v8, v4;
	v8 =	vmul.f32 v51, v46;
	v51 =	vld [tilespmem:$0x1F860]  }
0x26b: {  	v0 =	vadd.f32 v7, v0;
	v7 =	vmul.f32 v52, v46;
	v52 =	vld [tilespmem:$0xD9A0]  }
0x26c: {  	v5 =	vadd.f32 v6, v5;
	v6 =	vmul.f32 v58, v46;
	v58 =	vld [tilespmem:$0xDDA0]  }
0x26d: {  	v1 =	vadd.f32 v9, v1;
	v9 =	vmul.f32 v54, v45;
	v54 =	vld [tilespmem:$0x1F880]  }
0x26e: {  	v3 =	vadd.f32 v7, v3;
	v7 =	vmul.f32 v48, v46;
	v48 =	vld [tilespmem:$0x1F840]  }
0x26f: {  	v2 =	vadd.f32 v6, v2;
	v6 =	vmul.f32 v50, v46;
	v46 =	vld [tilespmem:$0x1F830]  }
0x270: {  	[tilespmem:$0x1FC90] =	vst v47;
	v47 =	vld [tilespmem:$0xC9B0]  }
0x271: {  	v50 =	vld [tilespmem:$0x1F850]  }
0x272: {  	[tilespmem:$0x1FCF0] =	vst v49;
	v49 =	vld [tilespmem:$0xDDB0]  }
0x273: {  	v4 =	vadd.f32 v8, v4;
	v8 =	vmul.f32 v51, v45;
	v51 =	vld [tilespmem:$0x1F8C0]  }
0x274: {  	v0 =	vadd.f32 v7, v0;
	v7 =	vmul.f32 v53, v45;
	v53 =	vld [tilespmem:$0x1F870]  }
0x275: {  	[tilespmem:$0x1FCB0] =	vst v52;
	v52 =	vld [tilespmem:$0xD1B0]  }
0x276: {  	[tilespmem:$0x1FCC0] =	vst v58;
	v58 =	vld [tilespmem:$0xD5B0]  }
0x277: {  	v1 =	vadd.f32 v9, v1;
	v9 =	vmul.f32 v54, v44;
	v54 =	vld [tilespmem:$0x1F8E0]  }
0x278: {  	v3 =	vadd.f32 v7, v3;
	v7 =	vmul.f32 v48, v45;
	v48 =	vld [tilespmem:$0x1F8A0]  }
0x279: {  	v5 =	vadd.f32 v6, v5;
	v6 =	vmul.f32 v46, v45;
	v46 =	vld [tilespmem:$0x1F890]  }
0x27a: {  	[tilespmem:$0x1FCE0] =	vst v47;
	v47 =	vld [tilespmem:$0xD9B0]  }
0x27b: {  	[tilespmem:$0x1FD30] =	vst v49;
	v49 =	vld [tilespmem:$0xD5C0]  }
0x27c: {  	v4 =	vadd.f32 v8, v4;
	v8 =	vmul.f32 v51, v44;
	v51 =	vld [tilespmem:$0x1F920]  }
0x27d: {  	v0 =	vadd.f32 v7, v0;
	v7 =	vmul.f32 v53, v44;
	v53 =	vld [tilespmem:$0x1F8D0]  }
0x27e: {  	v2 =	vadd.f32 v6, v2;
	v6 =	vmul.f32 v50, v45;
	v50 =	vld [tilespmem:$0x1F8B0]  }
0x27f: {  	[tilespmem:$0x1FD00] =	vst v52;
	v52 =	vld [tilespmem:$0xC9C0]  }
0x280: {  	v45 =	vld [tilespmem:$0xC9D0]  }
0x281: {  	[tilespmem:$0x1FD10] =	vst v58;
	v58 =	vld [tilespmem:$0xCDC0]  }
0x282: {  	v1 =	vadd.f32 v9, v1;
	v9 =	vmul.f32 v54, v43;
	v54 =	vld [tilespmem:$0x1F940]  }
0x283: {  	v3 =	vadd.f32 v7, v3;
	v7 =	vmul.f32 v48, v44;
	v48 =	vld [tilespmem:$0x1F900]  }
0x284: {  	v5 =	vadd.f32 v6, v5;
	v6 =	vmul.f32 v46, v44;
	v46 =	vld [tilespmem:$0x1F8F0]  }
0x285: {  	[tilespmem:$0x1FD20] =	vst v47;
	v47 =	vld [tilespmem:$0xD1C0]  }
0x286: {  	[tilespmem:$0x1FD80] =	vst v49;
	v49 =	vld [tilespmem:$0xD1D0]  }
0x287: {  	v4 =	vadd.f32 v8, v4;
	v8 =	vmul.f32 v51, v43;
	v51 =	vld [tilespmem:$0x1F9A0]  }
0x288: {  	v0 =	vadd.f32 v7, v0;
	v7 =	vmul.f32 v53, v43;
	v53 =	vld [tilespmem:$0x1F930]  }
0x289: {  	v2 =	vadd.f32 v6, v2;
	v6 =	vmul.f32 v50, v44;
	v50 =	vld [tilespmem:$0x1F910]  }
0x28a: {  	[tilespmem:$0x1FD50] =	vst v52;
	v52 =	vld [tilespmem:$0xD9C0]  }
0x28b: {  	v44 =	vld [tilespmem:$0x1F950]  }
0x28c: {  	[tilespmem:$0x1FDC0] =	vst v45;
	v45 =	vld [tilespmem:$0x1F9F0]  }
0x28d: {  	[tilespmem:$0x1FD60] =	vst v58;
	v58 =	vld [tilespmem:$0xDDC0]  }
0x28e: {  	v1 =	vadd.f32 v9, v1;
	v3 =	vadd.f32 v7, v3;
	v7 =	vmul.f32 v48, v43;
	v48 =	vld [tilespmem:$0x1F980]  }
0x28f: {  	v9 =	vmul.f32 v54, v42;
	v5 =	vadd.f32 v6, v5;
	v6 =	vmul.f32 v46, v43;
	v46 =	vld [tilespmem:$0x1F960]  }
0x290: {  	[tilespmem:$0x1FD70] =	vst v47;
	v47 =	vld [tilespmem:$0x1F970]  }
0x291: {  	v1 =	vadd.f32 v9, v1;
	v0 =	vadd.f32 v7, v0;
	v7 =	vmul.f32 v53, v42;
	v53 =	vld [tilespmem:$0x1F9B0]  }
0x292: {  	v9 =	vmul.f32 v51, v41;
	v2 =	vadd.f32 v6, v2;
	v6 =	vmul.f32 v50, v43;
	v50 =	vld [tilespmem:$0x1F990]  }
0x293: {  	v4 =	vadd.f32 v8, v4;
	v43 =	vld [tilespmem:$0x1F9E0]  }
0x294: {  	v1 =	vadd.f32 v9, v1;
	v9 =	vld [tilespmem:$0x1F9C0];
	v5 =	vadd.f32 v6, v5;
	v6 =	vmul.f32 v44, v42  }
0x295: {  	v3 =	vadd.f32 v7, v3;
	v8 =	vmul.f32 v48, v42;
	v7 =	vmul.f32 v46, v42;
	v46 =	vld [tilespmem:$0x1FA00]  }
0x296: {  	v2 =	vadd.f32 v6, v2;
	v6 =	vmul.f32 v47, v42;
	v42 =	vld [tilespmem:$0x1F9D0]  }
0x297: {  	v54 =	vld [tilespmem:$0xD9D0];
	v4 =	vadd.f32 v8, v4;
	v47 =	vmul.f32 v62, v40;
	v62 =	vmul.f32 v18, v40  }
0x298: {  	v44 =	vld [tilespmem:$0xC9E0];
	v0 =	vadd.f32 v7, v0;
	v7 =	vmul.f32 v50, v41;
	v8 =	vmul.f32 v43, v41  }
0x299: {  	[tilespmem:$0x1FDD0] =	vst v49;
	v49 =	vld [tilespmem:$0x1FA10];
	v43 =	vmul.f32 v20, v39;
	v5 =	vadd.f32 v6, v5;
	v6 =	vmul.f32 v53, v41  }
0x29a: {  	v50 =	vld [tilespmem:$0x1FA20];
	v3 =	vadd.f32 v7, v3;
	v7 =	vmul.f32 v9, v41;
	v4 =	vadd.f32 v8, v4  }
0x29b: {  	v51 =	vld [tilespmem:$0xD5E0];
	v2 =	vadd.f32 v6, v2;
	v9 =	vmul.f32 v46, v40;
	v6 =	vmul.f32 v42, v41  }
0x29c: {  	[tilespmem:$0x1FD90] =	vst v52;
	v52 =	vld [tilespmem:$0xD5D0];
	v0 =	vadd.f32 v7, v0;
	v7 =	vmul.f32 v45, v40;
	v41 =	vmul.f32 v14, v39  }
0x29d: {  	[tilespmem:$0x1FE10] =	vst v44;
	v44 =	vld [tilespmem:$0x1FA30];
	v42 =	vmul.f32 v19, v39;
	v4 =	vadd.f32 v62, v4;
	v62 =	vmul.f32 v15, v39  }
0x29e: {  	v46 =	vld [tilespmem:$0xD9F0];
	v15 =	vmul.f32 v28, v37;
	v28 =	vmul.f32 v11, v36  }
0x29f: {  	v14 =	vld [tilespmem:$0xCA00];
	v5 =	vadd.f32 v6, v5;
	v6 =	vmul.f32 v50, v40;
	v50 =	vmul.f32 v21, v39  }
0x2a0: {  	v11 =	vld [tilespmem:$0x1FAA0];
	v21 =	vmul.f32 v22, v39;
	v22 =	vmul.f32 v23, v38  }
0x2a1: {  	v1 =	vadd.f32 v9, v1;
	v23 =	vmul.f32 v24, v38;
	v24 =	vld [tilespmem:$0xD5F0];
	v39 =	vmul.f32 v25, v38  }
0x2a2: {  	v3 =	vadd.f32 v7, v3;
	v25 =	vmul.f32 v32, v37;
	v32 =	vmul.f32 v61, v36;
	v61 =	vld [tilespmem:$0x1FA70]  }
0x2a3: {  	v7 =	vmul.f32 v49, v40;
	v1 =	vadd.f32 v42, v1;
	v9 =	vmul.f32 v44, v35;
	v44 =	vld [tilespmem:$0x1FBA0]  }
0x2a4: {  	[tilespmem:$0x1FE50] =	vst v46;
	v46 =	vld [tilespmem:$0x1FA40]  }
0x2a5: {  	v0 =	vadd.f32 v7, v0;
	v1 =	vadd.f32 v23, v1;
	v23 =	vmul.f32 v12, v37;
	v12 =	vld [tilespmem:$0x1FAB0]  }
0x2a6: {  	v13 =	vmul.f32 v13, v38;
	v2 =	vadd.f32 v47, v2;
	v3 =	vadd.f32 v41, v3;
	[tilespmem:$0x1FE70] =	vst v14;
	v14 =	vld [tilespmem:$0x1FAD0]  }
0x2a7: {  	v5 =	vadd.f32 v6, v5;
	v0 =	vadd.f32 v50, v0;
	v50 =	vmul.f32 v26, v38;
	v26 =	vld [tilespmem:$0xDA00]  }
0x2a8: {  	v4 =	vadd.f32 v21, v4;
	v3 =	vadd.f32 v22, v3;
	v22 =	vmul.f32 v30, v37;
	v30 =	vld [tilespmem:$0xCA10]  }
0x2a9: {  	v5 =	vadd.f32 v62, v5;
	v62 =	vmul.f32 v27, v38;
	v27 =	vmul.f32 v55, v36;
	v55 =	vld [tilespmem:$0x1FA50]  }
0x2aa: {  	v38 =	vmul.f32 v63, v36;
	v63 =	vld [tilespmem:$0x1FA90]  }
0x2ab: {  	v2 =	vadd.f32 v43, v2;
	v21 =	vmul.f32 v29, v37;
	v4 =	vadd.f32 v13, v4;
	v13 =	vld [tilespmem:$0x1FAC0]  }
0x2ac: {  	[tilespmem:$0x1FE40] =	vst v24;
	v24 =	vmul.f32 v31, v37;
	v31 =	vmul.f32 v59, v36;
	v59 =	vld [tilespmem:$0x1FA60]  }
0x2ad: {  	v29 =	vmul.f32 v56, v36;
	v2 =	vadd.f32 v39, v2;
	v36 =	vld [tilespmem:$0x1FB70]  }
0x2ae: {  	v1 =	vadd.f32 v21, v1;
	v5 =	vadd.f32 v62, v5;
	v62 =	vld [tilespmem:$0x1FA80]  }
0x2af: {  	v3 =	vadd.f32 v15, v3;
	v15 =	vld [tilespmem:$0x1FAE0]  }
0x2b0: {  	v2 =	vadd.f32 v22, v2;
	v1 =	vadd.f32 v28, v1;
	v28 =	vld [tilespmem:$0x1FB00]  }
0x2b1: {  	v4 =	vadd.f32 v25, v4;
	v3 =	vadd.f32 v27, v3;
	v27 =	vld [tilespmem:$0xCA30]  }
0x2b2: {  	v0 =	vadd.f32 v50, v0;
	v2 =	vadd.f32 v29, v2;
	v29 =	vld [tilespmem:$0x1FB10]  }
0x2b3: {  	v4 =	vadd.f32 v38, v4;
	v38 =	vld [tilespmem:$0x1FB80]  }
0x2b4: {  	v42 =	vmul.f32 v16, v35;
	v0 =	vadd.f32 v23, v0;
	[tilespmem:$0x1FE80] =	vst v26;
	v26 =	vld [tilespmem:$0x1FAF0]  }
0x2b5: {  	v56 =	vmul.f32 v17, v35;
	v6 =	vmul.f32 v46, v35;
	v5 =	vadd.f32 v24, v5;
	[tilespmem:$0x1FEA0] =	vst v30;
	v30 =	vld [tilespmem:$0x1FB20]  }
0x2b6: {  	v1 =	vadd.f32 v9, v1;
	v7 =	vmul.f32 v55, v35;
	v55 =	vld [tilespmem:$0x1FBB0];
	v0 =	vadd.f32 v31, v0  }
0x2b7: {  	v5 =	vadd.f32 v32, v5;
	v3 =	vadd.f32 v42, v3;
	v8 =	vmul.f32 v59, v35;
	v31 =	vld [tilespmem:$0x1FB30]  }
0x2b8: {  	v2 =	vadd.f32 v6, v2;
	v6 =	vmul.f32 v63, v34;
	v32 =	vld [tilespmem:$0x1FB40];
	v9 =	vmul.f32 v62, v34  }
0x2b9: {  	v35 =	vld [tilespmem:$0x1FB60];
	v0 =	vadd.f32 v7, v0;
	v7 =	vmul.f32 v61, v34;
	v5 =	vadd.f32 v56, v5  }
0x2ba: {  	v42 =	vld [tilespmem:$0x1FB90];
	v4 =	vadd.f32 v8, v4;
	v2 =	vadd.f32 v6, v2;
	v6 =	vmul.f32 v12, v34  }
0x2bb: {  	v8 =	vmul.f32 v13, v34;
	v3 =	vadd.f32 v7, v3;
	v7 =	vmul.f32 v11, v34;
	v34 =	vld [tilespmem:$0x1FB50]  }
0x2bc: {  	v59 =	vld [tilespmem:$0x1FBE0];
	v1 =	vadd.f32 v9, v1;
	v5 =	vadd.f32 v6, v5;
	v6 =	vmul.f32 v26, v33  }
0x2bd: {  	v63 =	vld [tilespmem:$0x1FBF0];
	v9 =	vmul.f32 v15, v33;
	v0 =	vadd.f32 v7, v0;
	v7 =	vmul.f32 v14, v33  }
0x2be: {  	v56 =	vld [tilespmem:$0x1FBC0];
	v4 =	vadd.f32 v8, v4;
	v2 =	vadd.f32 v6, v2;
	v6 =	vmul.f32 v29, v33  }
0x2bf: {  	v8 =	vmul.f32 v30, v33;
	v26 =	vld [tilespmem:$0x1FC00];
	v3 =	vadd.f32 v7, v3;
	v7 =	vmul.f32 v28, v33  }
0x2c0: {  	v30 =	vld [tilespmem:$0x1FC20];
	v1 =	vadd.f32 v9, v1;
	v5 =	vadd.f32 v6, v5;
	v6 =	vmul.f32 v34, v57  }
0x2c1: {  	v9 =	vmul.f32 v32, v57;
	v32 =	vld [tilespmem:$0x1FC40];
	v0 =	vadd.f32 v7, v0;
	v7 =	vmul.f32 v31, v57  }
0x2c2: {  	v4 =	vadd.f32 v8, v4;
	v8 =	vmul.f32 v38, v57;
	v38 =	vld [tilespmem:$0x1FC90];
	v2 =	vadd.f32 v6, v2  }
0x2c3: {  	v6 =	vmul.f32 v36, v57;
	v3 =	vadd.f32 v7, v3;
	v7 =	vmul.f32 v35, v57;
	v57 =	vld [tilespmem:$0x1FBD0]  }
0x2c4: {  	v28 =	vld [tilespmem:$0x1FC10]  }
0x2c5: {  	v34 =	vld [tilespmem:$0x1FC50]  }
0x2c6: {  	v31 =	vld [tilespmem:$0x1FC30];
	v5 =	vadd.f32 v6, v5;
	v6 =	vmul.f32 v55, v60  }
0x2c7: {  	v1 =	vadd.f32 v9, v1;
	v36 =	vld [tilespmem:$0x1FC80];
	v0 =	vadd.f32 v7, v0;
	v7 =	vmul.f32 v42, v60  }
0x2c8: {  	v9 =	vmul.f32 v44, v60;
	v35 =	vld [tilespmem:$0x1FC70];
	v2 =	vadd.f32 v6, v2;
	v6 =	vmul.f32 v57, v60  }
0x2c9: {  	v29 =	vmul.f32 v28, v63;
	v28 =	vld [tilespmem:$0x1FC60];
	v3 =	vadd.f32 v7, v3;
	v7 =	vmul.f32 v56, v60  }
0x2ca: {  	v4 =	vadd.f32 v8, v4;
	v56 =	vld [tilespmem:$0x1FCA0];
	v5 =	vadd.f32 v6, v5;
	v6 =	vmul.f32 v30, v63  }
0x2cb: {  	v8 =	vmul.f32 v59, v60;
	v60 =	vld [tilespmem:$0x1FCB0];
	v0 =	vadd.f32 v7, v0;
	v7 =	vmul.f32 v26, v63  }
0x2cc: {  	v26 =	vmul.f32 v34, v63;
	v34 =	vld [tilespmem:$0x1FCF0];
	v2 =	vadd.f32 v6, v2;
	v6 =	vmul.f32 v32, v63  }
0x2cd: {  	v3 =	vadd.f32 v7, v3;
	v7 =	vmul.f32 v31, v63;
	v31 =	vld [tilespmem:$0x1FCC0]  }
0x2ce: {  	[tilespmem:$0x1FDA0] =	vst v58;
	v1 =	vadd.f32 v9, v1;
	v5 =	vadd.f32 v6, v5;
	v6 =	vld [tilespmem:$0x1FCD0]  }
0x2cf: {  	v58 =	vld [tilespmem:$0xCDD0];
	[tilespmem:$0x1FDF0] =	vst v54;
	v4 =	vadd.f32 v8, v4  }
0x2d0: {  	v54 =	vld [tilespmem:$0xDDD0];
	[tilespmem:$0x1FEE0] =	vst v27;
	v1 =	vadd.f32 v29, v1;
	v27 =	vmul.f32 v36, v28;
	v55 =	vmul.f32 v38, v28  }
0x2d1: {  	v48 =	vld [tilespmem:$0xC9F0];
	v4 =	vadd.f32 v26, v4;
	v59 =	vmul.f32 v56, v28;
	v0 =	vadd.f32 v7, v0  }
0x2d2: {  	v18 =	vld [tilespmem:$0xD620];
	v1 =	vadd.f32 v27, v1;
	v7 =	vmul.f32 v35, v28;
	v63 =	vmul.f32 v60, v28  }
0x2d3: {  	v32 =	vld [tilespmem:$0x1FCE0];
	v0 =	vadd.f32 v59, v0;
	v28 =	vmul.f32 v31, v28;
	v59 =	vmul.f32 v34, v6  }
0x2d4: {  	[tilespmem:$0x1FDE0] =	vst v52;
	v52 =	vld [tilespmem:$0xCDE0]  }
0x2d5: {  	v60 =	vadd.f32 v28, v4;
	v4 =	vadd.f32 v59, v1;
	v1 =	vld [tilespmem:$0x1FD10]  }
0x2d6: {  	v20 =	vld [tilespmem:$0xD220]  }
0x2d7: {  	v53 =	vld [tilespmem:$0xD1E0]  }
0x2d8: {  	v2 =	vadd.f32 v55, v2;
	v55 =	vld [tilespmem:$0x1FD00];
	v3 =	vadd.f32 v7, v3;
	v27 =	vmul.f32 v32, v6  }
0x2d9: {  	v45 =	vld [tilespmem:$0xD1F0]  }
0x2da: {  	v27 =	vadd.f32 v27, v3;
	v3 =	vmul.f32 v1, v6;
	v1 =	vld [tilespmem:$0x1FD20]  }
0x2db: {  	v19 =	vld [tilespmem:$0xCE20]  }
0x2dc: {  	v47 =	vld [tilespmem:$0xCDF0]  }
0x2dd: {  	v7 =	vld [tilespmem:$0x1FD40];
	v26 =	vadd.f32 v63, v5;
	v63 =	vmul.f32 v55, v6  }
0x2de: {  	v3 =	vadd.f32 v3, v0;
	v0 =	vld [tilespmem:$0x1FD50]  }
0x2df: {  	v59 =	vadd.f32 v63, v2;
	v2 =	vmul.f32 v1, v6;
	v1 =	vld [tilespmem:$0x1FD30]  }
0x2e0: {  	v40 =	vld [tilespmem:$0xD9E0]  }
0x2e1: {  	v49 =	vld [tilespmem:$0xDDE0]  }
0x2e2: {  	v43 =	vld [tilespmem:$0xDDF0]  }
0x2e3: {  	v16 =	vld [tilespmem:$0xD630]  }
0x2e4: {  	v0 =	vmul.f32 v0, v7;
	v55 =	vmul.f32 v1, v6;
	v1 =	vld [tilespmem:$0x1FD60]  }
0x2e5: {  	v41 =	vld [tilespmem:$0xD600]  }
0x2e6: {  	v5 =	vadd.f32 v0, v27;
	v0 =	vld [tilespmem:$0x1FD80]  }
0x2e7: {  	v17 =	vld [tilespmem:$0xCE30]  }
0x2e8: {  	v39 =	vld [tilespmem:$0xD200]  }
0x2e9: {  	[tilespmem:$0x1FE20] =	vst v40;
	v40 =	vld [tilespmem:$0xCE00];
	v1 =	vmul.f32 v1, v7  }
0x2ea: {  	v29 =	vld [tilespmem:$0x1FD70]  }
0x2eb: {  	v27 =	vadd.f32 v1, v4;
	v1 =	vmul.f32 v0, v7;
	v0 =	vld [tilespmem:$0x1FD90]  }
0x2ec: {  	v37 =	vld [tilespmem:$0xDE00]  }
0x2ed: {  	v21 =	vld [tilespmem:$0xDE10]  }
0x2ee: {  	v22 =	vld [tilespmem:$0xD610]  }
0x2ef: {  	v50 =	vld [tilespmem:$0xDA10]  }
0x2f0: {  	v6 =	vadd.f32 v55, v60;
	v55 =	vmul.f32 v29, v7;
	v29 =	vmul.f32 v0, v7;
	v0 =	vld [tilespmem:$0x1FDA0]  }
0x2f1: {  	v25 =	vld [tilespmem:$0xDA20]  }
0x2f2: {  	v46 =	vld [tilespmem:$0xDA30]  }
0x2f3: {  	v23 =	vld [tilespmem:$0xCE10]  }
0x2f4: {  	v24 =	vld [tilespmem:$0xD210]  }
0x2f5: {  	v63 =	vld [tilespmem:$0x1FDB0];
	v0 =	vmul.f32 v0, v7  }
0x2f6: {  	v3 =	vadd.f32 v1, v3;
	v1 =	vld [tilespmem:$0x1FDC0]  }
0x2f7: {  	v6 =	vadd.f32 v0, v6;
	v0 =	vld [tilespmem:$0x1FDD0]  }
0x2f8: {  	[tilespmem:$0x1FEB0] =	vst v50;
	v50 =	vld [tilespmem:$0xCA20]  }
0x2f9: {  	v62 =	vld [tilespmem:$0xDE20]  }
0x2fa: {  	v13 =	vld [tilespmem:$0xCA40]  }
0x2fb: {  	v61 =	vld [tilespmem:$0xD240];
	v1 =	vmul.f32 v1, v63  }
0x2fc: {  	v12 =	vld [tilespmem:$0xD640];
	v2 =	vadd.f32 v2, v26;
	v4 =	vadd.f32 v55, v59;
	v0 =	vmul.f32 v0, v63  }
0x2fd: {  	v5 =	vadd.f32 v1, v5;
	v1 =	vld [tilespmem:$0x1FDE0]  }
0x2fe: {  	v26 =	vadd.f32 v29, v2;
	v2 =	vadd.f32 v0, v4;
	v0 =	vld [tilespmem:$0x1FDF0]  }
0x2ff: {  	v15 =	vld [tilespmem:$0xCE40]  }
0x300: {  	v11 =	vld [tilespmem:$0xCA50];
	v58 =	vmul.f32 v58, v63  }
0x301: {  	v14 =	vld [tilespmem:$0xDE30]  }
0x302: {  	v44 =	vld [tilespmem:$0xDA40];
	v27 =	vadd.f32 v58, v27;
	v58 =	vmul.f32 v1, v63  }
0x303: {  	v4 =	vmul.f32 v0, v63;
	v0 =	vmul.f32 v54, v63;
	v63 =	vld [tilespmem:$0x1FE00]  }
0x304: {  	v33 =	vld [tilespmem:$0xD230]  }
0x305: {  	v6 =	vadd.f32 v0, v6;
	v0 =	vld [tilespmem:$0x1FE20]  }
0x306: {  	v1 =	vld [tilespmem:$0x1FE10]  }
0x307: {  	v9 =	vld [tilespmem:$0xDE40]  }
0x308: {  	v8 =	vld [tilespmem:$0xCE50];
	v4 =	vadd.f32 v4, v26;
	v26 =	vmul.f32 v53, v63  }
0x309: {  	v42 =	vld [tilespmem:$0xD650]  }
0x30a: {  	v2 =	vadd.f32 v26, v2;
	v26 =	vmul.f32 v0, v63;
	v0 =	vld [tilespmem:$0x1FE30]  }
0x30b: {  	v57 =	vld [tilespmem:$0xD250];
	v3 =	vadd.f32 v58, v3;
	v58 =	vmul.f32 v1, v63  }
0x30c: {  	v38 =	vld [tilespmem:$0xDE50]  }
0x30d: {  	v36 =	vld [tilespmem:$0xCA60];
	v5 =	vadd.f32 v58, v5;
	v58 =	vmul.f32 v49, v63  }
0x30e: {  	v30 =	vld [tilespmem:$0xDE60]  }
0x30f: {  	v56 =	vld [tilespmem:$0xCE60];
	v1 =	vmul.f32 v52, v63;
	v6 =	vadd.f32 v58, v6;
	v58 =	vmul.f32 v45, v0  }
0x310: {  	v45 =	vld [tilespmem:$0x1FE40]  }
0x311: {  	v1 =	vadd.f32 v1, v27;
	v27 =	vmul.f32 v51, v63;
	v2 =	vadd.f32 v58, v2;
	v58 =	vld [tilespmem:$0x1FE50]  }
0x312: {  	v35 =	vld [tilespmem:$0xDA50]  }
0x313: {  	v31 =	vld [tilespmem:$0xDA60];
	v3 =	vadd.f32 v27, v3;
	v27 =	vmul.f32 v48, v0  }
0x314: {  	v28 =	vld [tilespmem:$0xCE70]  }
0x315: {  	v34 =	vld [tilespmem:$0xD260];
	v63 =	vmul.f32 v47, v0;
	v5 =	vadd.f32 v27, v5;
	v27 =	vmul.f32 v45, v0  }
0x316: {  	v4 =	vadd.f32 v26, v4;
	v26 =	vmul.f32 v58, v0;
	v58 =	vmul.f32 v43, v0;
	v0 =	vld [tilespmem:$0x1FE60]  }
0x317: {  	v32 =	vld [tilespmem:$0xD660]  }
0x318: {  	v1 =	vadd.f32 v63, v1;
	v63 =	vld [tilespmem:$0x1FE70]  }
0x319: {  	v60 =	vld [tilespmem:$0xCA70]  }
0x31a: {  	v59 =	vld [tilespmem:$0xD270]  }
0x31b: {  	v55 =	vld [tilespmem:$0xD670];
	v6 =	vadd.f32 v58, v6;
	v58 =	vmul.f32 v39, v0  }
0x31c: {  	v29 =	vld [tilespmem:$0xDE70];
	v3 =	vadd.f32 v27, v3  }
0x31d: {  	v27 =	vmul.f32 v63, v0;
	v63 =	vmul.f32 v40, v0;
	v2 =	vadd.f32 v58, v2;
	v58 =	vld [tilespmem:$0x1FE80]  }
0x31e: {  	v7 =	vld [tilespmem:$0xDA70]  }
0x31f: {  	v54 =	vld [tilespmem:$0xCA80];
	v1 =	vadd.f32 v63, v1;
	v63 =	vmul.f32 v41, v0  }
0x320: {  	v52 =	vld [tilespmem:$0xCE80]  }
0x321: {  	v3 =	vadd.f32 v63, v3;
	v63 =	vld [tilespmem:$0x1FEA0]  }
0x322: {  	v4 =	vadd.f32 v26, v4;
	v26 =	vmul.f32 v58, v0;
	v58 =	vmul.f32 v37, v0;
	v0 =	vld [tilespmem:$0x1FE90]  }
0x323: {  	v53 =	vld [tilespmem:$0xD280]  }
0x324: {  	v51 =	vld [tilespmem:$0xD680]  }
0x325: {  	v49 =	vld [tilespmem:$0xDA80]  }
0x326: {  	v47 =	vld [tilespmem:$0xDE80]  }
0x327: {  	v48 =	vld [tilespmem:$0xCA90];
	v5 =	vadd.f32 v27, v5;
	v27 =	vmul.f32 v63, v0;
	v63 =	vmul.f32 v23, v0  }
0x328: {  	v45 =	vld [tilespmem:$0xCE90]  }
0x329: {  	v1 =	vadd.f32 v63, v1;
	v63 =	vld [tilespmem:$0x1FEB0]  }
0x32a: {  	v43 =	vld [tilespmem:$0xD290]  }
0x32b: {  	v40 =	vld [tilespmem:$0xD690]  }
0x32c: {  	v39 =	vld [tilespmem:$0xDA90]  }
0x32d: {  	v41 =	vld [tilespmem:$0xDE90]  }
0x32e: {  	v4 =	vadd.f32 v26, v4;
	v26 =	vmul.f32 v63, v0;
	v63 =	vld [tilespmem:$0x1FEC0]  }
0x32f: {  	v37 =	vld [tilespmem:$0xCAA0]  }
0x330: {  	v6 =	vadd.f32 v58, v6;
	v23 =	vld [tilespmem:$0xCEA0];
	v58 =	vmul.f32 v24, v0  }
0x331: {  	v24 =	vld [tilespmem:$0xD2A0];
	v5 =	vadd.f32 v27, v5;
	v27 =	vmul.f32 v22, v0  }
0x332: {  	v22 =	vld [tilespmem:$0xD6A0];
	v2 =	vadd.f32 v58, v2;
	v58 =	vmul.f32 v21, v0  }
0x333: {  	v21 =	vld [tilespmem:$0xDAA0];
	v3 =	vadd.f32 v27, v3;
	v27 =	vmul.f32 v50, v63;
	v50 =	vmul.f32 v19, v63  }
0x334: {  	v0 =	vadd.f32 v58, v6;
	v19 =	vld [tilespmem:$0xDEA0]  }
0x335: {  	v58 =	vmul.f32 v20, v63;
	v1 =	vadd.f32 v50, v1;
	v50 =	vmul.f32 v62, v63;
	v62 =	vld [tilespmem:$0x1FED0]  }
0x336: {  	v20 =	vld [tilespmem:$0xCAB0]  }
0x337: {  	v2 =	vadd.f32 v58, v2;
	v58 =	vld [tilespmem:$0x1FEE0]  }
0x338: {  	v6 =	vmul.f32 v18, v63;
	v18 =	vld [tilespmem:$0xCEB0]  }
0x339: {  	v4 =	vadd.f32 v26, v4;
	v26 =	vmul.f32 v25, v63;
	v25 =	vld [tilespmem:$0xD2B0]  }
0x33a: {  	v63 =	vmul.f32 v17, v62;
	v17 =	vld [tilespmem:$0xD6B0]  }
0x33b: {  	v0 =	vadd.f32 v50, v0;
	v50 =	vmul.f32 v33, v62;
	v33 =	vld [tilespmem:$0xDAB0]  }
0x33c: {  	v5 =	vadd.f32 v27, v5;
	v27 =	vmul.f32 v58, v62;
	v58 =	vld [tilespmem:$0x1FEF0]  }
0x33d: {  	v3 =	vadd.f32 v6, v3;
	v6 =	vmul.f32 v46, v62;
	v46 =	vld [tilespmem:$0x1FF00]  }
0x33e: {  	v1 =	vadd.f32 v63, v1;
	v63 =	vmul.f32 v16, v62;
	v16 =	vld [tilespmem:$0xDEB0]  }
0x33f: {  	v4 =	vadd.f32 v26, v4;
	v62 =	vmul.f32 v14, v62;
	v14 =	vld [tilespmem:$0xCAC0]  }
0x340: {  	v5 =	vadd.f32 v27, v5;
	v2 =	vadd.f32 v50, v2;
	v27 =	vld [tilespmem:$0xCB00]  }
0x341: {  	v50 =	vor.u32 $0x35, v10;
	v3 =	vadd.f32 v63, v3;
	v63 =	vmul.f32 v13, v58;
	v13 =	vld [tilespmem:$0xCEC0]  }
0x342: {  	v4 =	vadd.f32 v6, v4;
	v26 =	vmul.f32 v15, v58;
	v15 =	vld [tilespmem:$0xD2C0]  }
0x343: {  	v0 =	vadd.f32 v62, v0;
	v62 =	vmul.f32 v61, v58;
	v61 =	vmul.f32 v9, v58;
	v9 =	vld [tilespmem:$0xDAC0]  }
0x344: {  	v6 =	vmul.f32 v44, v58;
	v44 =	vld [tilespmem:$0xCAD0];
	v5 =	vadd.f32 v63, v5;
	v63 =	vmul.f32 v12, v58  }
0x345: {  	v12 =	vld [tilespmem:$0xD6C0];
	v2 =	vadd.f32 v62, v2  }
0x346: {  	v62 =	vmul.f32 v11, v46;
	v3 =	vadd.f32 v63, v3;
	v63 =	vmul.f32 v8, v46;
	v8 =	vld.idx.msk [tilespmem:v50+s13+$0x0], $0xffff  }
0x347: {  	v50 =	vld [tilespmem:$0x1FF10]  }
0x348: {  	v42 =	vmul.f32 v42, v46;
	v1 =	vadd.f32 v26, v1;
	v11 =	vld [tilespmem:$0xDEC0]  }
0x349: {  	v4 =	vadd.f32 v6, v4;
	v0 =	vadd.f32 v61, v0;
	v61 =	vmul.f32 v35, v46;
	v35 =	vld [tilespmem:$0xCED0]  }
0x34a: {  	v5 =	vadd.f32 v62, v5;
	v62 =	vmov v46;
	v3 =	vadd.f32 v42, v3;
	v42 =	vld [tilespmem:$0xD6D0]  }
0x34b: {  	v58 =	vmul.f32 v57, v46;
	v1 =	vadd.f32 v63, v1;
	v63 =	vmul.f32 v38, v62;
	v38 =	vld [tilespmem:$0xD2D0]  }
0x34c: {  	v4 =	vadd.f32 v61, v4;
	v61 =	vmul.f32 v34, v50;
	v34 =	vld [tilespmem:$0xDAD0]  }
0x34d: {  	v2 =	vadd.f32 v58, v2;
	v46 =	vor.u32 $0x36, v10;
	v58 =	vmul.f32 v56, v50;
	v56 =	vld [tilespmem:$0x1FF20]  }
0x34e: {  	v57 =	vmul.f32 v36, v50;
	v62 =	vmul.f32 v31, v50;
	v31 =	vld [tilespmem:$0xDED0]  }
0x34f: {  	v0 =	vadd.f32 v63, v0;
	v36 =	vld [tilespmem:$0xCEE0]  }
0x350: {  	v32 =	vmul.f32 v32, v50;
	v30 =	vmul.f32 v30, v50;
	v50 =	vld [tilespmem:$0xDAE0];
	v5 =	vadd.f32 v57, v5  }
0x351: {  	v1 =	vadd.f32 v58, v1;
	v4 =	vadd.f32 v62, v4;
	v62 =	vld [tilespmem:$0x1FF30]  }
0x352: {  	v63 =	vadd.f32 v32, v3;
	v3 =	vld.idx.msk [tilespmem:v46+s13+$0x0], $0xffff;
	v57 =	vmul.f32 v60, v56;
	v28 =	vmul.f32 v28, v56  }
0x353: {  	v2 =	vadd.f32 v61, v2;
	v32 =	vld [tilespmem:$0xCAE0];
	v58 =	vmul.f32 v59, v56;
	v60 =	vmul.f32 v55, v56  }
0x354: {  	v0 =	vadd.f32 v30, v0;
	v7 =	vmul.f32 v7, v56;
	v61 =	vmul.f32 v29, v56;
	v29 =	vld [tilespmem:$0xD6E0]  }
0x355: {  	v59 =	vor.u32 $0x37, v10;
	v1 =	vadd.f32 v28, v1;
	v28 =	vld [tilespmem:$0xD2E0];
	v2 =	vadd.f32 v58, v2  }
0x356: {  	v26 =	vadd.f32 v60, v63;
	v63 =	vmul.f32 v54, v62;
	v4 =	vadd.f32 v7, v4;
	v7 =	vld [tilespmem:$0xDEE0]  }
0x357: {  	v0 =	vadd.f32 v61, v0;
	v54 =	vmul.f32 v53, v62;
	v58 =	vmul.f32 v47, v62;
	v53 =	vld [tilespmem:$0x1FF50]  }
0x358: {  	v47 =	vld [tilespmem:$0xCAF0];
	v61 =	vor.u32 $0x38, v10  }
0x359: {  	v0 =	vadd.f32 v58, v0;
	v58 =	vld [tilespmem:$0x1FF60]  }
0x35a: {  	v30 =	vld.idx.msk [tilespmem:v59+s13+$0x0], $0xffff  }
0x35b: {  	v59 =	vld [tilespmem:$0x1FF40]  }
0x35c: {  	v56 =	vmul.f32 v51, v62;
	v2 =	vadd.f32 v54, v2;
	v54 =	vmul.f32 v37, v53;
	v37 =	vld [tilespmem:$0xDEF0]  }
0x35d: {  	v55 =	vmul.f32 v23, v53;
	v23 =	vld.idx.msk [tilespmem:v61+s13+$0x0], $0xffff  }
0x35e: {  	v26 =	vadd.f32 v56, v26;
	v56 =	vmul.f32 v21, v53;
	v21 =	vld [tilespmem:$0xCF00]  }
0x35f: {  	v52 =	vmul.f32 v52, v62;
	v61 =	vld [tilespmem:$0x1FF70]  }
0x360: {  	v5 =	vadd.f32 v57, v5;
	v57 =	vmul.f32 v49, v62;
	v60 =	vmul.f32 v48, v59;
	v48 =	vld [tilespmem:$0xCEF0]  }
0x361: {  	v51 =	vmul.f32 v36, v3;
	v62 =	vmul.f32 v45, v59;
	v45 =	vld [tilespmem:$0xD2F0]  }
0x362: {  	v5 =	vadd.f32 v63, v5;
	v63 =	vmul.f32 v43, v59;
	v40 =	vmul.f32 v40, v59;
	v43 =	vld [tilespmem:$0xD6F0]  }
0x363: {  	v1 =	vadd.f32 v52, v1;
	v46 =	vmul.f32 v39, v59;
	v52 =	vmul.f32 v41, v59;
	v41 =	vld [tilespmem:$0xDAF0]  }
0x364: {  	v59 =	vmul.f32 v20, v58;
	v20 =	vld [tilespmem:$0xD700];
	v5 =	vadd.f32 v60, v5;
	v60 =	vmul.f32 v33, v58  }
0x365: {  	v1 =	vadd.f32 v62, v1;
	v62 =	vmul.f32 v14, v61;
	v13 =	vmul.f32 v13, v61;
	v14 =	vld [tilespmem:$0xCB10]  }
0x366: {  	v15 =	vmul.f32 v15, v61;
	v33 =	vmul.f32 v12, v61;
	v12 =	vld [tilespmem:$0xD310]  }
0x367: {  	v9 =	vmul.f32 v9, v61;
	v11 =	vmul.f32 v11, v61;
	v61 =	vld [tilespmem:$0xCB30]  }
0x368: {  	v4 =	vadd.f32 v57, v4;
	v24 =	vmul.f32 v24, v53;
	v36 =	vmul.f32 v37, v30;
	v37 =	vld [tilespmem:$0xD330]  }
0x369: {  	v2 =	vadd.f32 v63, v2;
	v0 =	vadd.f32 v52, v0;
	v52 =	vmul.f32 v28, v3;
	v28 =	vld [tilespmem:$0xD750]  }
0x36a: {  	v19 =	vmul.f32 v19, v53;
	v4 =	vadd.f32 v46, v4;
	v46 =	vmul.f32 v32, v3;
	v32 =	vld [tilespmem:$0xDF50]  }
0x36b: {  	v22 =	vmul.f32 v22, v53;
	v26 =	vadd.f32 v40, v26;
	v2 =	vadd.f32 v24, v2;
	v24 =	vld [tilespmem:$0xD300]  }
0x36c: {  	v42 =	vmul.f32 v42, v8;
	v0 =	vadd.f32 v19, v0;
	v19 =	vmul.f32 v25, v58;
	v25 =	vld [tilespmem:$0xDB00]  }
0x36d: {  	v49 =	vor.u32 $0x3B, v10;
	v57 =	vor.u32 $0x39, v10;
	v22 =	vadd.f32 v22, v26;
	v26 =	vld [tilespmem:$0xDB10]  }
0x36e: {  	v53 =	vmul.f32 v29, v3;
	v18 =	vmul.f32 v18, v58;
	v5 =	vadd.f32 v54, v5;
	v54 =	vld [tilespmem:$0xD720]  }
0x36f: {  	v17 =	vmul.f32 v17, v58;
	v16 =	vmul.f32 v16, v58;
	v4 =	vadd.f32 v56, v4;
	v56 =	vld [tilespmem:$0xDB20]  }
0x370: {  	v39 =	vmul.f32 v44, v8;
	v44 =	vmul.f32 v34, v8;
	v1 =	vadd.f32 v55, v1;
	v58 =	vld [tilespmem:$0xDF20]  }
0x371: {  	v63 =	vor.u32 $0x3A, v10;
	v40 =	vmul.f32 v38, v8;
	v55 =	vmul.f32 v50, v3;
	v50 =	vld [tilespmem:$0xD740]  }
0x372: {  	v38 =	vmul.f32 v27, v23;
	v21 =	vmul.f32 v21, v23;
	v1 =	vadd.f32 v18, v1;
	v18 =	vld [tilespmem:$0xDF00]  }
0x373: {  	v3 =	vmul.f32 v7, v3;
	v5 =	vadd.f32 v59, v5;
	v2 =	vadd.f32 v19, v2;
	v19 =	vld.idx.msk [tilespmem:v57+s13+$0x0], $0xffff  }
0x374: {  	v20 =	vmul.f32 v20, v23;
	v17 =	vadd.f32 v17, v22;
	v0 =	vadd.f32 v16, v0;
	v16 =	vld [tilespmem:$0xCF10]  }
0x375: {  	v4 =	vadd.f32 v60, v4;
	v22 =	vld [tilespmem:$0xCB20];
	v57 =	vmul.f32 v47, v30;
	v5 =	vadd.f32 v62, v5  }
0x376: {  	v60 =	vmul.f32 v43, v30;
	v43 =	vld [tilespmem:$0xDF30];
	v1 =	vadd.f32 v13, v1;
	v2 =	vadd.f32 v15, v2  }
0x377: {  	v13 =	vld [tilespmem:$0xD710];
	v6 =	vadd.f32 v33, v17;
	v17 =	vmul.f32 v35, v8;
	v4 =	vadd.f32 v9, v4  }
0x378: {  	v59 =	vmul.f32 v45, v30;
	v0 =	vadd.f32 v11, v0;
	v11 =	vld [tilespmem:$0xDF10];
	v5 =	vadd.f32 v39, v5  }
0x379: {  	v8 =	vmul.f32 v31, v8;
	v31 =	vld [tilespmem:$0xCF20];
	v1 =	vadd.f32 v17, v1;
	v2 =	vadd.f32 v40, v2  }
0x37a: {  	v9 =	vld [tilespmem:$0xD320];
	v6 =	vadd.f32 v42, v6;
	v4 =	vadd.f32 v44, v4;
	v40 =	vmul.f32 v24, v23  }
0x37b: {  	v62 =	vld [tilespmem:$0xCF30];
	v0 =	vadd.f32 v8, v0;
	v42 =	vmul.f32 v25, v23;
	v45 =	vmul.f32 v18, v23  }
0x37c: {  	v17 =	vld.idx.msk [tilespmem:v63+s13+$0x0], $0xffff;
	v63 =	vor.u32 $0x3C, v10;
	v14 =	vmul.f32 v14, v19;
	v16 =	vmul.f32 v16, v19  }
0x37d: {  	v35 =	vld [tilespmem:$0xCB60];
	v12 =	vmul.f32 v12, v19;
	v5 =	vadd.f32 v46, v5;
	v1 =	vadd.f32 v51, v1  }
0x37e: {  	v8 =	vld.idx.msk [tilespmem:v49+s13+$0x0], $0xffff;
	v49 =	vmul.f32 v26, v19;
	v2 =	vadd.f32 v52, v2;
	v6 =	vadd.f32 v53, v6  }
0x37f: {  	v39 =	vld [tilespmem:$0xD730];
	v4 =	vadd.f32 v55, v4;
	v0 =	vadd.f32 v3, v0;
	v3 =	vmul.f32 v48, v30  }
0x380: {  	v18 =	vld [tilespmem:$0xCB40];
	v46 =	vor.u32 $0x3D, v10;
	v47 =	vmul.f32 v13, v19;
	v51 =	vmul.f32 v11, v19  }
0x381: {  	v48 =	vld [tilespmem:$0xD340];
	v5 =	vadd.f32 v57, v5;
	v1 =	vadd.f32 v3, v1;
	v3 =	vmul.f32 v41, v30  }
0x382: {  	v19 =	vld [tilespmem:$0xDF40];
	v2 =	vadd.f32 v59, v2;
	v52 =	vmul.f32 v22, v17;
	v53 =	vmul.f32 v31, v17  }
0x383: {  	v6 =	vadd.f32 v60, v6;
	v41 =	vld [tilespmem:$0xDB30];
	v9 =	vmul.f32 v9, v17;
	v54 =	vmul.f32 v54, v17  }
0x384: {  	v0 =	vadd.f32 v36, v0;
	v30 =	vld [tilespmem:$0xDB50];
	v7 =	vmul.f32 v56, v17;
	v57 =	vmul.f32 v58, v17  }
0x385: {  	v44 =	vld.idx.msk [tilespmem:v63+s13+$0x0], $0xffff;
	v17 =	vor.u32 $0x3E, v10;
	v3 =	vadd.f32 v3, v4;
	v4 =	vadd.f32 v38, v5  }
0x386: {  	v56 =	vld [tilespmem:$0xCB50];
	v59 =	vmul.f32 v61, v8;
	v1 =	vadd.f32 v21, v1;
	v2 =	vadd.f32 v40, v2  }
0x387: {  	v58 =	vld [tilespmem:$0xCF50];
	v60 =	vmul.f32 v62, v8;
	v6 =	vadd.f32 v20, v6;
	v0 =	vadd.f32 v45, v0  }
0x388: {  	v61 =	vld [tilespmem:$0xD350];
	v62 =	vmul.f32 v37, v8;
	v3 =	vadd.f32 v42, v3;
	v4 =	vadd.f32 v14, v4  }
0x389: {  	v63 =	vmul.f32 v39, v8;
	v37 =	vld [tilespmem:$0xCF60];
	v1 =	vadd.f32 v16, v1;
	v2 =	vadd.f32 v12, v2  }
0x38a: {  	v31 =	vmul.f32 v43, v8;
	v43 =	vld [tilespmem:$0xDB60];
	v5 =	vadd.f32 v47, v6;
	v0 =	vadd.f32 v51, v0  }
0x38b: {  	v10 =	vor.u32 $0x3F, v10;
	v20 =	vld [tilespmem:$0xCF40];
	v3 =	vadd.f32 v49, v3;
	v4 =	vadd.f32 v52, v4  }
0x38c: {  	v55 =	vld.idx.msk [tilespmem:v46+s13+$0x0], $0xffff;
	v29 =	vmul.f32 v41, v8;
	v1 =	vadd.f32 v53, v1;
	v2 =	vadd.f32 v9, v2  }
0x38d: {  	v16 =	vld [tilespmem:$0xDB40];
	v5 =	vadd.f32 v54, v5;
	v33 =	vmul.f32 v18, v44;
	v34 =	vmul.f32 v48, v44  }
0x38e: {  	s11 =	sadd.s32 $0xFFFFFFF1, s25;
	v47 =	vld [tilespmem:$0xCB70];
	v0 =	vadd.f32 v57, v0;
	v36 =	vmul.f32 v50, v44;
	v15 =	vmul.f32 v19, v44  }
0x38f: {  	v41 =	vld [tilespmem:$0xD760];
	v52 =	vmov s11;
	v3 =	vadd.f32 v7, v3;
	v4 =	vadd.f32 v59, v4  }
0x390: {  	v17 =	vld.idx.msk [tilespmem:v17+s13+$0x0], $0xffff;
	v18 =	vmul.f32 v20, v44;
	v1 =	vadd.f32 v60, v1;
	v2 =	vadd.f32 v62, v2  }
0x391: {  	v45 =	vld.idx.msk [tilespmem:v10+s13+$0x0], $0xffff;
	v5 =	vadd.f32 v63, v5;
	v39 =	vmul.f32 v56, v55;
	v40 =	vmul.f32 v58, v55  }
0x392: {  	v50 =	vld [tilespmem:$0xCF70];
	v0 =	vadd.f32 v31, v0;
	v42 =	vmul.f32 v61, v55;
	v46 =	vmul.f32 v30, v55  }
0x393: {  	v53 =	vld [tilespmem:$0xD370];
	v8 =	vmul.f32 v32, v55;
	v38 =	vmul.f32 v16, v44;
	v3 =	vadd.f32 v29, v3  }
0x394: {  	v44 =	vmul.f32 v28, v55;
	v4 =	vadd.f32 v33, v4;
	v1 =	vadd.f32 v18, v1  }
0x395: {  	v19 =	vld [tilespmem:$0x1FF80];
	v2 =	vadd.f32 v34, v2;
	v48 =	vmul.f32 v35, v17;
	v49 =	vmul.f32 v37, v17  }
0x396: {  	v16 =	vld [tilespmem:$0xD360];
	v0 =	vadd.f32 v15, v0;
	v12 =	vmul.f32 v41, v17;
	v15 =	vmul.f32 v43, v17  }
0x397: {  	v51 =	vld [tilespmem:$0xDF60];
	v5 =	vadd.f32 v36, v5;
	v10 =	vmul.f32 v47, v45;
	v56 =	vmul.f32 v50, v45  }
0x398: {  	v7 =	vmul.f32 v53, v45;
	v3 =	vadd.f32 v38, v3;
	v4 =	vadd.f32 v39, v4  }
0x399: {  	v1 =	vadd.f32 v40, v1;
	v0 =	vadd.f32 v8, v0;
	v8 =	vshll.u32 v52, $0x7  }
0x39a: {  	v55 =	vld [tilespmem:$0xD770];
	v2 =	vadd.f32 v42, v2;
	v5 =	vadd.f32 v44, v5;
	v8 =	vor.u32 v19, v8  }
0x39b: {  	v4 =	vadd.f32 v48, v4;
	v54 =	vmul.f32 v16, v17;
	v16 =	vld [tilespmem:$0xDB70];
	v18 =	vor.u32 $0x1, v8  }
0x39c: {  	v57 =	vld [tilespmem:$0xDF70];
	v6 =	vmul.f32 v51, v17;
	v3 =	vadd.f32 v46, v3;
	v1 =	vadd.f32 v49, v1  }
0x39d: {  	v5 =	vadd.f32 v12, v5;
	v58 =	vor.u32 $0x2, v8;
	v4 =	vadd.f32 v10, v4  }
0x39e: {  	v59 =	vor.u32 $0x3, v8;
	v2 =	vadd.f32 v54, v2;
	v1 =	vadd.f32 v56, v1  }
0x39f: {  	v60 =	vmul.f32 v55, v45;
	v61 =	vor.u32 $0x4, v8;
	v3 =	vadd.f32 v15, v3;
	[tilespmem:v8+s14+$0x0] =	vst.idx.msk $0xffff, v4  }
0x3a0: {  	v62 =	vor.u32 $0x5, v8;
	[tilespmem:v18+s14+$0x0] =	vst.idx.msk $0xffff, v1;
	v1 =	vadd.f32 v7, v2;
	v2 =	vmul.f32 v16, v45  }
0x3a1: {  	v63 =	vmul.f32 v57, v45;
	v0 =	vadd.f32 v6, v0;
	v5 =	vadd.f32 v60, v5  }
0x3a2: {  	v2 =	vadd.f32 v2, v3;
	[tilespmem:v58+s14+$0x0] =	vst.idx.msk $0xffff, v1  }
0x3a3: {  	v0 =	vadd.f32 v63, v0;
	[tilespmem:v59+s14+$0x0] =	vst.idx.msk $0xffff, v5  }
0x3a4: {  	[tilespmem:v61+s14+$0x0] =	vst.idx.msk $0xffff, v2  }
0x3a5: {  	[tilespmem:v62+s14+$0x0] =	vst.idx.msk $0xffff, v0  }
0x3a6: {  	v0 =	vld [tilespmem:s25+$0x271];
	_ =	sdelay $0x2  }
0x3a7: {  	s26 =	simm.s32 $0x0  }
0x3a8: {  	v1 =	vmov s26  }
0x3a9: {  	v1 =	vperm.xlane v0, v1;
	_ =	sdelay $0x1  }
0x3aa: {  	(v2sf) =	vpush v1, $0x0;
	_ =	sdelay $0x2  }
0x3ab: {  	s28 =	simm.s32 $0x1  }
0x3ac: {  	v1 =	vmov s28  }
0x3ad: {  	v1 =	vperm.xlane v0, v1;
	_ =	sdelay $0x1  }
0x3ae: {  	(v2sf) =	vpush v1, $0x0;
	_ =	sdelay $0x3  }
0x3af: {  	s29 =	simm.s32 $0x2  }
0x3b0: {  	s30 =	simm.s32 $0x3;
	v2 =	vmov s29  }
0x3b1: {  	v3 =	vmov s30;
	v2 =	vperm.xlane v0, v2  }
0x3b2: {  	v1 =	vperm.xlane v0, v3  }
0x3b3: {  	s3 =	spop (v2sf);
	(v2sf) =	vpush v2, $0x0  }
0x3b4: {  	(v2sf) =	vpush v1, $0x0  }
0x3b5: {  	s3 =	sshll.u32 s3, $0x4  }
0x3b6: {  	s3 =	sand.u32 $0x1FFFFFF0, s3  }
0x3b7: {  	s26 =	simm.s32 $0x4;
	s25 =	smov.u32 s23;
	s31 =	sadd.s32 s5, s3  }
0x3b8: {  	[hbm4b:s31+s2] =	stream.linear.scatter [tilespmem:s23], [sflag:$0x6], $0x80, $0x38;
	[tilespmem:$0x1E000] =	vst v63  }
.LBB2_13:
0x3b9: {  	p0 =	sne.s32 s26, $0xF  }
.Ltmp12:
0x3ba: {  	v1 =	vmov s26;
	s26 =	sadd.s32 $0x1, s26;
	s0 =	spop (v2sf);
	(pc) =	sbr.rel @p0 .LBB2_13-.Ltmp12, $4  }
0x3bb: {  	v1 =	vperm.xlane v0, v1;
	s0 =	sshll.u32 s0, $0x4  }
0x3bc: {  	s0 =	sand.u32 $0x1FFFFFF0, s0  }
0x3bd: {  	s25 =	sadd.s32 $0x80, s25;
	(v2sf) =	vpush v1, $0x0;
	s0 =	sadd.s32 s5, s0  }
0x3be: {  	[hbm4b:s0+s2] =	stream.linear.scatter [tilespmem:s25], [sflag:$0x6], $0x80, $0x38;
	[tilespmem:$0x1E000] =	vst v63  }
.Ltmp13:
0x3bf: {  	_ = 	snop;
	(pc) =	sbr.rel .LBB2_14-.Ltmp13, $1  }
0x3c0: {  	_ =	sdelay $0x3  }
.LBB2_18:
0x3c1: {  	_ =	sfence.sel $0x180000  }
0x3c2: {  	[bflag:$0x0] =	sbarrier.arrive $0xFFFF  }
0x3c3: {  	_ =	strace $0x90000047  }
0x3c4: {  	s0 =	stileid.u32;
	[bflag:$0x2] =	sbarrier.arrive $0xFFFF  }
0x3c5: {  	p0 =	sne.s32 s0, $0x0;
	s0 =	rddreg [dreg:$0x3]  }
0x3c6: {  	s0 =	sadd.s32 @!p0 $0x100000, s0  }
0x3c7: {  	[sflag:s0] =	ssyncadd.tile.s32 @!p0 $0x1;
	_ =	shalt  }
.Lfunc_end2:
_tile_overlayer_lowered:
.L_overlay_start_2:
0x3c8: {  	(tag) =	ssettag $0x2  }
0x3c9: {  	s0 =	rddreg [dreg:$0x0];
	s2 =	stileid.u32  }
0x3ca: {  	s1 =	rddreg [dreg:$0x1];
	p0 =	sne.s32 s2, $0x0  }
0x3cb: {  	s3 =	rddreg [dreg:$0x2];
	[bflag:$0x3] =	sbarrier.arrive $0xFFFF;
	s2 =	simm.s32 @!p0 $0x1C07  }
0x3cc: {  	[timem:s3], [sflag:s2] =	dma.local @!p0 [hbm:s0], s1  }
0x3cd: {  	s0 =	simm.s32 @!p0 $0x7  }
0x3ce: {  	_ =	swait.ge @!p0 [sflag:s0], s1  }
0x3cf: {  	s1 =	ssub.s32 @!p0 $0x0, s1;
	[sflag:s0] =	ssyncset.done @!p0 $0x0  }
0x3d0: {  	[sflag:s0] =	ssyncadd.s32 @!p0 s1  }
0x3d1: {  	[bflag:$0x3] =	sbarrier.arrive $0xFFFF  }
0x3d2: {  	_ =	shalt  }

</sc_bundles>
